<compile_context>
chip_gen: v7x
topology: tpu7x:2x2x1
jax: 0.10.2.dev20260603
libtpu: 0.0.44.dev20260713+nightly
codegen_flags: <defaults>
</compile_context>

<pallas_src>
import jax
import jax.numpy as jnp
from jax import lax
from jax.experimental import pallas as pl
from jax.experimental.pallas import tpu as pltpu
from jax.experimental.pallas import tpu_sc as plsc

P = 500000
D = 64
NB = 3
NC = 5
B = 400
NCHUNK = P // B
NW = 32
JROWS = 5
JB = B // JROWS
OW = 16 * (B // 2)

_BASE_N = NCHUNK // NW
_EXTRA = NCHUNK % NW
_MAXN = _BASE_N + (1 if _EXTRA else 0)


def _pair_basis(rows_u, rows_v, p, wv):
    uv = [rows_u[p, pl.ds(16 * k, 16)] * rows_v[p, pl.ds(16 * k, 16)]
          for k in range(D // 16)]
    bs = []
    for i in range(NB):
        t = uv[0] * wv[i][0]
        for k in range(1, D // 16):
            t = t + uv[k] * wv[i][k]
        bs.append(jnp.sum(t))
    return bs


def _sc_body(uf, vf, uidx, vidx, wb, wsb, out,
             uidx_v, vidx_v, urows, vrows, outb, wb_v, ws_v, sems):
    w = lax.axis_index("s") * 2 + lax.axis_index("c")
    nch = _BASE_N + jnp.where(w < _EXTRA, 1, 0)
    ch0 = w * _BASE_N + jnp.minimum(w, _EXTRA)

    pltpu.sync_copy(wb, wb_v)
    pltpu.sync_copy(wsb, ws_v)

    def start_gathers(ci, s):
        pltpu.sync_copy(uidx.at[pl.ds(ci * B, B)], uidx_v.at[s])
        pltpu.sync_copy(vidx.at[pl.ds(ci * B, B)], vidx_v.at[s])
        for j in range(JROWS):
            pltpu.async_copy(uf.at[uidx_v.at[s, pl.ds(j * JB, JB)]],
                             urows.at[s, pl.ds(j * JB, JB)], sems.at[s])
            pltpu.async_copy(vf.at[vidx_v.at[s, pl.ds(j * JB, JB)]],
                             vrows.at[s, pl.ds(j * JB, JB)], sems.at[s])

    def wait_gathers(s):
        for j in range(JROWS):
            pltpu.make_async_copy(uf.at[uidx_v.at[s, pl.ds(j * JB, JB)]],
                                  urows.at[s, pl.ds(j * JB, JB)],
                                  sems.at[s]).wait()
            pltpu.make_async_copy(vf.at[vidx_v.at[s, pl.ds(j * JB, JB)]],
                                  vrows.at[s, pl.ds(j * JB, JB)],
                                  sems.at[s]).wait()

    def compute(ci, s):
        wv = [[wb_v[pl.ds((i * (D // 16) + k) * 128, 16)]
               for k in range(D // 16)] for i in range(NB)]
        wsd = [ws_v[pl.ds(i * 128, 16)] for i in range(NB)]
        lo_half = jnp.arange(16, dtype=jnp.int32) < 8
        carry0 = (tuple(tuple(wvi) for wvi in wv), tuple(wsd), lo_half)

        def pair_body(j, carry):
            cwv, cwsd, clo = carry
            b0 = _pair_basis(urows.at[s], vrows.at[s], 2 * j, cwv)
            b1 = _pair_basis(urows.at[s], vrows.at[s], 2 * j + 1, cwv)
            ovec = jnp.zeros((16,), jnp.float32)
            for i in range(NB):
                bc = jnp.where(clo, jnp.full((16,), b0[i], jnp.float32),
                               jnp.full((16,), b1[i], jnp.float32))
                ovec = ovec + bc * cwsd[i]
            outb[pl.ds(16 * j, 16)] = ovec
            return carry

        lax.fori_loop(0, B // 2, pair_body, carry0, unroll=False)
        pltpu.sync_copy(outb, out.at[pl.ds(ci * OW, OW)])

    start_gathers(ch0, 0)

    def two_chunks(k2, _):
        c0 = ch0 + 2 * k2

        @pl.when(2 * k2 < nch)
        def _slot0():
            wait_gathers(0)

            @pl.when(2 * k2 + 1 < nch)
            def _pre1():
                start_gathers(c0 + 1, 1)

            compute(c0, 0)

        @pl.when(2 * k2 + 1 < nch)
        def _slot1():
            wait_gathers(1)

            @pl.when(2 * k2 + 2 < nch)
            def _pre0():
                start_gathers(c0 + 2, 0)

            compute(c0 + 1, 1)

        return _

    lax.fori_loop(0, (_MAXN + 1) // 2, two_chunks, 0, unroll=False)


def kernel(u_features, v_features, u_indices, v_indices, weights,
           weights_scalars):
    wb = jnp.pad(weights.reshape(NB * (D // 16), 16),
                 ((0, 0), (0, 112))).reshape(-1)
    ws8 = jnp.pad(weights_scalars, ((0, 0), (0, 3)))
    wsd = jnp.concatenate([ws8, ws8], axis=1)
    wsb = jnp.pad(wsd, ((0, 0), (0, 112))).reshape(-1)

    mesh = plsc.VectorSubcoreMesh(core_axis_name="c", subcore_axis_name="s")
    f = pl.kernel(
        _sc_body,
        out_type=jax.ShapeDtypeStruct((P * 8,), jnp.float32),
        mesh=mesh,
        compiler_params=pltpu.CompilerParams(
            needs_layout_passes=False, use_tc_tiling_on_sc=False),
        scratch_types=[
            pltpu.VMEM((2, B), jnp.int32),
            pltpu.VMEM((2, B), jnp.int32),
            pltpu.VMEM((2, B, D), jnp.float32),
            pltpu.VMEM((2, B, D), jnp.float32),
            pltpu.VMEM((OW,), jnp.float32),
            pltpu.VMEM((NB * (D // 16) * 128,), jnp.float32),
            pltpu.VMEM((NB * 128,), jnp.float32),
            pltpu.SemaphoreType.DMA((2,)),
        ],
    )
    res = f(u_features, v_features, u_indices, v_indices, wb, wsb)
    return res.reshape(P, 8)[:, :NC]

# --- scband reference (transcript-rebuilt; emitter-appended) ---
"""Pipeline reference for scband-bilinear-mixture-17489106829754 (READ-ONLY COPY).

The authoritative reference and input builder live on the scoring server;
editing this copy changes nothing except your own understanding.
"""

import jax, jax.numpy as jnp
import numpy as np

NUM_USERS = 100000
NUM_ITEMS = 100000
INPUT_DIM = 64
NUM_CLASSES = 5
NUM_WEIGHTS = 3
N_PAIRS = 500000


def setup_inputs(seed: int = 0) -> dict:
    key = jax.random.key(seed)
    k1, k2, k3, k4, k5, k6 = jax.random.split(key, 6)
    u_features = jax.random.normal(k1, (NUM_USERS, INPUT_DIM), dtype=jnp.float32)
    v_features = jax.random.normal(k2, (NUM_ITEMS, INPUT_DIM), dtype=jnp.float32)
    u_indices = jax.random.randint(k3, (N_PAIRS,), 0, NUM_USERS, dtype=jnp.int32)
    v_indices = jax.random.randint(k4, (N_PAIRS,), 0, NUM_ITEMS, dtype=jnp.int32)
    # learned parameters (diagonal=True -> per-basis diagonal weight vectors)
    weights = jax.random.normal(k5, (NUM_WEIGHTS, INPUT_DIM), dtype=jnp.float32) * 0.1
    weights_scalars = jax.random.normal(k6, (NUM_WEIGHTS, NUM_CLASSES), dtype=jnp.float32) * 0.1
    return {
        "u_features": u_features,
        "v_features": v_features,
        "u_indices": u_indices,
        "v_indices": v_indices,
        "weights": weights,
        "weights_scalars": weights_scalars,
    }


def reference(u_features, v_features, u_indices, v_indices, weights, weights_scalars):
    # gather user/item embeddings for each rating pair (SparseCore gather)
    u_inputs = jnp.take(u_features, u_indices, axis=0)  # [P, D]
    v_inputs = jnp.take(v_features, v_indices, axis=0)  # [P, D]
    basis_outputs = []
    for i in range(NUM_WEIGHTS):
        # diagonal bilinear form: sum_d u_d * w_d * v_d
        u_w = u_inputs * weights[i][None, :]
        x = jnp.sum(u_w * v_inputs, axis=1)  # [P]
        basis_outputs.append(x)
    basis = jnp.stack(basis_outputs, axis=1)  # [P, NUM_WEIGHTS]
    outputs = basis @ weights_scalars  # [P, NUM_CLASSES]
    # activation=None -> linear (keras identity)
    return outputs

if __name__ == "__main__":
    import jax
    _d = setup_inputs()
    print(jax.jit(kernel)(*tuple(_d.values())))

</pallas_src>

<mosaic_0001>
#map = affine_map<(d0, d1) -> (0, 0)>
#map1 = affine_map<(d0, d1) -> (0)>
module attributes {stable_mosaic.version = 14 : i64} {
  func.func @_sc_body(%arg0: i32, %arg1: i32, %arg2: memref<100000x64xf32, #tpu.memory_space<hbm>>, %arg3: memref<100000x64xf32, #tpu.memory_space<hbm>>, %arg4: memref<500000xi32, #tpu.memory_space<hbm>>, %arg5: memref<500000xi32, #tpu.memory_space<hbm>>, %arg6: memref<1536xf32, #tpu.memory_space<hbm>>, %arg7: memref<384xf32, #tpu.memory_space<hbm>>, %arg8: memref<4000000xf32, #tpu.memory_space<hbm>>, %arg9: memref<2x400xi32, #tpu.memory_space<vmem>>, %arg10: memref<2x400xi32, #tpu.memory_space<vmem>>, %arg11: memref<2x400x64xf32, #tpu.memory_space<vmem>>, %arg12: memref<2x400x64xf32, #tpu.memory_space<vmem>>, %arg13: memref<3200xf32, #tpu.memory_space<vmem>>, %arg14: memref<1536xf32, #tpu.memory_space<vmem>>, %arg15: memref<384xf32, #tpu.memory_space<vmem>>, %arg16: memref<2x!tpu.dma_semaphore, #tpu.memory_space<semaphore_mem>>) attributes {dimension_semantics = [#tpu.dimension_semantics<core_parallel>, #tpu.dimension_semantics<subcore_parallel>], iteration_bounds = array<i64: 2, 16>, scalar_prefetch = 0 : i64, scratch_operands = 8 : i64, tpu.core_type = #tpu.core_type<sc_vector_subcore>, window_params = [{transform_indices = #map}, {transform_indices = #map}, {transform_indices = #map1}, {transform_indices = #map1}, {transform_indices = #map1}, {transform_indices = #map1}, {transform_indices = #map1}]} {
    %mul3A = arith.constant 2 : i32
    %mul3A_0 = arith.muli %arg1, %mul3A : i32
    %add3A = arith.addi %mul3A_0, %arg0 : i32
    %lt3A = arith.constant 2 : i32
    %lt3A_1 = arith.cmpi slt, %add3A, %lt3A : i32
    %jit3A = arith.constant 1 : i32
    %jit3A_2 = arith.constant 0 : i32
    %select_n3A = arith.select %lt3A_1, %jit3A, %jit3A_2 : i32
    %add3A_3 = arith.constant 39 : i32
    %add3A_4 = arith.addi %add3A_3, %select_n3A : i32
    %mul3A_5 = arith.constant 39 : i32
    %mul3A_6 = arith.muli %add3A, %mul3A_5 : i32
    %min3A = arith.constant 2 : i32
    %min3A_7 = arith.minsi %add3A, %min3A : i32
    %add3A_8 = arith.addi %mul3A_6, %min3A_7 : i32
    "tpu.region"() ({
      %run_scoped3A_168 = tpu.sem_alloc : memref<!tpu.dma_semaphore, #tpu.memory_space<semaphore_mem>>
      tpu.enqueue_dma source(%arg6 : memref<1536xf32, #tpu.memory_space<hbm>>) target(%arg14 : memref<1536xf32, #tpu.memory_space<vmem>>) target_semaphore(%run_scoped3A_168 : memref<!tpu.dma_semaphore, #tpu.memory_space<semaphore_mem>>)
      tpu.wait_dma2 semaphore(%run_scoped3A_168 : memref<!tpu.dma_semaphore, #tpu.memory_space<semaphore_mem>>) src(%arg6 : memref<1536xf32, #tpu.memory_space<hbm>>) dst(%arg14 : memref<1536xf32, #tpu.memory_space<vmem>>)
      tpu.yield
    }) : () -> ()
    "tpu.region"() ({
      %run_scoped3A_168 = tpu.sem_alloc : memref<!tpu.dma_semaphore, #tpu.memory_space<semaphore_mem>>
      tpu.enqueue_dma source(%arg7 : memref<384xf32, #tpu.memory_space<hbm>>) target(%arg15 : memref<384xf32, #tpu.memory_space<vmem>>) target_semaphore(%run_scoped3A_168 : memref<!tpu.dma_semaphore, #tpu.memory_space<semaphore_mem>>)
      tpu.wait_dma2 semaphore(%run_scoped3A_168 : memref<!tpu.dma_semaphore, #tpu.memory_space<semaphore_mem>>) src(%arg7 : memref<384xf32, #tpu.memory_space<hbm>>) dst(%arg15 : memref<384xf32, #tpu.memory_space<vmem>>)
      tpu.yield
    }) : () -> ()
    %mul3A_9 = arith.constant 400 : i32
    %mul3A_10 = arith.muli %add3A_8, %mul3A_9 : i32
    %run_scoped3A = arith.constant 0 : i32
    "tpu.region"() ({
      %run_scoped3A_168 = tpu.sem_alloc : memref<!tpu.dma_semaphore, #tpu.memory_space<semaphore_mem>>
      %dma_start3A_169 = arith.constant 0 : i32
      %dma_start3A_170 = tpu.memref_slice %arg9[%run_scoped3A, %dma_start3A_169] : memref<2x400xi32, #tpu.memory_space<vmem>> -> memref<1x400xi32, #tpu.memory_space<vmem>>
      %dma_start3A_171 = tpu.memref_squeeze %dma_start3A_170 : memref<1x400xi32, #tpu.memory_space<vmem>> -> memref<400xi32, #tpu.memory_space<vmem>>
      %dma_start3A_172 = tpu.memref_slice %arg4[%mul3A_10] : memref<500000xi32, #tpu.memory_space<hbm>> -> memref<400xi32, #tpu.memory_space<hbm>>
      %dma_start3A_173 = arith.constant 0 : i32
      %dma_start3A_174 = tpu.memref_slice %arg9[%run_scoped3A, %dma_start3A_173] : memref<2x400xi32, #tpu.memory_space<vmem>> -> memref<1x400xi32, #tpu.memory_space<vmem>>
      %dma_start3A_175 = tpu.memref_squeeze %dma_start3A_174 : memref<1x400xi32, #tpu.memory_space<vmem>> -> memref<400xi32, #tpu.memory_space<vmem>>
      %dma_start3A_176 = tpu.memref_slice %arg4[%mul3A_10] : memref<500000xi32, #tpu.memory_space<hbm>> -> memref<400xi32, #tpu.memory_space<hbm>>
      tpu.enqueue_dma source(%dma_start3A_176 : memref<400xi32, #tpu.memory_space<hbm>>) target(%dma_start3A_175 : memref<400xi32, #tpu.memory_space<vmem>>) target_semaphore(%run_scoped3A_168 : memref<!tpu.dma_semaphore, #tpu.memory_space<semaphore_mem>>)
      %dma_wait3A = arith.constant 0 : i32
      %dma_wait3A_177 = tpu.memref_slice %arg9[%run_scoped3A, %dma_wait3A] : memref<2x400xi32, #tpu.memory_space<vmem>> -> memref<1x400xi32, #tpu.memory_space<vmem>>
      %dma_wait3A_178 = tpu.memref_squeeze %dma_wait3A_177 : memref<1x400xi32, #tpu.memory_space<vmem>> -> memref<400xi32, #tpu.memory_space<vmem>>
      %dma_wait3A_179 = tpu.memref_slice %arg4[%mul3A_10] : memref<500000xi32, #tpu.memory_space<hbm>> -> memref<400xi32, #tpu.memory_space<hbm>>
      %dma_wait3A_180 = arith.constant 0 : i32
      %dma_wait3A_181 = tpu.memref_slice %arg9[%run_scoped3A, %dma_wait3A_180] : memref<2x400xi32, #tpu.memory_space<vmem>> -> memref<1x400xi32, #tpu.memory_space<vmem>>
      %dma_wait3A_182 = tpu.memref_squeeze %dma_wait3A_181 : memref<1x400xi32, #tpu.memory_space<vmem>> -> memref<400xi32, #tpu.memory_space<vmem>>
      %dma_wait3A_183 = tpu.memref_slice %arg4[%mul3A_10] : memref<500000xi32, #tpu.memory_space<hbm>> -> memref<400xi32, #tpu.memory_space<hbm>>
      tpu.wait_dma2 semaphore(%run_scoped3A_168 : memref<!tpu.dma_semaphore, #tpu.memory_space<semaphore_mem>>) src(%dma_wait3A_183 : memref<400xi32, #tpu.memory_space<hbm>>) dst(%dma_wait3A_182 : memref<400xi32, #tpu.memory_space<vmem>>)
      tpu.yield
    }) : () -> ()
    %mul3A_11 = arith.constant 400 : i32
    %mul3A_12 = arith.muli %add3A_8, %mul3A_11 : i32
    %run_scoped3A_13 = arith.constant 0 : i32
    "tpu.region"() ({
      %run_scoped3A_168 = tpu.sem_alloc : memref<!tpu.dma_semaphore, #tpu.memory_space<semaphore_mem>>
      %dma_start3A_169 = arith.constant 0 : i32
      %dma_start3A_170 = tpu.memref_slice %arg10[%run_scoped3A_13, %dma_start3A_169] : memref<2x400xi32, #tpu.memory_space<vmem>> -> memref<1x400xi32, #tpu.memory_space<vmem>>
      %dma_start3A_171 = tpu.memref_squeeze %dma_start3A_170 : memref<1x400xi32, #tpu.memory_space<vmem>> -> memref<400xi32, #tpu.memory_space<vmem>>
      %dma_start3A_172 = tpu.memref_slice %arg5[%mul3A_12] : memref<500000xi32, #tpu.memory_space<hbm>> -> memref<400xi32, #tpu.memory_space<hbm>>
      %dma_start3A_173 = arith.constant 0 : i32
      %dma_start3A_174 = tpu.memref_slice %arg10[%run_scoped3A_13, %dma_start3A_173] : memref<2x400xi32, #tpu.memory_space<vmem>> -> memref<1x400xi32, #tpu.memory_space<vmem>>
      %dma_start3A_175 = tpu.memref_squeeze %dma_start3A_174 : memref<1x400xi32, #tpu.memory_space<vmem>> -> memref<400xi32, #tpu.memory_space<vmem>>
      %dma_start3A_176 = tpu.memref_slice %arg5[%mul3A_12] : memref<500000xi32, #tpu.memory_space<hbm>> -> memref<400xi32, #tpu.memory_space<hbm>>
      tpu.enqueue_dma source(%dma_start3A_176 : memref<400xi32, #tpu.memory_space<hbm>>) target(%dma_start3A_175 : memref<400xi32, #tpu.memory_space<vmem>>) target_semaphore(%run_scoped3A_168 : memref<!tpu.dma_semaphore, #tpu.memory_space<semaphore_mem>>)
      %dma_wait3A = arith.constant 0 : i32
      %dma_wait3A_177 = tpu.memref_slice %arg10[%run_scoped3A_13, %dma_wait3A] : memref<2x400xi32, #tpu.memory_space<vmem>> -> memref<1x400xi32, #tpu.memory_space<vmem>>
      %dma_wait3A_178 = tpu.memref_squeeze %dma_wait3A_177 : memref<1x400xi32, #tpu.memory_space<vmem>> -> memref<400xi32, #tpu.memory_space<vmem>>
      %dma_wait3A_179 = tpu.memref_slice %arg5[%mul3A_12] : memref<500000xi32, #tpu.memory_space<hbm>> -> memref<400xi32, #tpu.memory_space<hbm>>
      %dma_wait3A_180 = arith.constant 0 : i32
      %dma_wait3A_181 = tpu.memref_slice %arg10[%run_scoped3A_13, %dma_wait3A_180] : memref<2x400xi32, #tpu.memory_space<vmem>> -> memref<1x400xi32, #tpu.memory_space<vmem>>
      %dma_wait3A_182 = tpu.memref_squeeze %dma_wait3A_181 : memref<1x400xi32, #tpu.memory_space<vmem>> -> memref<400xi32, #tpu.memory_space<vmem>>
      %dma_wait3A_183 = tpu.memref_slice %arg5[%mul3A_12] : memref<500000xi32, #tpu.memory_space<hbm>> -> memref<400xi32, #tpu.memory_space<hbm>>
      tpu.wait_dma2 semaphore(%run_scoped3A_168 : memref<!tpu.dma_semaphore, #tpu.memory_space<semaphore_mem>>) src(%dma_wait3A_183 : memref<400xi32, #tpu.memory_space<hbm>>) dst(%dma_wait3A_182 : memref<400xi32, #tpu.memory_space<vmem>>)
      tpu.yield
    }) : () -> ()
    %dma_start3A = arith.constant 0 : i32
    %dma_start3A_14 = arith.constant 0 : i32
    %dma_start3A_15 = arith.constant 0 : i32
    %dma_start3A_16 = arith.constant 0 : i32
    %dma_start3A_17 = arith.constant 0 : i32
    %dma_start3A_18 = tpu.memref_slice %arg11[%dma_start3A_14, %dma_start3A_16, %dma_start3A_17] : memref<2x400x64xf32, #tpu.memory_space<vmem>> -> memref<1x80x64xf32, #tpu.memory_space<vmem>>
    %dma_start3A_19 = tpu.memref_squeeze %dma_start3A_18 : memref<1x80x64xf32, #tpu.memory_space<vmem>> -> memref<80x64xf32, #tpu.memory_space<vmem>>
    %dma_start3A_20 = arith.constant 0 : i32
    %dma_start3A_21 = tpu.memref_slice %arg9[%dma_start3A, %dma_start3A_20] : memref<2x400xi32, #tpu.memory_space<vmem>> -> memref<1x80xi32, #tpu.memory_space<vmem>>
    %dma_start3A_22 = tpu.memref_squeeze %dma_start3A_21 : memref<1x80xi32, #tpu.memory_space<vmem>> -> memref<80xi32, #tpu.memory_space<vmem>>
    %dma_start3A_23 = arith.constant 0 : i32
    %dma_start3A_24 = arith.constant 0 : i32
    %dma_start3A_25 = tpu.memref_slice %arg2[%dma_start3A_23, %dma_start3A_24] : memref<100000x64xf32, #tpu.memory_space<hbm>> -> memref<100000x64xf32, #tpu.memory_space<hbm>>
    %dma_start3A_26 = tpu.memref_slice %arg16[%dma_start3A_15] : memref<2x!tpu.dma_semaphore, #tpu.memory_space<semaphore_mem>> -> memref<1x!tpu.dma_semaphore, #tpu.memory_space<semaphore_mem>>
    %dma_start3A_27 = tpu.memref_squeeze %dma_start3A_26 : memref<1x!tpu.dma_semaphore, #tpu.memory_space<semaphore_mem>> -> memref<!tpu.dma_semaphore, #tpu.memory_space<semaphore_mem>>
    tpu.enqueue_indirect_dma source(%dma_start3A_25 : memref<100000x64xf32, #tpu.memory_space<hbm>>) target(%dma_start3A_19 : memref<80x64xf32, #tpu.memory_space<vmem>>) offsets(%dma_start3A_22 : memref<80xi32, #tpu.memory_space<vmem>>) semaphore(%dma_start3A_27 : memref<!tpu.dma_semaphore, #tpu.memory_space<semaphore_mem>>)
    %dma_start3A_28 = arith.constant 0 : i32
    %dma_start3A_29 = arith.constant 0 : i32
    %dma_start3A_30 = arith.constant 0 : i32
    %dma_start3A_31 = arith.constant 0 : i32
    %dma_start3A_32 = arith.constant 0 : i32
    %dma_start3A_33 = tpu.memref_slice %arg12[%dma_start3A_29, %dma_start3A_31, %dma_start3A_32] : memref<2x400x64xf32, #tpu.memory_space<vmem>> -> memref<1x80x64xf32, #tpu.memory_space<vmem>>
    %dma_start3A_34 = tpu.memref_squeeze %dma_start3A_33 : memref<1x80x64xf32, #tpu.memory_space<vmem>> -> memref<80x64xf32, #tpu.memory_space<vmem>>
    %dma_start3A_35 = arith.constant 0 : i32
    %dma_start3A_36 = tpu.memref_slice %arg10[%dma_start3A_28, %dma_start3A_35] : memref<2x400xi32, #tpu.memory_space<vmem>> -> memref<1x80xi32, #tpu.memory_space<vmem>>
    %dma_start3A_37 = tpu.memref_squeeze %dma_start3A_36 : memref<1x80xi32, #tpu.memory_space<vmem>> -> memref<80xi32, #tpu.memory_space<vmem>>
    %dma_start3A_38 = arith.constant 0 : i32
    %dma_start3A_39 = arith.constant 0 : i32
    %dma_start3A_40 = tpu.memref_slice %arg3[%dma_start3A_38, %dma_start3A_39] : memref<100000x64xf32, #tpu.memory_space<hbm>> -> memref<100000x64xf32, #tpu.memory_space<hbm>>
    %dma_start3A_41 = tpu.memref_slice %arg16[%dma_start3A_30] : memref<2x!tpu.dma_semaphore, #tpu.memory_space<semaphore_mem>> -> memref<1x!tpu.dma_semaphore, #tpu.memory_space<semaphore_mem>>
    %dma_start3A_42 = tpu.memref_squeeze %dma_start3A_41 : memref<1x!tpu.dma_semaphore, #tpu.memory_space<semaphore_mem>> -> memref<!tpu.dma_semaphore, #tpu.memory_space<semaphore_mem>>
    tpu.enqueue_indirect_dma source(%dma_start3A_40 : memref<100000x64xf32, #tpu.memory_space<hbm>>) target(%dma_start3A_34 : memref<80x64xf32, #tpu.memory_space<vmem>>) offsets(%dma_start3A_37 : memref<80xi32, #tpu.memory_space<vmem>>) semaphore(%dma_start3A_42 : memref<!tpu.dma_semaphore, #tpu.memory_space<semaphore_mem>>)
    %dma_start3A_43 = arith.constant 0 : i32
    %dma_start3A_44 = arith.constant 0 : i32
    %dma_start3A_45 = arith.constant 0 : i32
    %dma_start3A_46 = arith.constant 80 : i32
    %dma_start3A_47 = arith.constant 0 : i32
    %dma_start3A_48 = tpu.memref_slice %arg11[%dma_start3A_44, %dma_start3A_46, %dma_start3A_47] : memref<2x400x64xf32, #tpu.memory_space<vmem>> -> memref<1x80x64xf32, #tpu.memory_space<vmem>>
    %dma_start3A_49 = tpu.memref_squeeze %dma_start3A_48 : memref<1x80x64xf32, #tpu.memory_space<vmem>> -> memref<80x64xf32, #tpu.memory_space<vmem>>
    %dma_start3A_50 = arith.constant 80 : i32
    %dma_start3A_51 = tpu.memref_slice %arg9[%dma_start3A_43, %dma_start3A_50] : memref<2x400xi32, #tpu.memory_space<vmem>> -> memref<1x80xi32, #tpu.memory_space<vmem>>
    %dma_start3A_52 = tpu.memref_squeeze %dma_start3A_51 : memref<1x80xi32, #tpu.memory_space<vmem>> -> memref<80xi32, #tpu.memory_space<vmem>>
    %dma_start3A_53 = arith.constant 0 : i32
    %dma_start3A_54 = arith.constant 0 : i32
    %dma_start3A_55 = tpu.memref_slice %arg2[%dma_start3A_53, %dma_start3A_54] : memref<100000x64xf32, #tpu.memory_space<hbm>> -> memref<100000x64xf32, #tpu.memory_space<hbm>>
    %dma_start3A_56 = tpu.memref_slice %arg16[%dma_start3A_45] : memref<2x!tpu.dma_semaphore, #tpu.memory_space<semaphore_mem>> -> memref<1x!tpu.dma_semaphore, #tpu.memory_space<semaphore_mem>>
    %dma_start3A_57 = tpu.memref_squeeze %dma_start3A_56 : memref<1x!tpu.dma_semaphore, #tpu.memory_space<semaphore_mem>> -> memref<!tpu.dma_semaphore, #tpu.memory_space<semaphore_mem>>
    tpu.enqueue_indirect_dma source(%dma_start3A_55 : memref<100000x64xf32, #tpu.memory_space<hbm>>) target(%dma_start3A_49 : memref<80x64xf32, #tpu.memory_space<vmem>>) offsets(%dma_start3A_52 : memref<80xi32, #tpu.memory_space<vmem>>) semaphore(%dma_start3A_57 : memref<!tpu.dma_semaphore, #tpu.memory_space<semaphore_mem>>)
    %dma_start3A_58 = arith.constant 0 : i32
    %dma_start3A_59 = arith.constant 0 : i32
    %dma_start3A_60 = arith.constant 0 : i32
    %dma_start3A_61 = arith.constant 80 : i32
    %dma_start3A_62 = arith.constant 0 : i32
    %dma_start3A_63 = tpu.memref_slice %arg12[%dma_start3A_59, %dma_start3A_61, %dma_start3A_62] : memref<2x400x64xf32, #tpu.memory_space<vmem>> -> memref<1x80x64xf32, #tpu.memory_space<vmem>>
    %dma_start3A_64 = tpu.memref_squeeze %dma_start3A_63 : memref<1x80x64xf32, #tpu.memory_space<vmem>> -> memref<80x64xf32, #tpu.memory_space<vmem>>
    %dma_start3A_65 = arith.constant 80 : i32
    %dma_start3A_66 = tpu.memref_slice %arg10[%dma_start3A_58, %dma_start3A_65] : memref<2x400xi32, #tpu.memory_space<vmem>> -> memref<1x80xi32, #tpu.memory_space<vmem>>
    %dma_start3A_67 = tpu.memref_squeeze %dma_start3A_66 : memref<1x80xi32, #tpu.memory_space<vmem>> -> memref<80xi32, #tpu.memory_space<vmem>>
    %dma_start3A_68 = arith.constant 0 : i32
    %dma_start3A_69 = arith.constant 0 : i32
    %dma_start3A_70 = tpu.memref_slice %arg3[%dma_start3A_68, %dma_start3A_69] : memref<100000x64xf32, #tpu.memory_space<hbm>> -> memref<100000x64xf32, #tpu.memory_space<hbm>>
    %dma_start3A_71 = tpu.memref_slice %arg16[%dma_start3A_60] : memref<2x!tpu.dma_semaphore, #tpu.memory_space<semaphore_mem>> -> memref<1x!tpu.dma_semaphore, #tpu.memory_space<semaphore_mem>>
    %dma_start3A_72 = tpu.memref_squeeze %dma_start3A_71 : memref<1x!tpu.dma_semaphore, #tpu.memory_space<semaphore_mem>> -> memref<!tpu.dma_semaphore, #tpu.memory_space<semaphore_mem>>
    tpu.enqueue_indirect_dma source(%dma_start3A_70 : memref<100000x64xf32, #tpu.memory_space<hbm>>) target(%dma_start3A_64 : memref<80x64xf32, #tpu.memory_space<vmem>>) offsets(%dma_start3A_67 : memref<80xi32, #tpu.memory_space<vmem>>) semaphore(%dma_start3A_72 : memref<!tpu.dma_semaphore, #tpu.memory_space<semaphore_mem>>)
    %dma_start3A_73 = arith.constant 0 : i32
    %dma_start3A_74 = arith.constant 0 : i32
    %dma_start3A_75 = arith.constant 0 : i32
    %dma_start3A_76 = arith.constant 160 : i32
    %dma_start3A_77 = arith.constant 0 : i32
    %dma_start3A_78 = tpu.memref_slice %arg11[%dma_start3A_74, %dma_start3A_76, %dma_start3A_77] : memref<2x400x64xf32, #tpu.memory_space<vmem>> -> memref<1x80x64xf32, #tpu.memory_space<vmem>>
    %dma_start3A_79 = tpu.memref_squeeze %dma_start3A_78 : memref<1x80x64xf32, #tpu.memory_space<vmem>> -> memref<80x64xf32, #tpu.memory_space<vmem>>
    %dma_start3A_80 = arith.constant 160 : i32
    %dma_start3A_81 = tpu.memref_slice %arg9[%dma_start3A_73, %dma_start3A_80] : memref<2x400xi32, #tpu.memory_space<vmem>> -> memref<1x80xi32, #tpu.memory_space<vmem>>
    %dma_start3A_82 = tpu.memref_squeeze %dma_start3A_81 : memref<1x80xi32, #tpu.memory_space<vmem>> -> memref<80xi32, #tpu.memory_space<vmem>>
    %dma_start3A_83 = arith.constant 0 : i32
    %dma_start3A_84 = arith.constant 0 : i32
    %dma_start3A_85 = tpu.memref_slice %arg2[%dma_start3A_83, %dma_start3A_84] : memref<100000x64xf32, #tpu.memory_space<hbm>> -> memref<100000x64xf32, #tpu.memory_space<hbm>>
    %dma_start3A_86 = tpu.memref_slice %arg16[%dma_start3A_75] : memref<2x!tpu.dma_semaphore, #tpu.memory_space<semaphore_mem>> -> memref<1x!tpu.dma_semaphore, #tpu.memory_space<semaphore_mem>>
    %dma_start3A_87 = tpu.memref_squeeze %dma_start3A_86 : memref<1x!tpu.dma_semaphore, #tpu.memory_space<semaphore_mem>> -> memref<!tpu.dma_semaphore, #tpu.memory_space<semaphore_mem>>
    tpu.enqueue_indirect_dma source(%dma_start3A_85 : memref<100000x64xf32, #tpu.memory_space<hbm>>) target(%dma_start3A_79 : memref<80x64xf32, #tpu.memory_space<vmem>>) offsets(%dma_start3A_82 : memref<80xi32, #tpu.memory_space<vmem>>) semaphore(%dma_start3A_87 : memref<!tpu.dma_semaphore, #tpu.memory_space<semaphore_mem>>)
    %dma_start3A_88 = arith.constant 0 : i32
    %dma_start3A_89 = arith.constant 0 : i32
    %dma_start3A_90 = arith.constant 0 : i32
    %dma_start3A_91 = arith.constant 160 : i32
    %dma_start3A_92 = arith.constant 0 : i32
    %dma_start3A_93 = tpu.memref_slice %arg12[%dma_start3A_89, %dma_start3A_91, %dma_start3A_92] : memref<2x400x64xf32, #tpu.memory_space<vmem>> -> memref<1x80x64xf32, #tpu.memory_space<vmem>>
    %dma_start3A_94 = tpu.memref_squeeze %dma_start3A_93 : memref<1x80x64xf32, #tpu.memory_space<vmem>> -> memref<80x64xf32, #tpu.memory_space<vmem>>
    %dma_start3A_95 = arith.constant 160 : i32
    %dma_start3A_96 = tpu.memref_slice %arg10[%dma_start3A_88, %dma_start3A_95] : memref<2x400xi32, #tpu.memory_space<vmem>> -> memref<1x80xi32, #tpu.memory_space<vmem>>
    %dma_start3A_97 = tpu.memref_squeeze %dma_start3A_96 : memref<1x80xi32, #tpu.memory_space<vmem>> -> memref<80xi32, #tpu.memory_space<vmem>>
    %dma_start3A_98 = arith.constant 0 : i32
    %dma_start3A_99 = arith.constant 0 : i32
    %dma_start3A_100 = tpu.memref_slice %arg3[%dma_start3A_98, %dma_start3A_99] : memref<100000x64xf32, #tpu.memory_space<hbm>> -> memref<100000x64xf32, #tpu.memory_space<hbm>>
    %dma_start3A_101 = tpu.memref_slice %arg16[%dma_start3A_90] : memref<2x!tpu.dma_semaphore, #tpu.memory_space<semaphore_mem>> -> memref<1x!tpu.dma_semaphore, #tpu.memory_space<semaphore_mem>>
    %dma_start3A_102 = tpu.memref_squeeze %dma_start3A_101 : memref<1x!tpu.dma_semaphore, #tpu.memory_space<semaphore_mem>> -> memref<!tpu.dma_semaphore, #tpu.memory_space<semaphore_mem>>
    tpu.enqueue_indirect_dma source(%dma_start3A_100 : memref<100000x64xf32, #tpu.memory_space<hbm>>) target(%dma_start3A_94 : memref<80x64xf32, #tpu.memory_space<vmem>>) offsets(%dma_start3A_97 : memref<80xi32, #tpu.memory_space<vmem>>) semaphore(%dma_start3A_102 : memref<!tpu.dma_semaphore, #tpu.memory_space<semaphore_mem>>)
    %dma_start3A_103 = arith.constant 0 : i32
    %dma_start3A_104 = arith.constant 0 : i32
    %dma_start3A_105 = arith.constant 0 : i32
    %dma_start3A_106 = arith.constant 240 : i32
    %dma_start3A_107 = arith.constant 0 : i32
    %dma_start3A_108 = tpu.memref_slice %arg11[%dma_start3A_104, %dma_start3A_106, %dma_start3A_107] : memref<2x400x64xf32, #tpu.memory_space<vmem>> -> memref<1x80x64xf32, #tpu.memory_space<vmem>>
    %dma_start3A_109 = tpu.memref_squeeze %dma_start3A_108 : memref<1x80x64xf32, #tpu.memory_space<vmem>> -> memref<80x64xf32, #tpu.memory_space<vmem>>
    %dma_start3A_110 = arith.constant 240 : i32
    %dma_start3A_111 = tpu.memref_slice %arg9[%dma_start3A_103, %dma_start3A_110] : memref<2x400xi32, #tpu.memory_space<vmem>> -> memref<1x80xi32, #tpu.memory_space<vmem>>
    %dma_start3A_112 = tpu.memref_squeeze %dma_start3A_111 : memref<1x80xi32, #tpu.memory_space<vmem>> -> memref<80xi32, #tpu.memory_space<vmem>>
    %dma_start3A_113 = arith.constant 0 : i32
    %dma_start3A_114 = arith.constant 0 : i32
    %dma_start3A_115 = tpu.memref_slice %arg2[%dma_start3A_113, %dma_start3A_114] : memref<100000x64xf32, #tpu.memory_space<hbm>> -> memref<100000x64xf32, #tpu.memory_space<hbm>>
    %dma_start3A_116 = tpu.memref_slice %arg16[%dma_start3A_105] : memref<2x!tpu.dma_semaphore, #tpu.memory_space<semaphore_mem>> -> memref<1x!tpu.dma_semaphore, #tpu.memory_space<semaphore_mem>>
    %dma_start3A_117 = tpu.memref_squeeze %dma_start3A_116 : memref<1x!tpu.dma_semaphore, #tpu.memory_space<semaphore_mem>> -> memref<!tpu.dma_semaphore, #tpu.memory_space<semaphore_mem>>
    tpu.enqueue_indirect_dma source(%dma_start3A_115 : memref<100000x64xf32, #tpu.memory_space<hbm>>) target(%dma_start3A_109 : memref<80x64xf32, #tpu.memory_space<vmem>>) offsets(%dma_start3A_112 : memref<80xi32, #tpu.memory_space<vmem>>) semaphore(%dma_start3A_117 : memref<!tpu.dma_semaphore, #tpu.memory_space<semaphore_mem>>)
    %dma_start3A_118 = arith.constant 0 : i32
    %dma_start3A_119 = arith.constant 0 : i32
    %dma_start3A_120 = arith.constant 0 : i32
    %dma_start3A_121 = arith.constant 240 : i32
    %dma_start3A_122 = arith.constant 0 : i32
    %dma_start3A_123 = tpu.memref_slice %arg12[%dma_start3A_119, %dma_start3A_121, %dma_start3A_122] : memref<2x400x64xf32, #tpu.memory_space<vmem>> -> memref<1x80x64xf32, #tpu.memory_space<vmem>>
    %dma_start3A_124 = tpu.memref_squeeze %dma_start3A_123 : memref<1x80x64xf32, #tpu.memory_space<vmem>> -> memref<80x64xf32, #tpu.memory_space<vmem>>
    %dma_start3A_125 = arith.constant 240 : i32
    %dma_start3A_126 = tpu.memref_slice %arg10[%dma_start3A_118, %dma_start3A_125] : memref<2x400xi32, #tpu.memory_space<vmem>> -> memref<1x80xi32, #tpu.memory_space<vmem>>
    %dma_start3A_127 = tpu.memref_squeeze %dma_start3A_126 : memref<1x80xi32, #tpu.memory_space<vmem>> -> memref<80xi32, #tpu.memory_space<vmem>>
    %dma_start3A_128 = arith.constant 0 : i32
    %dma_start3A_129 = arith.constant 0 : i32
    %dma_start3A_130 = tpu.memref_slice %arg3[%dma_start3A_128, %dma_start3A_129] : memref<100000x64xf32, #tpu.memory_space<hbm>> -> memref<100000x64xf32, #tpu.memory_space<hbm>>
    %dma_start3A_131 = tpu.memref_slice %arg16[%dma_start3A_120] : memref<2x!tpu.dma_semaphore, #tpu.memory_space<semaphore_mem>> -> memref<1x!tpu.dma_semaphore, #tpu.memory_space<semaphore_mem>>
    %dma_start3A_132 = tpu.memref_squeeze %dma_start3A_131 : memref<1x!tpu.dma_semaphore, #tpu.memory_space<semaphore_mem>> -> memref<!tpu.dma_semaphore, #tpu.memory_space<semaphore_mem>>
    tpu.enqueue_indirect_dma source(%dma_start3A_130 : memref<100000x64xf32, #tpu.memory_space<hbm>>) target(%dma_start3A_124 : memref<80x64xf32, #tpu.memory_space<vmem>>) offsets(%dma_start3A_127 : memref<80xi32, #tpu.memory_space<vmem>>) semaphore(%dma_start3A_132 : memref<!tpu.dma_semaphore, #tpu.memory_space<semaphore_mem>>)
    %dma_start3A_133 = arith.constant 0 : i32
    %dma_start3A_134 = arith.constant 0 : i32
    %dma_start3A_135 = arith.constant 0 : i32
    %dma_start3A_136 = arith.constant 320 : i32
    %dma_start3A_137 = arith.constant 0 : i32
    %dma_start3A_138 = tpu.memref_slice %arg11[%dma_start3A_134, %dma_start3A_136, %dma_start3A_137] : memref<2x400x64xf32, #tpu.memory_space<vmem>> -> memref<1x80x64xf32, #tpu.memory_space<vmem>>
    %dma_start3A_139 = tpu.memref_squeeze %dma_start3A_138 : memref<1x80x64xf32, #tpu.memory_space<vmem>> -> memref<80x64xf32, #tpu.memory_space<vmem>>
    %dma_start3A_140 = arith.constant 320 : i32
    %dma_start3A_141 = tpu.memref_slice %arg9[%dma_start3A_133, %dma_start3A_140] : memref<2x400xi32, #tpu.memory_space<vmem>> -> memref<1x80xi32, #tpu.memory_space<vmem>>
    %dma_start3A_142 = tpu.memref_squeeze %dma_start3A_141 : memref<1x80xi32, #tpu.memory_space<vmem>> -> memref<80xi32, #tpu.memory_space<vmem>>
    %dma_start3A_143 = arith.constant 0 : i32
    %dma_start3A_144 = arith.constant 0 : i32
    %dma_start3A_145 = tpu.memref_slice %arg2[%dma_start3A_143, %dma_start3A_144] : memref<100000x64xf32, #tpu.memory_space<hbm>> -> memref<100000x64xf32, #tpu.memory_space<hbm>>
    %dma_start3A_146 = tpu.memref_slice %arg16[%dma_start3A_135] : memref<2x!tpu.dma_semaphore, #tpu.memory_space<semaphore_mem>> -> memref<1x!tpu.dma_semaphore, #tpu.memory_space<semaphore_mem>>
    %dma_start3A_147 = tpu.memref_squeeze %dma_start3A_146 : memref<1x!tpu.dma_semaphore, #tpu.memory_space<semaphore_mem>> -> memref<!tpu.dma_semaphore, #tpu.memory_space<semaphore_mem>>
    tpu.enqueue_indirect_dma source(%dma_start3A_145 : memref<100000x64xf32, #tpu.memory_space<hbm>>) target(%dma_start3A_139 : memref<80x64xf32, #tpu.memory_space<vmem>>) offsets(%dma_start3A_142 : memref<80xi32, #tpu.memory_space<vmem>>) semaphore(%dma_start3A_147 : memref<!tpu.dma_semaphore, #tpu.memory_space<semaphore_mem>>)
    %dma_start3A_148 = arith.constant 0 : i32
    %dma_start3A_149 = arith.constant 0 : i32
    %dma_start3A_150 = arith.constant 0 : i32
    %dma_start3A_151 = arith.constant 320 : i32
    %dma_start3A_152 = arith.constant 0 : i32
    %dma_start3A_153 = tpu.memref_slice %arg12[%dma_start3A_149, %dma_start3A_151, %dma_start3A_152] : memref<2x400x64xf32, #tpu.memory_space<vmem>> -> memref<1x80x64xf32, #tpu.memory_space<vmem>>
    %dma_start3A_154 = tpu.memref_squeeze %dma_start3A_153 : memref<1x80x64xf32, #tpu.memory_space<vmem>> -> memref<80x64xf32, #tpu.memory_space<vmem>>
    %dma_start3A_155 = arith.constant 320 : i32
    %dma_start3A_156 = tpu.memref_slice %arg10[%dma_start3A_148, %dma_start3A_155] : memref<2x400xi32, #tpu.memory_space<vmem>> -> memref<1x80xi32, #tpu.memory_space<vmem>>
    %dma_start3A_157 = tpu.memref_squeeze %dma_start3A_156 : memref<1x80xi32, #tpu.memory_space<vmem>> -> memref<80xi32, #tpu.memory_space<vmem>>
    %dma_start3A_158 = arith.constant 0 : i32
    %dma_start3A_159 = arith.constant 0 : i32
    %dma_start3A_160 = tpu.memref_slice %arg3[%dma_start3A_158, %dma_start3A_159] : memref<100000x64xf32, #tpu.memory_space<hbm>> -> memref<100000x64xf32, #tpu.memory_space<hbm>>
    %dma_start3A_161 = tpu.memref_slice %arg16[%dma_start3A_150] : memref<2x!tpu.dma_semaphore, #tpu.memory_space<semaphore_mem>> -> memref<1x!tpu.dma_semaphore, #tpu.memory_space<semaphore_mem>>
    %dma_start3A_162 = tpu.memref_squeeze %dma_start3A_161 : memref<1x!tpu.dma_semaphore, #tpu.memory_space<semaphore_mem>> -> memref<!tpu.dma_semaphore, #tpu.memory_space<semaphore_mem>>
    tpu.enqueue_indirect_dma source(%dma_start3A_160 : memref<100000x64xf32, #tpu.memory_space<hbm>>) target(%dma_start3A_154 : memref<80x64xf32, #tpu.memory_space<vmem>>) offsets(%dma_start3A_157 : memref<80xi32, #tpu.memory_space<vmem>>) semaphore(%dma_start3A_162 : memref<!tpu.dma_semaphore, #tpu.memory_space<semaphore_mem>>)
    %scan3A = arith.constant 0 : i32
    %scan3A_163 = arith.constant 0 : i32
    %scan3A_164 = arith.constant 20 : i32
    %scan3A_165 = arith.addi %scan3A_163, %scan3A_164 : i32
    %scan3A_166 = arith.constant 1 : i32
    scf.for %scan3A_168 = %scan3A_163 to %scan3A_165 step %scan3A_166  : i32 {
      %mul3A_169 = arith.constant 2 : i32
      %mul3A_170 = arith.muli %mul3A_169, %scan3A_168 : i32
      %add3A_171 = arith.addi %add3A_8, %mul3A_170 : i32
      %mul3A_172 = arith.constant 2 : i32
      %mul3A_173 = arith.muli %mul3A_172, %scan3A_168 : i32
      %lt3A_174 = arith.cmpi slt, %mul3A_173, %add3A_4 : i32
      %convert_element_type3A = arith.extui %lt3A_174 : i1 to i32
      %cond3A = arith.constant 0 : i32
      %cond3A_175 = arith.cmpi ne, %convert_element_type3A, %cond3A : i32
      scf.if %cond3A_175 {
        %dma_wait3A = arith.constant 0 : i32
        %dma_wait3A_184 = arith.constant 0 : i32
        %dma_wait3A_185 = arith.constant 0 : i32
        %dma_wait3A_186 = arith.constant 0 : i32
        %dma_wait3A_187 = arith.constant 0 : i32
        %dma_wait3A_188 = tpu.memref_slice %arg11[%dma_wait3A_184, %dma_wait3A_186, %dma_wait3A_187] : memref<2x400x64xf32, #tpu.memory_space<vmem>> -> memref<1x80x64xf32, #tpu.memory_space<vmem>>
        %dma_wait3A_189 = tpu.memref_squeeze %dma_wait3A_188 : memref<1x80x64xf32, #tpu.memory_space<vmem>> -> memref<80x64xf32, #tpu.memory_space<vmem>>
        %dma_wait3A_190 = arith.constant 0 : i32
        %dma_wait3A_191 = tpu.memref_slice %arg9[%dma_wait3A, %dma_wait3A_190] : memref<2x400xi32, #tpu.memory_space<vmem>> -> memref<1x80xi32, #tpu.memory_space<vmem>>
        %dma_wait3A_192 = tpu.memref_squeeze %dma_wait3A_191 : memref<1x80xi32, #tpu.memory_space<vmem>> -> memref<80xi32, #tpu.memory_space<vmem>>
        %dma_wait3A_193 = arith.constant 0 : i32
        %dma_wait3A_194 = arith.constant 0 : i32
        %dma_wait3A_195 = tpu.memref_slice %arg2[%dma_wait3A_193, %dma_wait3A_194] : memref<100000x64xf32, #tpu.memory_space<hbm>> -> memref<100000x64xf32, #tpu.memory_space<hbm>>
        %dma_wait3A_196 = tpu.memref_slice %arg16[%dma_wait3A_185] : memref<2x!tpu.dma_semaphore, #tpu.memory_space<semaphore_mem>> -> memref<1x!tpu.dma_semaphore, #tpu.memory_space<semaphore_mem>>
        %dma_wait3A_197 = tpu.memref_squeeze %dma_wait3A_196 : memref<1x!tpu.dma_semaphore, #tpu.memory_space<semaphore_mem>> -> memref<!tpu.dma_semaphore, #tpu.memory_space<semaphore_mem>>
        tpu.wait_indirect_dma semaphore(%dma_wait3A_197 : memref<!tpu.dma_semaphore, #tpu.memory_space<semaphore_mem>>) src(%dma_wait3A_195 : memref<100000x64xf32, #tpu.memory_space<hbm>>) dst(%dma_wait3A_189 : memref<80x64xf32, #tpu.memory_space<vmem>>)
        %dma_wait3A_198 = arith.constant 0 : i32
        %dma_wait3A_199 = arith.constant 0 : i32
        %dma_wait3A_200 = arith.constant 0 : i32
        %dma_wait3A_201 = arith.constant 0 : i32
        %dma_wait3A_202 = arith.constant 0 : i32
        %dma_wait3A_203 = tpu.memref_slice %arg12[%dma_wait3A_199, %dma_wait3A_201, %dma_wait3A_202] : memref<2x400x64xf32, #tpu.memory_space<vmem>> -> memref<1x80x64xf32, #tpu.memory_space<vmem>>
        %dma_wait3A_204 = tpu.memref_squeeze %dma_wait3A_203 : memref<1x80x64xf32, #tpu.memory_space<vmem>> -> memref<80x64xf32, #tpu.memory_space<vmem>>
        %dma_wait3A_205 = arith.constant 0 : i32
        %dma_wait3A_206 = tpu.memref_slice %arg10[%dma_wait3A_198, %dma_wait3A_205] : memref<2x400xi32, #tpu.memory_space<vmem>> -> memref<1x80xi32, #tpu.memory_space<vmem>>
        %dma_wait3A_207 = tpu.memref_squeeze %dma_wait3A_206 : memref<1x80xi32, #tpu.memory_space<vmem>> -> memref<80xi32, #tpu.memory_space<vmem>>
        %dma_wait3A_208 = arith.constant 0 : i32
        %dma_wait3A_209 = arith.constant 0 : i32
        %dma_wait3A_210 = tpu.memref_slice %arg3[%dma_wait3A_208, %dma_wait3A_209] : memref<100000x64xf32, #tpu.memory_space<hbm>> -> memref<100000x64xf32, #tpu.memory_space<hbm>>
        %dma_wait3A_211 = tpu.memref_slice %arg16[%dma_wait3A_200] : memref<2x!tpu.dma_semaphore, #tpu.memory_space<semaphore_mem>> -> memref<1x!tpu.dma_semaphore, #tpu.memory_space<semaphore_mem>>
        %dma_wait3A_212 = tpu.memref_squeeze %dma_wait3A_211 : memref<1x!tpu.dma_semaphore, #tpu.memory_space<semaphore_mem>> -> memref<!tpu.dma_semaphore, #tpu.memory_space<semaphore_mem>>
        tpu.wait_indirect_dma semaphore(%dma_wait3A_212 : memref<!tpu.dma_semaphore, #tpu.memory_space<semaphore_mem>>) src(%dma_wait3A_210 : memref<100000x64xf32, #tpu.memory_space<hbm>>) dst(%dma_wait3A_204 : memref<80x64xf32, #tpu.memory_space<vmem>>)
        %dma_wait3A_213 = arith.constant 0 : i32
        %dma_wait3A_214 = arith.constant 0 : i32
        %dma_wait3A_215 = arith.constant 0 : i32
        %dma_wait3A_216 = arith.constant 80 : i32
        %dma_wait3A_217 = arith.constant 0 : i32
        %dma_wait3A_218 = tpu.memref_slice %arg11[%dma_wait3A_214, %dma_wait3A_216, %dma_wait3A_217] : memref<2x400x64xf32, #tpu.memory_space<vmem>> -> memref<1x80x64xf32, #tpu.memory_space<vmem>>
        %dma_wait3A_219 = tpu.memref_squeeze %dma_wait3A_218 : memref<1x80x64xf32, #tpu.memory_space<vmem>> -> memref<80x64xf32, #tpu.memory_space<vmem>>
        %dma_wait3A_220 = arith.constant 80 : i32
        %dma_wait3A_221 = tpu.memref_slice %arg9[%dma_wait3A_213, %dma_wait3A_220] : memref<2x400xi32, #tpu.memory_space<vmem>> -> memref<1x80xi32, #tpu.memory_space<vmem>>
        %dma_wait3A_222 = tpu.memref_squeeze %dma_wait3A_221 : memref<1x80xi32, #tpu.memory_space<vmem>> -> memref<80xi32, #tpu.memory_space<vmem>>
        %dma_wait3A_223 = arith.constant 0 : i32
        %dma_wait3A_224 = arith.constant 0 : i32
        %dma_wait3A_225 = tpu.memref_slice %arg2[%dma_wait3A_223, %dma_wait3A_224] : memref<100000x64xf32, #tpu.memory_space<hbm>> -> memref<100000x64xf32, #tpu.memory_space<hbm>>
        %dma_wait3A_226 = tpu.memref_slice %arg16[%dma_wait3A_215] : memref<2x!tpu.dma_semaphore, #tpu.memory_space<semaphore_mem>> -> memref<1x!tpu.dma_semaphore, #tpu.memory_space<semaphore_mem>>
        %dma_wait3A_227 = tpu.memref_squeeze %dma_wait3A_226 : memref<1x!tpu.dma_semaphore, #tpu.memory_space<semaphore_mem>> -> memref<!tpu.dma_semaphore, #tpu.memory_space<semaphore_mem>>
        tpu.wait_indirect_dma semaphore(%dma_wait3A_227 : memref<!tpu.dma_semaphore, #tpu.memory_space<semaphore_mem>>) src(%dma_wait3A_225 : memref<100000x64xf32, #tpu.memory_space<hbm>>) dst(%dma_wait3A_219 : memref<80x64xf32, #tpu.memory_space<vmem>>)
        %dma_wait3A_228 = arith.constant 0 : i32
        %dma_wait3A_229 = arith.constant 0 : i32
        %dma_wait3A_230 = arith.constant 0 : i32
        %dma_wait3A_231 = arith.constant 80 : i32
        %dma_wait3A_232 = arith.constant 0 : i32
        %dma_wait3A_233 = tpu.memref_slice %arg12[%dma_wait3A_229, %dma_wait3A_231, %dma_wait3A_232] : memref<2x400x64xf32, #tpu.memory_space<vmem>> -> memref<1x80x64xf32, #tpu.memory_space<vmem>>
        %dma_wait3A_234 = tpu.memref_squeeze %dma_wait3A_233 : memref<1x80x64xf32, #tpu.memory_space<vmem>> -> memref<80x64xf32, #tpu.memory_space<vmem>>
        %dma_wait3A_235 = arith.constant 80 : i32
        %dma_wait3A_236 = tpu.memref_slice %arg10[%dma_wait3A_228, %dma_wait3A_235] : memref<2x400xi32, #tpu.memory_space<vmem>> -> memref<1x80xi32, #tpu.memory_space<vmem>>
        %dma_wait3A_237 = tpu.memref_squeeze %dma_wait3A_236 : memref<1x80xi32, #tpu.memory_space<vmem>> -> memref<80xi32, #tpu.memory_space<vmem>>
        %dma_wait3A_238 = arith.constant 0 : i32
        %dma_wait3A_239 = arith.constant 0 : i32
        %dma_wait3A_240 = tpu.memref_slice %arg3[%dma_wait3A_238, %dma_wait3A_239] : memref<100000x64xf32, #tpu.memory_space<hbm>> -> memref<100000x64xf32, #tpu.memory_space<hbm>>
        %dma_wait3A_241 = tpu.memref_slice %arg16[%dma_wait3A_230] : memref<2x!tpu.dma_semaphore, #tpu.memory_space<semaphore_mem>> -> memref<1x!tpu.dma_semaphore, #tpu.memory_space<semaphore_mem>>
        %dma_wait3A_242 = tpu.memref_squeeze %dma_wait3A_241 : memref<1x!tpu.dma_semaphore, #tpu.memory_space<semaphore_mem>> -> memref<!tpu.dma_semaphore, #tpu.memory_space<semaphore_mem>>
        tpu.wait_indirect_dma semaphore(%dma_wait3A_242 : memref<!tpu.dma_semaphore, #tpu.memory_space<semaphore_mem>>) src(%dma_wait3A_240 : memref<100000x64xf32, #tpu.memory_space<hbm>>) dst(%dma_wait3A_234 : memref<80x64xf32, #tpu.memory_space<vmem>>)
        %dma_wait3A_243 = arith.constant 0 : i32
        %dma_wait3A_244 = arith.constant 0 : i32
        %dma_wait3A_245 = arith.constant 0 : i32
        %dma_wait3A_246 = arith.constant 160 : i32
        %dma_wait3A_247 = arith.constant 0 : i32
        %dma_wait3A_248 = tpu.memref_slice %arg11[%dma_wait3A_244, %dma_wait3A_246, %dma_wait3A_247] : memref<2x400x64xf32, #tpu.memory_space<vmem>> -> memref<1x80x64xf32, #tpu.memory_space<vmem>>
        %dma_wait3A_249 = tpu.memref_squeeze %dma_wait3A_248 : memref<1x80x64xf32, #tpu.memory_space<vmem>> -> memref<80x64xf32, #tpu.memory_space<vmem>>
        %dma_wait3A_250 = arith.constant 160 : i32
        %dma_wait3A_251 = tpu.memref_slice %arg9[%dma_wait3A_243, %dma_wait3A_250] : memref<2x400xi32, #tpu.memory_space<vmem>> -> memref<1x80xi32, #tpu.memory_space<vmem>>
        %dma_wait3A_252 = tpu.memref_squeeze %dma_wait3A_251 : memref<1x80xi32, #tpu.memory_space<vmem>> -> memref<80xi32, #tpu.memory_space<vmem>>
        %dma_wait3A_253 = arith.constant 0 : i32
        %dma_wait3A_254 = arith.constant 0 : i32
        %dma_wait3A_255 = tpu.memref_slice %arg2[%dma_wait3A_253, %dma_wait3A_254] : memref<100000x64xf32, #tpu.memory_space<hbm>> -> memref<100000x64xf32, #tpu.memory_space<hbm>>
        %dma_wait3A_256 = tpu.memref_slice %arg16[%dma_wait3A_245] : memref<2x!tpu.dma_semaphore, #tpu.memory_space<semaphore_mem>> -> memref<1x!tpu.dma_semaphore, #tpu.memory_space<semaphore_mem>>
        %dma_wait3A_257 = tpu.memref_squeeze %dma_wait3A_256 : memref<1x!tpu.dma_semaphore, #tpu.memory_space<semaphore_mem>> -> memref<!tpu.dma_semaphore, #tpu.memory_space<semaphore_mem>>
        tpu.wait_indirect_dma semaphore(%dma_wait3A_257 : memref<!tpu.dma_semaphore, #tpu.memory_space<semaphore_mem>>) src(%dma_wait3A_255 : memref<100000x64xf32, #tpu.memory_space<hbm>>) dst(%dma_wait3A_249 : memref<80x64xf32, #tpu.memory_space<vmem>>)
        %dma_wait3A_258 = arith.constant 0 : i32
        %dma_wait3A_259 = arith.constant 0 : i32
        %dma_wait3A_260 = arith.constant 0 : i32
        %dma_wait3A_261 = arith.constant 160 : i32
        %dma_wait3A_262 = arith.constant 0 : i32
        %dma_wait3A_263 = tpu.memref_slice %arg12[%dma_wait3A_259, %dma_wait3A_261, %dma_wait3A_262] : memref<2x400x64xf32, #tpu.memory_space<vmem>> -> memref<1x80x64xf32, #tpu.memory_space<vmem>>
        %dma_wait3A_264 = tpu.memref_squeeze %dma_wait3A_263 : memref<1x80x64xf32, #tpu.memory_space<vmem>> -> memref<80x64xf32, #tpu.memory_space<vmem>>
        %dma_wait3A_265 = arith.constant 160 : i32
        %dma_wait3A_266 = tpu.memref_slice %arg10[%dma_wait3A_258, %dma_wait3A_265] : memref<2x400xi32, #tpu.memory_space<vmem>> -> memref<1x80xi32, #tpu.memory_space<vmem>>
        %dma_wait3A_267 = tpu.memref_squeeze %dma_wait3A_266 : memref<1x80xi32, #tpu.memory_space<vmem>> -> memref<80xi32, #tpu.memory_space<vmem>>
        %dma_wait3A_268 = arith.constant 0 : i32
        %dma_wait3A_269 = arith.constant 0 : i32
        %dma_wait3A_270 = tpu.memref_slice %arg3[%dma_wait3A_268, %dma_wait3A_269] : memref<100000x64xf32, #tpu.memory_space<hbm>> -> memref<100000x64xf32, #tpu.memory_space<hbm>>
        %dma_wait3A_271 = tpu.memref_slice %arg16[%dma_wait3A_260] : memref<2x!tpu.dma_semaphore, #tpu.memory_space<semaphore_mem>> -> memref<1x!tpu.dma_semaphore, #tpu.memory_space<semaphore_mem>>
        %dma_wait3A_272 = tpu.memref_squeeze %dma_wait3A_271 : memref<1x!tpu.dma_semaphore, #tpu.memory_space<semaphore_mem>> -> memref<!tpu.dma_semaphore, #tpu.memory_space<semaphore_mem>>
        tpu.wait_indirect_dma semaphore(%dma_wait3A_272 : memref<!tpu.dma_semaphore, #tpu.memory_space<semaphore_mem>>) src(%dma_wait3A_270 : memref<100000x64xf32, #tpu.memory_space<hbm>>) dst(%dma_wait3A_264 : memref<80x64xf32, #tpu.memory_space<vmem>>)
        %dma_wait3A_273 = arith.constant 0 : i32
        %dma_wait3A_274 = arith.constant 0 : i32
        %dma_wait3A_275 = arith.constant 0 : i32
        %dma_wait3A_276 = arith.constant 240 : i32
        %dma_wait3A_277 = arith.constant 0 : i32
        %dma_wait3A_278 = tpu.memref_slice %arg11[%dma_wait3A_274, %dma_wait3A_276, %dma_wait3A_277] : memref<2x400x64xf32, #tpu.memory_space<vmem>> -> memref<1x80x64xf32, #tpu.memory_space<vmem>>
        %dma_wait3A_279 = tpu.memref_squeeze %dma_wait3A_278 : memref<1x80x64xf32, #tpu.memory_space<vmem>> -> memref<80x64xf32, #tpu.memory_space<vmem>>
        %dma_wait3A_280 = arith.constant 240 : i32
        %dma_wait3A_281 = tpu.memref_slice %arg9[%dma_wait3A_273, %dma_wait3A_280] : memref<2x400xi32, #tpu.memory_space<vmem>> -> memref<1x80xi32, #tpu.memory_space<vmem>>
        %dma_wait3A_282 = tpu.memref_squeeze %dma_wait3A_281 : memref<1x80xi32, #tpu.memory_space<vmem>> -> memref<80xi32, #tpu.memory_space<vmem>>
        %dma_wait3A_283 = arith.constant 0 : i32
        %dma_wait3A_284 = arith.constant 0 : i32
        %dma_wait3A_285 = tpu.memref_slice %arg2[%dma_wait3A_283, %dma_wait3A_284] : memref<100000x64xf32, #tpu.memory_space<hbm>> -> memref<100000x64xf32, #tpu.memory_space<hbm>>
        %dma_wait3A_286 = tpu.memref_slice %arg16[%dma_wait3A_275] : memref<2x!tpu.dma_semaphore, #tpu.memory_space<semaphore_mem>> -> memref<1x!tpu.dma_semaphore, #tpu.memory_space<semaphore_mem>>
        %dma_wait3A_287 = tpu.memref_squeeze %dma_wait3A_286 : memref<1x!tpu.dma_semaphore, #tpu.memory_space<semaphore_mem>> -> memref<!tpu.dma_semaphore, #tpu.memory_space<semaphore_mem>>
        tpu.wait_indirect_dma semaphore(%dma_wait3A_287 : memref<!tpu.dma_semaphore, #tpu.memory_space<semaphore_mem>>) src(%dma_wait3A_285 : memref<100000x64xf32, #tpu.memory_space<hbm>>) dst(%dma_wait3A_279 : memref<80x64xf32, #tpu.memory_space<vmem>>)
        %dma_wait3A_288 = arith.constant 0 : i32
        %dma_wait3A_289 = arith.constant 0 : i32
        %dma_wait3A_290 = arith.constant 0 : i32
        %dma_wait3A_291 = arith.constant 240 : i32
        %dma_wait3A_292 = arith.constant 0 : i32
        %dma_wait3A_293 = tpu.memref_slice %arg12[%dma_wait3A_289, %dma_wait3A_291, %dma_wait3A_292] : memref<2x400x64xf32, #tpu.memory_space<vmem>> -> memref<1x80x64xf32, #tpu.memory_space<vmem>>
        %dma_wait3A_294 = tpu.memref_squeeze %dma_wait3A_293 : memref<1x80x64xf32, #tpu.memory_space<vmem>> -> memref<80x64xf32, #tpu.memory_space<vmem>>
        %dma_wait3A_295 = arith.constant 240 : i32
        %dma_wait3A_296 = tpu.memref_slice %arg10[%dma_wait3A_288, %dma_wait3A_295] : memref<2x400xi32, #tpu.memory_space<vmem>> -> memref<1x80xi32, #tpu.memory_space<vmem>>
        %dma_wait3A_297 = tpu.memref_squeeze %dma_wait3A_296 : memref<1x80xi32, #tpu.memory_space<vmem>> -> memref<80xi32, #tpu.memory_space<vmem>>
        %dma_wait3A_298 = arith.constant 0 : i32
        %dma_wait3A_299 = arith.constant 0 : i32
        %dma_wait3A_300 = tpu.memref_slice %arg3[%dma_wait3A_298, %dma_wait3A_299] : memref<100000x64xf32, #tpu.memory_space<hbm>> -> memref<100000x64xf32, #tpu.memory_space<hbm>>
        %dma_wait3A_301 = tpu.memref_slice %arg16[%dma_wait3A_290] : memref<2x!tpu.dma_semaphore, #tpu.memory_space<semaphore_mem>> -> memref<1x!tpu.dma_semaphore, #tpu.memory_space<semaphore_mem>>
        %dma_wait3A_302 = tpu.memref_squeeze %dma_wait3A_301 : memref<1x!tpu.dma_semaphore, #tpu.memory_space<semaphore_mem>> -> memref<!tpu.dma_semaphore, #tpu.memory_space<semaphore_mem>>
        tpu.wait_indirect_dma semaphore(%dma_wait3A_302 : memref<!tpu.dma_semaphore, #tpu.memory_space<semaphore_mem>>) src(%dma_wait3A_300 : memref<100000x64xf32, #tpu.memory_space<hbm>>) dst(%dma_wait3A_294 : memref<80x64xf32, #tpu.memory_space<vmem>>)
        %dma_wait3A_303 = arith.constant 0 : i32
        %dma_wait3A_304 = arith.constant 0 : i32
        %dma_wait3A_305 = arith.constant 0 : i32
        %dma_wait3A_306 = arith.constant 320 : i32
        %dma_wait3A_307 = arith.constant 0 : i32
        %dma_wait3A_308 = tpu.memref_slice %arg11[%dma_wait3A_304, %dma_wait3A_306, %dma_wait3A_307] : memref<2x400x64xf32, #tpu.memory_space<vmem>> -> memref<1x80x64xf32, #tpu.memory_space<vmem>>
        %dma_wait3A_309 = tpu.memref_squeeze %dma_wait3A_308 : memref<1x80x64xf32, #tpu.memory_space<vmem>> -> memref<80x64xf32, #tpu.memory_space<vmem>>
        %dma_wait3A_310 = arith.constant 320 : i32
        %dma_wait3A_311 = tpu.memref_slice %arg9[%dma_wait3A_303, %dma_wait3A_310] : memref<2x400xi32, #tpu.memory_space<vmem>> -> memref<1x80xi32, #tpu.memory_space<vmem>>
        %dma_wait3A_312 = tpu.memref_squeeze %dma_wait3A_311 : memref<1x80xi32, #tpu.memory_space<vmem>> -> memref<80xi32, #tpu.memory_space<vmem>>
        %dma_wait3A_313 = arith.constant 0 : i32
        %dma_wait3A_314 = arith.constant 0 : i32
        %dma_wait3A_315 = tpu.memref_slice %arg2[%dma_wait3A_313, %dma_wait3A_314] : memref<100000x64xf32, #tpu.memory_space<hbm>> -> memref<100000x64xf32, #tpu.memory_space<hbm>>
        %dma_wait3A_316 = tpu.memref_slice %arg16[%dma_wait3A_305] : memref<2x!tpu.dma_semaphore, #tpu.memory_space<semaphore_mem>> -> memref<1x!tpu.dma_semaphore, #tpu.memory_space<semaphore_mem>>
        %dma_wait3A_317 = tpu.memref_squeeze %dma_wait3A_316 : memref<1x!tpu.dma_semaphore, #tpu.memory_space<semaphore_mem>> -> memref<!tpu.dma_semaphore, #tpu.memory_space<semaphore_mem>>
        tpu.wait_indirect_dma semaphore(%dma_wait3A_317 : memref<!tpu.dma_semaphore, #tpu.memory_space<semaphore_mem>>) src(%dma_wait3A_315 : memref<100000x64xf32, #tpu.memory_space<hbm>>) dst(%dma_wait3A_309 : memref<80x64xf32, #tpu.memory_space<vmem>>)
        %dma_wait3A_318 = arith.constant 0 : i32
        %dma_wait3A_319 = arith.constant 0 : i32
        %dma_wait3A_320 = arith.constant 0 : i32
        %dma_wait3A_321 = arith.constant 320 : i32
        %dma_wait3A_322 = arith.constant 0 : i32
        %dma_wait3A_323 = tpu.memref_slice %arg12[%dma_wait3A_319, %dma_wait3A_321, %dma_wait3A_322] : memref<2x400x64xf32, #tpu.memory_space<vmem>> -> memref<1x80x64xf32, #tpu.memory_space<vmem>>
        %dma_wait3A_324 = tpu.memref_squeeze %dma_wait3A_323 : memref<1x80x64xf32, #tpu.memory_space<vmem>> -> memref<80x64xf32, #tpu.memory_space<vmem>>
        %dma_wait3A_325 = arith.constant 320 : i32
        %dma_wait3A_326 = tpu.memref_slice %arg10[%dma_wait3A_318, %dma_wait3A_325] : memref<2x400xi32, #tpu.memory_space<vmem>> -> memref<1x80xi32, #tpu.memory_space<vmem>>
        %dma_wait3A_327 = tpu.memref_squeeze %dma_wait3A_326 : memref<1x80xi32, #tpu.memory_space<vmem>> -> memref<80xi32, #tpu.memory_space<vmem>>
        %dma_wait3A_328 = arith.constant 0 : i32
        %dma_wait3A_329 = arith.constant 0 : i32
        %dma_wait3A_330 = tpu.memref_slice %arg3[%dma_wait3A_328, %dma_wait3A_329] : memref<100000x64xf32, #tpu.memory_space<hbm>> -> memref<100000x64xf32, #tpu.memory_space<hbm>>
        %dma_wait3A_331 = tpu.memref_slice %arg16[%dma_wait3A_320] : memref<2x!tpu.dma_semaphore, #tpu.memory_space<semaphore_mem>> -> memref<1x!tpu.dma_semaphore, #tpu.memory_space<semaphore_mem>>
        %dma_wait3A_332 = tpu.memref_squeeze %dma_wait3A_331 : memref<1x!tpu.dma_semaphore, #tpu.memory_space<semaphore_mem>> -> memref<!tpu.dma_semaphore, #tpu.memory_space<semaphore_mem>>
        tpu.wait_indirect_dma semaphore(%dma_wait3A_332 : memref<!tpu.dma_semaphore, #tpu.memory_space<semaphore_mem>>) src(%dma_wait3A_330 : memref<100000x64xf32, #tpu.memory_space<hbm>>) dst(%dma_wait3A_324 : memref<80x64xf32, #tpu.memory_space<vmem>>)
        %mul3A_333 = arith.constant 2 : i32
        %mul3A_334 = arith.muli %mul3A_333, %scan3A_168 : i32
        %add3A_335 = arith.constant 1 : i32
        %add3A_336 = arith.addi %mul3A_334, %add3A_335 : i32
        %lt3A_337 = arith.cmpi slt, %add3A_336, %add3A_4 : i32
        %convert_element_type3A_338 = arith.extui %lt3A_337 : i1 to i32
        %cond3A_339 = arith.constant 0 : i32
        %cond3A_340 = arith.cmpi ne, %convert_element_type3A_338, %cond3A_339 : i32
        scf.if %cond3A_340 {
          %add3A_380 = arith.constant 1 : i32
          %add3A_381 = arith.addi %add3A_171, %add3A_380 : i32
          %mul3A_382 = arith.constant 400 : i32
          %mul3A_383 = arith.muli %add3A_381, %mul3A_382 : i32
          %run_scoped3A_384 = arith.constant 1 : i32
          "tpu.region"() ({
            %run_scoped3A_538 = tpu.sem_alloc : memref<!tpu.dma_semaphore, #tpu.memory_space<semaphore_mem>>
            %dma_start3A_539 = arith.constant 0 : i32
            %dma_start3A_540 = tpu.memref_slice %arg9[%run_scoped3A_384, %dma_start3A_539] : memref<2x400xi32, #tpu.memory_space<vmem>> -> memref<1x400xi32, #tpu.memory_space<vmem>>
            %dma_start3A_541 = tpu.memref_squeeze %dma_start3A_540 : memref<1x400xi32, #tpu.memory_space<vmem>> -> memref<400xi32, #tpu.memory_space<vmem>>
            %dma_start3A_542 = tpu.memref_slice %arg4[%mul3A_383] : memref<500000xi32, #tpu.memory_space<hbm>> -> memref<400xi32, #tpu.memory_space<hbm>>
            %dma_start3A_543 = arith.constant 0 : i32
            %dma_start3A_544 = tpu.memref_slice %arg9[%run_scoped3A_384, %dma_start3A_543] : memref<2x400xi32, #tpu.memory_space<vmem>> -> memref<1x400xi32, #tpu.memory_space<vmem>>
            %dma_start3A_545 = tpu.memref_squeeze %dma_start3A_544 : memref<1x400xi32, #tpu.memory_space<vmem>> -> memref<400xi32, #tpu.memory_space<vmem>>
            %dma_start3A_546 = tpu.memref_slice %arg4[%mul3A_383] : memref<500000xi32, #tpu.memory_space<hbm>> -> memref<400xi32, #tpu.memory_space<hbm>>
            tpu.enqueue_dma source(%dma_start3A_546 : memref<400xi32, #tpu.memory_space<hbm>>) target(%dma_start3A_545 : memref<400xi32, #tpu.memory_space<vmem>>) target_semaphore(%run_scoped3A_538 : memref<!tpu.dma_semaphore, #tpu.memory_space<semaphore_mem>>)
            %dma_wait3A_547 = arith.constant 0 : i32
            %dma_wait3A_548 = tpu.memref_slice %arg9[%run_scoped3A_384, %dma_wait3A_547] : memref<2x400xi32, #tpu.memory_space<vmem>> -> memref<1x400xi32, #tpu.memory_space<vmem>>
            %dma_wait3A_549 = tpu.memref_squeeze %dma_wait3A_548 : memref<1x400xi32, #tpu.memory_space<vmem>> -> memref<400xi32, #tpu.memory_space<vmem>>
            %dma_wait3A_550 = tpu.memref_slice %arg4[%mul3A_383] : memref<500000xi32, #tpu.memory_space<hbm>> -> memref<400xi32, #tpu.memory_space<hbm>>
            %dma_wait3A_551 = arith.constant 0 : i32
            %dma_wait3A_552 = tpu.memref_slice %arg9[%run_scoped3A_384, %dma_wait3A_551] : memref<2x400xi32, #tpu.memory_space<vmem>> -> memref<1x400xi32, #tpu.memory_space<vmem>>
            %dma_wait3A_553 = tpu.memref_squeeze %dma_wait3A_552 : memref<1x400xi32, #tpu.memory_space<vmem>> -> memref<400xi32, #tpu.memory_space<vmem>>
            %dma_wait3A_554 = tpu.memref_slice %arg4[%mul3A_383] : memref<500000xi32, #tpu.memory_space<hbm>> -> memref<400xi32, #tpu.memory_space<hbm>>
            tpu.wait_dma2 semaphore(%run_scoped3A_538 : memref<!tpu.dma_semaphore, #tpu.memory_space<semaphore_mem>>) src(%dma_wait3A_554 : memref<400xi32, #tpu.memory_space<hbm>>) dst(%dma_wait3A_553 : memref<400xi32, #tpu.memory_space<vmem>>)
            tpu.yield
          }) : () -> ()
          %mul3A_385 = arith.constant 400 : i32
          %mul3A_386 = arith.muli %add3A_381, %mul3A_385 : i32
          %run_scoped3A_387 = arith.constant 1 : i32
          "tpu.region"() ({
            %run_scoped3A_538 = tpu.sem_alloc : memref<!tpu.dma_semaphore, #tpu.memory_space<semaphore_mem>>
            %dma_start3A_539 = arith.constant 0 : i32
            %dma_start3A_540 = tpu.memref_slice %arg10[%run_scoped3A_387, %dma_start3A_539] : memref<2x400xi32, #tpu.memory_space<vmem>> -> memref<1x400xi32, #tpu.memory_space<vmem>>
            %dma_start3A_541 = tpu.memref_squeeze %dma_start3A_540 : memref<1x400xi32, #tpu.memory_space<vmem>> -> memref<400xi32, #tpu.memory_space<vmem>>
            %dma_start3A_542 = tpu.memref_slice %arg5[%mul3A_386] : memref<500000xi32, #tpu.memory_space<hbm>> -> memref<400xi32, #tpu.memory_space<hbm>>
            %dma_start3A_543 = arith.constant 0 : i32
            %dma_start3A_544 = tpu.memref_slice %arg10[%run_scoped3A_387, %dma_start3A_543] : memref<2x400xi32, #tpu.memory_space<vmem>> -> memref<1x400xi32, #tpu.memory_space<vmem>>
            %dma_start3A_545 = tpu.memref_squeeze %dma_start3A_544 : memref<1x400xi32, #tpu.memory_space<vmem>> -> memref<400xi32, #tpu.memory_space<vmem>>
            %dma_start3A_546 = tpu.memref_slice %arg5[%mul3A_386] : memref<500000xi32, #tpu.memory_space<hbm>> -> memref<400xi32, #tpu.memory_space<hbm>>
            tpu.enqueue_dma source(%dma_start3A_546 : memref<400xi32, #tpu.memory_space<hbm>>) target(%dma_start3A_545 : memref<400xi32, #tpu.memory_space<vmem>>) target_semaphore(%run_scoped3A_538 : memref<!tpu.dma_semaphore, #tpu.memory_space<semaphore_mem>>)
            %dma_wait3A_547 = arith.constant 0 : i32
            %dma_wait3A_548 = tpu.memref_slice %arg10[%run_scoped3A_387, %dma_wait3A_547] : memref<2x400xi32, #tpu.memory_space<vmem>> -> memref<1x400xi32, #tpu.memory_space<vmem>>
            %dma_wait3A_549 = tpu.memref_squeeze %dma_wait3A_548 : memref<1x400xi32, #tpu.memory_space<vmem>> -> memref<400xi32, #tpu.memory_space<vmem>>
            %dma_wait3A_550 = tpu.memref_slice %arg5[%mul3A_386] : memref<500000xi32, #tpu.memory_space<hbm>> -> memref<400xi32, #tpu.memory_space<hbm>>
            %dma_wait3A_551 = arith.constant 0 : i32
            %dma_wait3A_552 = tpu.memref_slice %arg10[%run_scoped3A_387, %dma_wait3A_551] : memref<2x400xi32, #tpu.memory_space<vmem>> -> memref<1x400xi32, #tpu.memory_space<vmem>>
            %dma_wait3A_553 = tpu.memref_squeeze %dma_wait3A_552 : memref<1x400xi32, #tpu.memory_space<vmem>> -> memref<400xi32, #tpu.memory_space<vmem>>
            %dma_wait3A_554 = tpu.memref_slice %arg5[%mul3A_386] : memref<500000xi32, #tpu.memory_space<hbm>> -> memref<400xi32, #tpu.memory_space<hbm>>
            tpu.wait_dma2 semaphore(%run_scoped3A_538 : memref<!tpu.dma_semaphore, #tpu.memory_space<semaphore_mem>>) src(%dma_wait3A_554 : memref<400xi32, #tpu.memory_space<hbm>>) dst(%dma_wait3A_553 : memref<400xi32, #tpu.memory_space<vmem>>)
            tpu.yield
          }) : () -> ()
          %dma_start3A_388 = arith.constant 1 : i32
          %dma_start3A_389 = arith.constant 1 : i32
          %dma_start3A_390 = arith.constant 1 : i32
          %dma_start3A_391 = arith.constant 0 : i32
          %dma_start3A_392 = arith.constant 0 : i32
          %dma_start3A_393 = tpu.memref_slice %arg11[%dma_start3A_389, %dma_start3A_391, %dma_start3A_392] : memref<2x400x64xf32, #tpu.memory_space<vmem>> -> memref<1x80x64xf32, #tpu.memory_space<vmem>>
          %dma_start3A_394 = tpu.memref_squeeze %dma_start3A_393 : memref<1x80x64xf32, #tpu.memory_space<vmem>> -> memref<80x64xf32, #tpu.memory_space<vmem>>
          %dma_start3A_395 = arith.constant 0 : i32
          %dma_start3A_396 = tpu.memref_slice %arg9[%dma_start3A_388, %dma_start3A_395] : memref<2x400xi32, #tpu.memory_space<vmem>> -> memref<1x80xi32, #tpu.memory_space<vmem>>
          %dma_start3A_397 = tpu.memref_squeeze %dma_start3A_396 : memref<1x80xi32, #tpu.memory_space<vmem>> -> memref<80xi32, #tpu.memory_space<vmem>>
          %dma_start3A_398 = arith.constant 0 : i32
          %dma_start3A_399 = arith.constant 0 : i32
          %dma_start3A_400 = tpu.memref_slice %arg2[%dma_start3A_398, %dma_start3A_399] : memref<100000x64xf32, #tpu.memory_space<hbm>> -> memref<100000x64xf32, #tpu.memory_space<hbm>>
          %dma_start3A_401 = tpu.memref_slice %arg16[%dma_start3A_390] : memref<2x!tpu.dma_semaphore, #tpu.memory_space<semaphore_mem>> -> memref<1x!tpu.dma_semaphore, #tpu.memory_space<semaphore_mem>>
          %dma_start3A_402 = tpu.memref_squeeze %dma_start3A_401 : memref<1x!tpu.dma_semaphore, #tpu.memory_space<semaphore_mem>> -> memref<!tpu.dma_semaphore, #tpu.memory_space<semaphore_mem>>
          tpu.enqueue_indirect_dma source(%dma_start3A_400 : memref<100000x64xf32, #tpu.memory_space<hbm>>) target(%dma_start3A_394 : memref<80x64xf32, #tpu.memory_space<vmem>>) offsets(%dma_start3A_397 : memref<80xi32, #tpu.memory_space<vmem>>) semaphore(%dma_start3A_402 : memref<!tpu.dma_semaphore, #tpu.memory_space<semaphore_mem>>)
          %dma_start3A_403 = arith.constant 1 : i32
          %dma_start3A_404 = arith.constant 1 : i32
          %dma_start3A_405 = arith.constant 1 : i32
          %dma_start3A_406 = arith.constant 0 : i32
          %dma_start3A_407 = arith.constant 0 : i32
          %dma_start3A_408 = tpu.memref_slice %arg12[%dma_start3A_404, %dma_start3A_406, %dma_start3A_407] : memref<2x400x64xf32, #tpu.memory_space<vmem>> -> memref<1x80x64xf32, #tpu.memory_space<vmem>>
          %dma_start3A_409 = tpu.memref_squeeze %dma_start3A_408 : memref<1x80x64xf32, #tpu.memory_space<vmem>> -> memref<80x64xf32, #tpu.memory_space<vmem>>
          %dma_start3A_410 = arith.constant 0 : i32
          %dma_start3A_411 = tpu.memref_slice %arg10[%dma_start3A_403, %dma_start3A_410] : memref<2x400xi32, #tpu.memory_space<vmem>> -> memref<1x80xi32, #tpu.memory_space<vmem>>
          %dma_start3A_412 = tpu.memref_squeeze %dma_start3A_411 : memref<1x80xi32, #tpu.memory_space<vmem>> -> memref<80xi32, #tpu.memory_space<vmem>>
          %dma_start3A_413 = arith.constant 0 : i32
          %dma_start3A_414 = arith.constant 0 : i32
          %dma_start3A_415 = tpu.memref_slice %arg3[%dma_start3A_413, %dma_start3A_414] : memref<100000x64xf32, #tpu.memory_space<hbm>> -> memref<100000x64xf32, #tpu.memory_space<hbm>>
          %dma_start3A_416 = tpu.memref_slice %arg16[%dma_start3A_405] : memref<2x!tpu.dma_semaphore, #tpu.memory_space<semaphore_mem>> -> memref<1x!tpu.dma_semaphore, #tpu.memory_space<semaphore_mem>>
          %dma_start3A_417 = tpu.memref_squeeze %dma_start3A_416 : memref<1x!tpu.dma_semaphore, #tpu.memory_space<semaphore_mem>> -> memref<!tpu.dma_semaphore, #tpu.memory_space<semaphore_mem>>
          tpu.enqueue_indirect_dma source(%dma_start3A_415 : memref<100000x64xf32, #tpu.memory_space<hbm>>) target(%dma_start3A_409 : memref<80x64xf32, #tpu.memory_space<vmem>>) offsets(%dma_start3A_412 : memref<80xi32, #tpu.memory_space<vmem>>) semaphore(%dma_start3A_417 : memref<!tpu.dma_semaphore, #tpu.memory_space<semaphore_mem>>)
          %dma_start3A_418 = arith.constant 1 : i32
          %dma_start3A_419 = arith.constant 1 : i32
          %dma_start3A_420 = arith.constant 1 : i32
          %dma_start3A_421 = arith.constant 80 : i32
          %dma_start3A_422 = arith.constant 0 : i32
          %dma_start3A_423 = tpu.memref_slice %arg11[%dma_start3A_419, %dma_start3A_421, %dma_start3A_422] : memref<2x400x64xf32, #tpu.memory_space<vmem>> -> memref<1x80x64xf32, #tpu.memory_space<vmem>>
          %dma_start3A_424 = tpu.memref_squeeze %dma_start3A_423 : memref<1x80x64xf32, #tpu.memory_space<vmem>> -> memref<80x64xf32, #tpu.memory_space<vmem>>
          %dma_start3A_425 = arith.constant 80 : i32
          %dma_start3A_426 = tpu.memref_slice %arg9[%dma_start3A_418, %dma_start3A_425] : memref<2x400xi32, #tpu.memory_space<vmem>> -> memref<1x80xi32, #tpu.memory_space<vmem>>
          %dma_start3A_427 = tpu.memref_squeeze %dma_start3A_426 : memref<1x80xi32, #tpu.memory_space<vmem>> -> memref<80xi32, #tpu.memory_space<vmem>>
          %dma_start3A_428 = arith.constant 0 : i32
          %dma_start3A_429 = arith.constant 0 : i32
          %dma_start3A_430 = tpu.memref_slice %arg2[%dma_start3A_428, %dma_start3A_429] : memref<100000x64xf32, #tpu.memory_space<hbm>> -> memref<100000x64xf32, #tpu.memory_space<hbm>>
          %dma_start3A_431 = tpu.memref_slice %arg16[%dma_start3A_420] : memref<2x!tpu.dma_semaphore, #tpu.memory_space<semaphore_mem>> -> memref<1x!tpu.dma_semaphore, #tpu.memory_space<semaphore_mem>>
          %dma_start3A_432 = tpu.memref_squeeze %dma_start3A_431 : memref<1x!tpu.dma_semaphore, #tpu.memory_space<semaphore_mem>> -> memref<!tpu.dma_semaphore, #tpu.memory_space<semaphore_mem>>
          tpu.enqueue_indirect_dma source(%dma_start3A_430 : memref<100000x64xf32, #tpu.memory_space<hbm>>) target(%dma_start3A_424 : memref<80x64xf32, #tpu.memory_space<vmem>>) offsets(%dma_start3A_427 : memref<80xi32, #tpu.memory_space<vmem>>) semaphore(%dma_start3A_432 : memref<!tpu.dma_semaphore, #tpu.memory_space<semaphore_mem>>)
          %dma_start3A_433 = arith.constant 1 : i32
          %dma_start3A_434 = arith.constant 1 : i32
          %dma_start3A_435 = arith.constant 1 : i32
          %dma_start3A_436 = arith.constant 80 : i32
          %dma_start3A_437 = arith.constant 0 : i32
          %dma_start3A_438 = tpu.memref_slice %arg12[%dma_start3A_434, %dma_start3A_436, %dma_start3A_437] : memref<2x400x64xf32, #tpu.memory_space<vmem>> -> memref<1x80x64xf32, #tpu.memory_space<vmem>>
          %dma_start3A_439 = tpu.memref_squeeze %dma_start3A_438 : memref<1x80x64xf32, #tpu.memory_space<vmem>> -> memref<80x64xf32, #tpu.memory_space<vmem>>
          %dma_start3A_440 = arith.constant 80 : i32
          %dma_start3A_441 = tpu.memref_slice %arg10[%dma_start3A_433, %dma_start3A_440] : memref<2x400xi32, #tpu.memory_space<vmem>> -> memref<1x80xi32, #tpu.memory_space<vmem>>
          %dma_start3A_442 = tpu.memref_squeeze %dma_start3A_441 : memref<1x80xi32, #tpu.memory_space<vmem>> -> memref<80xi32, #tpu.memory_space<vmem>>
          %dma_start3A_443 = arith.constant 0 : i32
          %dma_start3A_444 = arith.constant 0 : i32
          %dma_start3A_445 = tpu.memref_slice %arg3[%dma_start3A_443, %dma_start3A_444] : memref<100000x64xf32, #tpu.memory_space<hbm>> -> memref<100000x64xf32, #tpu.memory_space<hbm>>
          %dma_start3A_446 = tpu.memref_slice %arg16[%dma_start3A_435] : memref<2x!tpu.dma_semaphore, #tpu.memory_space<semaphore_mem>> -> memref<1x!tpu.dma_semaphore, #tpu.memory_space<semaphore_mem>>
          %dma_start3A_447 = tpu.memref_squeeze %dma_start3A_446 : memref<1x!tpu.dma_semaphore, #tpu.memory_space<semaphore_mem>> -> memref<!tpu.dma_semaphore, #tpu.memory_space<semaphore_mem>>
          tpu.enqueue_indirect_dma source(%dma_start3A_445 : memref<100000x64xf32, #tpu.memory_space<hbm>>) target(%dma_start3A_439 : memref<80x64xf32, #tpu.memory_space<vmem>>) offsets(%dma_start3A_442 : memref<80xi32, #tpu.memory_space<vmem>>) semaphore(%dma_start3A_447 : memref<!tpu.dma_semaphore, #tpu.memory_space<semaphore_mem>>)
          %dma_start3A_448 = arith.constant 1 : i32
          %dma_start3A_449 = arith.constant 1 : i32
          %dma_start3A_450 = arith.constant 1 : i32
          %dma_start3A_451 = arith.constant 160 : i32
          %dma_start3A_452 = arith.constant 0 : i32
          %dma_start3A_453 = tpu.memref_slice %arg11[%dma_start3A_449, %dma_start3A_451, %dma_start3A_452] : memref<2x400x64xf32, #tpu.memory_space<vmem>> -> memref<1x80x64xf32, #tpu.memory_space<vmem>>
          %dma_start3A_454 = tpu.memref_squeeze %dma_start3A_453 : memref<1x80x64xf32, #tpu.memory_space<vmem>> -> memref<80x64xf32, #tpu.memory_space<vmem>>
          %dma_start3A_455 = arith.constant 160 : i32
          %dma_start3A_456 = tpu.memref_slice %arg9[%dma_start3A_448, %dma_start3A_455] : memref<2x400xi32, #tpu.memory_space<vmem>> -> memref<1x80xi32, #tpu.memory_space<vmem>>
          %dma_start3A_457 = tpu.memref_squeeze %dma_start3A_456 : memref<1x80xi32, #tpu.memory_space<vmem>> -> memref<80xi32, #tpu.memory_space<vmem>>
          %dma_start3A_458 = arith.constant 0 : i32
          %dma_start3A_459 = arith.constant 0 : i32
          %dma_start3A_460 = tpu.memref_slice %arg2[%dma_start3A_458, %dma_start3A_459] : memref<100000x64xf32, #tpu.memory_space<hbm>> -> memref<100000x64xf32, #tpu.memory_space<hbm>>
          %dma_start3A_461 = tpu.memref_slice %arg16[%dma_start3A_450] : memref<2x!tpu.dma_semaphore, #tpu.memory_space<semaphore_mem>> -> memref<1x!tpu.dma_semaphore, #tpu.memory_space<semaphore_mem>>
          %dma_start3A_462 = tpu.memref_squeeze %dma_start3A_461 : memref<1x!tpu.dma_semaphore, #tpu.memory_space<semaphore_mem>> -> memref<!tpu.dma_semaphore, #tpu.memory_space<semaphore_mem>>
          tpu.enqueue_indirect_dma source(%dma_start3A_460 : memref<100000x64xf32, #tpu.memory_space<hbm>>) target(%dma_start3A_454 : memref<80x64xf32, #tpu.memory_space<vmem>>) offsets(%dma_start3A_457 : memref<80xi32, #tpu.memory_space<vmem>>) semaphore(%dma_start3A_462 : memref<!tpu.dma_semaphore, #tpu.memory_space<semaphore_mem>>)
          %dma_start3A_463 = arith.constant 1 : i32
          %dma_start3A_464 = arith.constant 1 : i32
          %dma_start3A_465 = arith.constant 1 : i32
          %dma_start3A_466 = arith.constant 160 : i32
          %dma_start3A_467 = arith.constant 0 : i32
          %dma_start3A_468 = tpu.memref_slice %arg12[%dma_start3A_464, %dma_start3A_466, %dma_start3A_467] : memref<2x400x64xf32, #tpu.memory_space<vmem>> -> memref<1x80x64xf32, #tpu.memory_space<vmem>>
          %dma_start3A_469 = tpu.memref_squeeze %dma_start3A_468 : memref<1x80x64xf32, #tpu.memory_space<vmem>> -> memref<80x64xf32, #tpu.memory_space<vmem>>
          %dma_start3A_470 = arith.constant 160 : i32
          %dma_start3A_471 = tpu.memref_slice %arg10[%dma_start3A_463, %dma_start3A_470] : memref<2x400xi32, #tpu.memory_space<vmem>> -> memref<1x80xi32, #tpu.memory_space<vmem>>
          %dma_start3A_472 = tpu.memref_squeeze %dma_start3A_471 : memref<1x80xi32, #tpu.memory_space<vmem>> -> memref<80xi32, #tpu.memory_space<vmem>>
          %dma_start3A_473 = arith.constant 0 : i32
          %dma_start3A_474 = arith.constant 0 : i32
          %dma_start3A_475 = tpu.memref_slice %arg3[%dma_start3A_473, %dma_start3A_474] : memref<100000x64xf32, #tpu.memory_space<hbm>> -> memref<100000x64xf32, #tpu.memory_space<hbm>>
          %dma_start3A_476 = tpu.memref_slice %arg16[%dma_start3A_465] : memref<2x!tpu.dma_semaphore, #tpu.memory_space<semaphore_mem>> -> memref<1x!tpu.dma_semaphore, #tpu.memory_space<semaphore_mem>>
          %dma_start3A_477 = tpu.memref_squeeze %dma_start3A_476 : memref<1x!tpu.dma_semaphore, #tpu.memory_space<semaphore_mem>> -> memref<!tpu.dma_semaphore, #tpu.memory_space<semaphore_mem>>
          tpu.enqueue_indirect_dma source(%dma_start3A_475 : memref<100000x64xf32, #tpu.memory_space<hbm>>) target(%dma_start3A_469 : memref<80x64xf32, #tpu.memory_space<vmem>>) offsets(%dma_start3A_472 : memref<80xi32, #tpu.memory_space<vmem>>) semaphore(%dma_start3A_477 : memref<!tpu.dma_semaphore, #tpu.memory_space<semaphore_mem>>)
          %dma_start3A_478 = arith.constant 1 : i32
          %dma_start3A_479 = arith.constant 1 : i32
          %dma_start3A_480 = arith.constant 1 : i32
          %dma_start3A_481 = arith.constant 240 : i32
          %dma_start3A_482 = arith.constant 0 : i32
          %dma_start3A_483 = tpu.memref_slice %arg11[%dma_start3A_479, %dma_start3A_481, %dma_start3A_482] : memref<2x400x64xf32, #tpu.memory_space<vmem>> -> memref<1x80x64xf32, #tpu.memory_space<vmem>>
          %dma_start3A_484 = tpu.memref_squeeze %dma_start3A_483 : memref<1x80x64xf32, #tpu.memory_space<vmem>> -> memref<80x64xf32, #tpu.memory_space<vmem>>
          %dma_start3A_485 = arith.constant 240 : i32
          %dma_start3A_486 = tpu.memref_slice %arg9[%dma_start3A_478, %dma_start3A_485] : memref<2x400xi32, #tpu.memory_space<vmem>> -> memref<1x80xi32, #tpu.memory_space<vmem>>
          %dma_start3A_487 = tpu.memref_squeeze %dma_start3A_486 : memref<1x80xi32, #tpu.memory_space<vmem>> -> memref<80xi32, #tpu.memory_space<vmem>>
          %dma_start3A_488 = arith.constant 0 : i32
          %dma_start3A_489 = arith.constant 0 : i32
          %dma_start3A_490 = tpu.memref_slice %arg2[%dma_start3A_488, %dma_start3A_489] : memref<100000x64xf32, #tpu.memory_space<hbm>> -> memref<100000x64xf32, #tpu.memory_space<hbm>>
          %dma_start3A_491 = tpu.memref_slice %arg16[%dma_start3A_480] : memref<2x!tpu.dma_semaphore, #tpu.memory_space<semaphore_mem>> -> memref<1x!tpu.dma_semaphore, #tpu.memory_space<semaphore_mem>>
          %dma_start3A_492 = tpu.memref_squeeze %dma_start3A_491 : memref<1x!tpu.dma_semaphore, #tpu.memory_space<semaphore_mem>> -> memref<!tpu.dma_semaphore, #tpu.memory_space<semaphore_mem>>
          tpu.enqueue_indirect_dma source(%dma_start3A_490 : memref<100000x64xf32, #tpu.memory_space<hbm>>) target(%dma_start3A_484 : memref<80x64xf32, #tpu.memory_space<vmem>>) offsets(%dma_start3A_487 : memref<80xi32, #tpu.memory_space<vmem>>) semaphore(%dma_start3A_492 : memref<!tpu.dma_semaphore, #tpu.memory_space<semaphore_mem>>)
          %dma_start3A_493 = arith.constant 1 : i32
          %dma_start3A_494 = arith.constant 1 : i32
          %dma_start3A_495 = arith.constant 1 : i32
          %dma_start3A_496 = arith.constant 240 : i32
          %dma_start3A_497 = arith.constant 0 : i32
          %dma_start3A_498 = tpu.memref_slice %arg12[%dma_start3A_494, %dma_start3A_496, %dma_start3A_497] : memref<2x400x64xf32, #tpu.memory_space<vmem>> -> memref<1x80x64xf32, #tpu.memory_space<vmem>>
          %dma_start3A_499 = tpu.memref_squeeze %dma_start3A_498 : memref<1x80x64xf32, #tpu.memory_space<vmem>> -> memref<80x64xf32, #tpu.memory_space<vmem>>
          %dma_start3A_500 = arith.constant 240 : i32
          %dma_start3A_501 = tpu.memref_slice %arg10[%dma_start3A_493, %dma_start3A_500] : memref<2x400xi32, #tpu.memory_space<vmem>> -> memref<1x80xi32, #tpu.memory_space<vmem>>
          %dma_start3A_502 = tpu.memref_squeeze %dma_start3A_501 : memref<1x80xi32, #tpu.memory_space<vmem>> -> memref<80xi32, #tpu.memory_space<vmem>>
          %dma_start3A_503 = arith.constant 0 : i32
          %dma_start3A_504 = arith.constant 0 : i32
          %dma_start3A_505 = tpu.memref_slice %arg3[%dma_start3A_503, %dma_start3A_504] : memref<100000x64xf32, #tpu.memory_space<hbm>> -> memref<100000x64xf32, #tpu.memory_space<hbm>>
          %dma_start3A_506 = tpu.memref_slice %arg16[%dma_start3A_495] : memref<2x!tpu.dma_semaphore, #tpu.memory_space<semaphore_mem>> -> memref<1x!tpu.dma_semaphore, #tpu.memory_space<semaphore_mem>>
          %dma_start3A_507 = tpu.memref_squeeze %dma_start3A_506 : memref<1x!tpu.dma_semaphore, #tpu.memory_space<semaphore_mem>> -> memref<!tpu.dma_semaphore, #tpu.memory_space<semaphore_mem>>
          tpu.enqueue_indirect_dma source(%dma_start3A_505 : memref<100000x64xf32, #tpu.memory_space<hbm>>) target(%dma_start3A_499 : memref<80x64xf32, #tpu.memory_space<vmem>>) offsets(%dma_start3A_502 : memref<80xi32, #tpu.memory_space<vmem>>) semaphore(%dma_start3A_507 : memref<!tpu.dma_semaphore, #tpu.memory_space<semaphore_mem>>)
          %dma_start3A_508 = arith.constant 1 : i32
          %dma_start3A_509 = arith.constant 1 : i32
          %dma_start3A_510 = arith.constant 1 : i32
          %dma_start3A_511 = arith.constant 320 : i32
          %dma_start3A_512 = arith.constant 0 : i32
          %dma_start3A_513 = tpu.memref_slice %arg11[%dma_start3A_509, %dma_start3A_511, %dma_start3A_512] : memref<2x400x64xf32, #tpu.memory_space<vmem>> -> memref<1x80x64xf32, #tpu.memory_space<vmem>>
          %dma_start3A_514 = tpu.memref_squeeze %dma_start3A_513 : memref<1x80x64xf32, #tpu.memory_space<vmem>> -> memref<80x64xf32, #tpu.memory_space<vmem>>
          %dma_start3A_515 = arith.constant 320 : i32
          %dma_start3A_516 = tpu.memref_slice %arg9[%dma_start3A_508, %dma_start3A_515] : memref<2x400xi32, #tpu.memory_space<vmem>> -> memref<1x80xi32, #tpu.memory_space<vmem>>
          %dma_start3A_517 = tpu.memref_squeeze %dma_start3A_516 : memref<1x80xi32, #tpu.memory_space<vmem>> -> memref<80xi32, #tpu.memory_space<vmem>>
          %dma_start3A_518 = arith.constant 0 : i32
          %dma_start3A_519 = arith.constant 0 : i32
          %dma_start3A_520 = tpu.memref_slice %arg2[%dma_start3A_518, %dma_start3A_519] : memref<100000x64xf32, #tpu.memory_space<hbm>> -> memref<100000x64xf32, #tpu.memory_space<hbm>>
          %dma_start3A_521 = tpu.memref_slice %arg16[%dma_start3A_510] : memref<2x!tpu.dma_semaphore, #tpu.memory_space<semaphore_mem>> -> memref<1x!tpu.dma_semaphore, #tpu.memory_space<semaphore_mem>>
          %dma_start3A_522 = tpu.memref_squeeze %dma_start3A_521 : memref<1x!tpu.dma_semaphore, #tpu.memory_space<semaphore_mem>> -> memref<!tpu.dma_semaphore, #tpu.memory_space<semaphore_mem>>
          tpu.enqueue_indirect_dma source(%dma_start3A_520 : memref<100000x64xf32, #tpu.memory_space<hbm>>) target(%dma_start3A_514 : memref<80x64xf32, #tpu.memory_space<vmem>>) offsets(%dma_start3A_517 : memref<80xi32, #tpu.memory_space<vmem>>) semaphore(%dma_start3A_522 : memref<!tpu.dma_semaphore, #tpu.memory_space<semaphore_mem>>)
          %dma_start3A_523 = arith.constant 1 : i32
          %dma_start3A_524 = arith.constant 1 : i32
          %dma_start3A_525 = arith.constant 1 : i32
          %dma_start3A_526 = arith.constant 320 : i32
          %dma_start3A_527 = arith.constant 0 : i32
          %dma_start3A_528 = tpu.memref_slice %arg12[%dma_start3A_524, %dma_start3A_526, %dma_start3A_527] : memref<2x400x64xf32, #tpu.memory_space<vmem>> -> memref<1x80x64xf32, #tpu.memory_space<vmem>>
          %dma_start3A_529 = tpu.memref_squeeze %dma_start3A_528 : memref<1x80x64xf32, #tpu.memory_space<vmem>> -> memref<80x64xf32, #tpu.memory_space<vmem>>
          %dma_start3A_530 = arith.constant 320 : i32
          %dma_start3A_531 = tpu.memref_slice %arg10[%dma_start3A_523, %dma_start3A_530] : memref<2x400xi32, #tpu.memory_space<vmem>> -> memref<1x80xi32, #tpu.memory_space<vmem>>
          %dma_start3A_532 = tpu.memref_squeeze %dma_start3A_531 : memref<1x80xi32, #tpu.memory_space<vmem>> -> memref<80xi32, #tpu.memory_space<vmem>>
          %dma_start3A_533 = arith.constant 0 : i32
          %dma_start3A_534 = arith.constant 0 : i32
          %dma_start3A_535 = tpu.memref_slice %arg3[%dma_start3A_533, %dma_start3A_534] : memref<100000x64xf32, #tpu.memory_space<hbm>> -> memref<100000x64xf32, #tpu.memory_space<hbm>>
          %dma_start3A_536 = tpu.memref_slice %arg16[%dma_start3A_525] : memref<2x!tpu.dma_semaphore, #tpu.memory_space<semaphore_mem>> -> memref<1x!tpu.dma_semaphore, #tpu.memory_space<semaphore_mem>>
          %dma_start3A_537 = tpu.memref_squeeze %dma_start3A_536 : memref<1x!tpu.dma_semaphore, #tpu.memory_space<semaphore_mem>> -> memref<!tpu.dma_semaphore, #tpu.memory_space<semaphore_mem>>
          tpu.enqueue_indirect_dma source(%dma_start3A_535 : memref<100000x64xf32, #tpu.memory_space<hbm>>) target(%dma_start3A_529 : memref<80x64xf32, #tpu.memory_space<vmem>>) offsets(%dma_start3A_532 : memref<80xi32, #tpu.memory_space<vmem>>) semaphore(%dma_start3A_537 : memref<!tpu.dma_semaphore, #tpu.memory_space<semaphore_mem>>)
        } else {
        }
        %get3A = arith.constant 0 : index
        %get3A_341 = tpu.vector_load %arg14[%get3A] {strides = array<i32>} : memref<1536xf32, #tpu.memory_space<vmem>>, vector<16xf32>,
        %get3A_342 = arith.constant 128 : index
        %get3A_343 = tpu.vector_load %arg14[%get3A_342] {strides = array<i32>} : memref<1536xf32, #tpu.memory_space<vmem>>, vector<16xf32>,
        %get3A_344 = arith.constant 256 : index
        %get3A_345 = tpu.vector_load %arg14[%get3A_344] {strides = array<i32>} : memref<1536xf32, #tpu.memory_space<vmem>>, vector<16xf32>,
        %get3A_346 = arith.constant 384 : index
        %get3A_347 = tpu.vector_load %arg14[%get3A_346] {strides = array<i32>} : memref<1536xf32, #tpu.memory_space<vmem>>, vector<16xf32>,
        %get3A_348 = arith.constant 512 : index
        %get3A_349 = tpu.vector_load %arg14[%get3A_348] {strides = array<i32>} : memref<1536xf32, #tpu.memory_space<vmem>>, vector<16xf32>,
        %get3A_350 = arith.constant 640 : index
        %get3A_351 = tpu.vector_load %arg14[%get3A_350] {strides = array<i32>} : memref<1536xf32, #tpu.memory_space<vmem>>, vector<16xf32>,
        %get3A_352 = arith.constant 768 : index
        %get3A_353 = tpu.vector_load %arg14[%get3A_352] {strides = array<i32>} : memref<1536xf32, #tpu.memory_space<vmem>>, vector<16xf32>,
        %get3A_354 = arith.constant 896 : index
        %get3A_355 = tpu.vector_load %arg14[%get3A_354] {strides = array<i32>} : memref<1536xf32, #tpu.memory_space<vmem>>, vector<16xf32>,
        %get3A_356 = arith.constant 1024 : index
        %get3A_357 = tpu.vector_load %arg14[%get3A_356] {strides = array<i32>} : memref<1536xf32, #tpu.memory_space<vmem>>, vector<16xf32>,
        %get3A_358 = arith.constant 1152 : index
        %get3A_359 = tpu.vector_load %arg14[%get3A_358] {strides = array<i32>} : memref<1536xf32, #tpu.memory_space<vmem>>, vector<16xf32>,
        %get3A_360 = arith.constant 1280 : index
        %get3A_361 = tpu.vector_load %arg14[%get3A_360] {strides = array<i32>} : memref<1536xf32, #tpu.memory_space<vmem>>, vector<16xf32>,
        %get3A_362 = arith.constant 1408 : index
        %get3A_363 = tpu.vector_load %arg14[%get3A_362] {strides = array<i32>} : memref<1536xf32, #tpu.memory_space<vmem>>, vector<16xf32>,
        %get3A_364 = arith.constant 0 : index
        %get3A_365 = tpu.vector_load %arg15[%get3A_364] {strides = array<i32>} : memref<384xf32, #tpu.memory_space<vmem>>, vector<16xf32>,
        %get3A_366 = arith.constant 128 : index
        %get3A_367 = tpu.vector_load %arg15[%get3A_366] {strides = array<i32>} : memref<384xf32, #tpu.memory_space<vmem>>, vector<16xf32>,
        %get3A_368 = arith.constant 256 : index
        %get3A_369 = tpu.vector_load %arg15[%get3A_368] {strides = array<i32>} : memref<384xf32, #tpu.memory_space<vmem>>, vector<16xf32>,
        %iota3A = tpu.iota {dimensions = array<i32: 0>} : vector<16xi32>
        %lt3A_370 = arith.constant 8 : i32
        %lt3A_371 = vector.broadcast %lt3A_370 : i32 to vector<16xi32>
        %lt3A_372 = arith.cmpi slt, %iota3A, %lt3A_371 : vector<16xi32>
        %scan3A_373 = arith.constant 0 : i32
        %scan3A_374 = arith.constant 200 : i32
        %scan3A_375 = arith.addi %scan3A_373, %scan3A_374 : i32
        %scan3A_376 = arith.constant 1 : i32
        scf.for %scan3A_380 = %scan3A_373 to %scan3A_375 step %scan3A_376  : i32 {
          %mul3A_381 = arith.constant 2 : i32
          %mul3A_382 = arith.muli %mul3A_381, %scan3A_380 : i32
          %get3A_383 = arith.constant 0 : i32
          %get3A_384 = arith.constant 0 : i32
          %get3A_385 = arith.constant 0 : i32
          %get3A_386 = tpu.memref_slice %arg11[%get3A_383, %get3A_384, %get3A_385] : memref<2x400x64xf32, #tpu.memory_space<vmem>> -> memref<1x400x64xf32, #tpu.memory_space<vmem>>
          %get3A_387 = tpu.memref_squeeze %get3A_386 : memref<1x400x64xf32, #tpu.memory_space<vmem>> -> memref<400x64xf32, #tpu.memory_space<vmem>>
          %get3A_388 = arith.index_cast %mul3A_382 : i32 to index
          %get3A_389 = arith.constant 0 : index
          %get3A_390 = tpu.vector_load %get3A_387[%get3A_388, %get3A_389] {strides = array<i32>} : memref<400x64xf32, #tpu.memory_space<vmem>>, vector<16xf32>,
          %get3A_391 = arith.constant 0 : i32
          %get3A_392 = arith.constant 0 : i32
          %get3A_393 = arith.constant 0 : i32
          %get3A_394 = tpu.memref_slice %arg12[%get3A_391, %get3A_392, %get3A_393] : memref<2x400x64xf32, #tpu.memory_space<vmem>> -> memref<1x400x64xf32, #tpu.memory_space<vmem>>
          %get3A_395 = tpu.memref_squeeze %get3A_394 : memref<1x400x64xf32, #tpu.memory_space<vmem>> -> memref<400x64xf32, #tpu.memory_space<vmem>>
          %get3A_396 = arith.index_cast %mul3A_382 : i32 to index
          %get3A_397 = arith.constant 0 : index
          %get3A_398 = tpu.vector_load %get3A_395[%get3A_396, %get3A_397] {strides = array<i32>} : memref<400x64xf32, #tpu.memory_space<vmem>>, vector<16xf32>,
          %mul3A_399 = arith.mulf %get3A_390, %get3A_398 : vector<16xf32>
          %get3A_400 = arith.constant 0 : i32
          %get3A_401 = arith.constant 0 : i32
          %get3A_402 = arith.constant 0 : i32
          %get3A_403 = tpu.memref_slice %arg11[%get3A_400, %get3A_401, %get3A_402] : memref<2x400x64xf32, #tpu.memory_space<vmem>> -> memref<1x400x64xf32, #tpu.memory_space<vmem>>
          %get3A_404 = tpu.memref_squeeze %get3A_403 : memref<1x400x64xf32, #tpu.memory_space<vmem>> -> memref<400x64xf32, #tpu.memory_space<vmem>>
          %get3A_405 = arith.index_cast %mul3A_382 : i32 to index
          %get3A_406 = arith.constant 16 : index
          %get3A_407 = tpu.vector_load %get3A_404[%get3A_405, %get3A_406] {strides = array<i32>} : memref<400x64xf32, #tpu.memory_space<vmem>>, vector<16xf32>,
          %get3A_408 = arith.constant 0 : i32
          %get3A_409 = arith.constant 0 : i32
          %get3A_410 = arith.constant 0 : i32
          %get3A_411 = tpu.memref_slice %arg12[%get3A_408, %get3A_409, %get3A_410] : memref<2x400x64xf32, #tpu.memory_space<vmem>> -> memref<1x400x64xf32, #tpu.memory_space<vmem>>
          %get3A_412 = tpu.memref_squeeze %get3A_411 : memref<1x400x64xf32, #tpu.memory_space<vmem>> -> memref<400x64xf32, #tpu.memory_space<vmem>>
          %get3A_413 = arith.index_cast %mul3A_382 : i32 to index
          %get3A_414 = arith.constant 16 : index
          %get3A_415 = tpu.vector_load %get3A_412[%get3A_413, %get3A_414] {strides = array<i32>} : memref<400x64xf32, #tpu.memory_space<vmem>>, vector<16xf32>,
          %mul3A_416 = arith.mulf %get3A_407, %get3A_415 : vector<16xf32>
          %get3A_417 = arith.constant 0 : i32
          %get3A_418 = arith.constant 0 : i32
          %get3A_419 = arith.constant 0 : i32
          %get3A_420 = tpu.memref_slice %arg11[%get3A_417, %get3A_418, %get3A_419] : memref<2x400x64xf32, #tpu.memory_space<vmem>> -> memref<1x400x64xf32, #tpu.memory_space<vmem>>
          %get3A_421 = tpu.memref_squeeze %get3A_420 : memref<1x400x64xf32, #tpu.memory_space<vmem>> -> memref<400x64xf32, #tpu.memory_space<vmem>>
          %get3A_422 = arith.index_cast %mul3A_382 : i32 to index
          %get3A_423 = arith.constant 32 : index
          %get3A_424 = tpu.vector_load %get3A_421[%get3A_422, %get3A_423] {strides = array<i32>} : memref<400x64xf32, #tpu.memory_space<vmem>>, vector<16xf32>,
          %get3A_425 = arith.constant 0 : i32
          %get3A_426 = arith.constant 0 : i32
          %get3A_427 = arith.constant 0 : i32
          %get3A_428 = tpu.memref_slice %arg12[%get3A_425, %get3A_426, %get3A_427] : memref<2x400x64xf32, #tpu.memory_space<vmem>> -> memref<1x400x64xf32, #tpu.memory_space<vmem>>
          %get3A_429 = tpu.memref_squeeze %get3A_428 : memref<1x400x64xf32, #tpu.memory_space<vmem>> -> memref<400x64xf32, #tpu.memory_space<vmem>>
          %get3A_430 = arith.index_cast %mul3A_382 : i32 to index
          %get3A_431 = arith.constant 32 : index
          %get3A_432 = tpu.vector_load %get3A_429[%get3A_430, %get3A_431] {strides = array<i32>} : memref<400x64xf32, #tpu.memory_space<vmem>>, vector<16xf32>,
          %mul3A_433 = arith.mulf %get3A_424, %get3A_432 : vector<16xf32>
          %get3A_434 = arith.constant 0 : i32
          %get3A_435 = arith.constant 0 : i32
          %get3A_436 = arith.constant 0 : i32
          %get3A_437 = tpu.memref_slice %arg11[%get3A_434, %get3A_435, %get3A_436] : memref<2x400x64xf32, #tpu.memory_space<vmem>> -> memref<1x400x64xf32, #tpu.memory_space<vmem>>
          %get3A_438 = tpu.memref_squeeze %get3A_437 : memref<1x400x64xf32, #tpu.memory_space<vmem>> -> memref<400x64xf32, #tpu.memory_space<vmem>>
          %get3A_439 = arith.index_cast %mul3A_382 : i32 to index
          %get3A_440 = arith.constant 48 : index
          %get3A_441 = tpu.vector_load %get3A_438[%get3A_439, %get3A_440] {strides = array<i32>} : memref<400x64xf32, #tpu.memory_space<vmem>>, vector<16xf32>,
          %get3A_442 = arith.constant 0 : i32
          %get3A_443 = arith.constant 0 : i32
          %get3A_444 = arith.constant 0 : i32
          %get3A_445 = tpu.memref_slice %arg12[%get3A_442, %get3A_443, %get3A_444] : memref<2x400x64xf32, #tpu.memory_space<vmem>> -> memref<1x400x64xf32, #tpu.memory_space<vmem>>
          %get3A_446 = tpu.memref_squeeze %get3A_445 : memref<1x400x64xf32, #tpu.memory_space<vmem>> -> memref<400x64xf32, #tpu.memory_space<vmem>>
          %get3A_447 = arith.index_cast %mul3A_382 : i32 to index
          %get3A_448 = arith.constant 48 : index
          %get3A_449 = tpu.vector_load %get3A_446[%get3A_447, %get3A_448] {strides = array<i32>} : memref<400x64xf32, #tpu.memory_space<vmem>>, vector<16xf32>,
          %mul3A_450 = arith.mulf %get3A_441, %get3A_449 : vector<16xf32>
          %mul3A_451 = arith.mulf %mul3A_399, %get3A_341 : vector<16xf32>
          %mul3A_452 = arith.mulf %mul3A_416, %get3A_343 : vector<16xf32>
          %add3A_453 = arith.addf %mul3A_451, %mul3A_452 : vector<16xf32>
          %mul3A_454 = arith.mulf %mul3A_433, %get3A_345 : vector<16xf32>
          %add3A_455 = arith.addf %add3A_453, %mul3A_454 : vector<16xf32>
          %mul3A_456 = arith.mulf %mul3A_450, %get3A_347 : vector<16xf32>
          %add3A_457 = arith.addf %add3A_455, %mul3A_456 : vector<16xf32>
          %reduce_sum3A = arith.constant true
          %reduce_sum3A_458 = vector.broadcast %reduce_sum3A : i1 to vector<16xi1>
          %reduce_sum3A_459 = tpu.scan <sum>, %add3A_457 masked %reduce_sum3A_458 : vector<16xf32>, vector<16xi1> -> vector<16xf32>
          %reduce_sum3A_460 = vector.extract %reduce_sum3A_459[15] : f32 from vector<16xf32>
          %mul3A_461 = arith.mulf %mul3A_399, %get3A_349 : vector<16xf32>
          %mul3A_462 = arith.mulf %mul3A_416, %get3A_351 : vector<16xf32>
          %add3A_463 = arith.addf %mul3A_461, %mul3A_462 : vector<16xf32>
          %mul3A_464 = arith.mulf %mul3A_433, %get3A_353 : vector<16xf32>
          %add3A_465 = arith.addf %add3A_463, %mul3A_464 : vector<16xf32>
          %mul3A_466 = arith.mulf %mul3A_450, %get3A_355 : vector<16xf32>
          %add3A_467 = arith.addf %add3A_465, %mul3A_466 : vector<16xf32>
          %reduce_sum3A_468 = arith.constant true
          %reduce_sum3A_469 = vector.broadcast %reduce_sum3A_468 : i1 to vector<16xi1>
          %reduce_sum3A_470 = tpu.scan <sum>, %add3A_467 masked %reduce_sum3A_469 : vector<16xf32>, vector<16xi1> -> vector<16xf32>
          %reduce_sum3A_471 = vector.extract %reduce_sum3A_470[15] : f32 from vector<16xf32>
          %mul3A_472 = arith.mulf %mul3A_399, %get3A_357 : vector<16xf32>
          %mul3A_473 = arith.mulf %mul3A_416, %get3A_359 : vector<16xf32>
          %add3A_474 = arith.addf %mul3A_472, %mul3A_473 : vector<16xf32>
          %mul3A_475 = arith.mulf %mul3A_433, %get3A_361 : vector<16xf32>
          %add3A_476 = arith.addf %add3A_474, %mul3A_475 : vector<16xf32>
          %mul3A_477 = arith.mulf %mul3A_450, %get3A_363 : vector<16xf32>
          %add3A_478 = arith.addf %add3A_476, %mul3A_477 : vector<16xf32>
          %reduce_sum3A_479 = arith.constant true
          %reduce_sum3A_480 = vector.broadcast %reduce_sum3A_479 : i1 to vector<16xi1>
          %reduce_sum3A_481 = tpu.scan <sum>, %add3A_478 masked %reduce_sum3A_480 : vector<16xf32>, vector<16xi1> -> vector<16xf32>
          %reduce_sum3A_482 = vector.extract %reduce_sum3A_481[15] : f32 from vector<16xf32>
          %mul3A_483 = arith.constant 2 : i32
          %mul3A_484 = arith.muli %mul3A_483, %scan3A_380 : i32
          %add3A_485 = arith.constant 1 : i32
          %add3A_486 = arith.addi %mul3A_484, %add3A_485 : i32
          %get3A_487 = arith.constant 0 : i32
          %get3A_488 = arith.constant 0 : i32
          %get3A_489 = arith.constant 0 : i32
          %get3A_490 = tpu.memref_slice %arg11[%get3A_487, %get3A_488, %get3A_489] : memref<2x400x64xf32, #tpu.memory_space<vmem>> -> memref<1x400x64xf32, #tpu.memory_space<vmem>>
          %get3A_491 = tpu.memref_squeeze %get3A_490 : memref<1x400x64xf32, #tpu.memory_space<vmem>> -> memref<400x64xf32, #tpu.memory_space<vmem>>
          %get3A_492 = arith.index_cast %add3A_486 : i32 to index
          %get3A_493 = arith.constant 0 : index
          %get3A_494 = tpu.vector_load %get3A_491[%get3A_492, %get3A_493] {strides = array<i32>} : memref<400x64xf32, #tpu.memory_space<vmem>>, vector<16xf32>,
          %get3A_495 = arith.constant 0 : i32
          %get3A_496 = arith.constant 0 : i32
          %get3A_497 = arith.constant 0 : i32
          %get3A_498 = tpu.memref_slice %arg12[%get3A_495, %get3A_496, %get3A_497] : memref<2x400x64xf32, #tpu.memory_space<vmem>> -> memref<1x400x64xf32, #tpu.memory_space<vmem>>
          %get3A_499 = tpu.memref_squeeze %get3A_498 : memref<1x400x64xf32, #tpu.memory_space<vmem>> -> memref<400x64xf32, #tpu.memory_space<vmem>>
          %get3A_500 = arith.index_cast %add3A_486 : i32 to index
          %get3A_501 = arith.constant 0 : index
          %get3A_502 = tpu.vector_load %get3A_499[%get3A_500, %get3A_501] {strides = array<i32>} : memref<400x64xf32, #tpu.memory_space<vmem>>, vector<16xf32>,
          %mul3A_503 = arith.mulf %get3A_494, %get3A_502 : vector<16xf32>
          %get3A_504 = arith.constant 0 : i32
          %get3A_505 = arith.constant 0 : i32
          %get3A_506 = arith.constant 0 : i32
          %get3A_507 = tpu.memref_slice %arg11[%get3A_504, %get3A_505, %get3A_506] : memref<2x400x64xf32, #tpu.memory_space<vmem>> -> memref<1x400x64xf32, #tpu.memory_space<vmem>>
          %get3A_508 = tpu.memref_squeeze %get3A_507 : memref<1x400x64xf32, #tpu.memory_space<vmem>> -> memref<400x64xf32, #tpu.memory_space<vmem>>
          %get3A_509 = arith.index_cast %add3A_486 : i32 to index
          %get3A_510 = arith.constant 16 : index
          %get3A_511 = tpu.vector_load %get3A_508[%get3A_509, %get3A_510] {strides = array<i32>} : memref<400x64xf32, #tpu.memory_space<vmem>>, vector<16xf32>,
          %get3A_512 = arith.constant 0 : i32
          %get3A_513 = arith.constant 0 : i32
          %get3A_514 = arith.constant 0 : i32
          %get3A_515 = tpu.memref_slice %arg12[%get3A_512, %get3A_513, %get3A_514] : memref<2x400x64xf32, #tpu.memory_space<vmem>> -> memref<1x400x64xf32, #tpu.memory_space<vmem>>
          %get3A_516 = tpu.memref_squeeze %get3A_515 : memref<1x400x64xf32, #tpu.memory_space<vmem>> -> memref<400x64xf32, #tpu.memory_space<vmem>>
          %get3A_517 = arith.index_cast %add3A_486 : i32 to index
          %get3A_518 = arith.constant 16 : index
          %get3A_519 = tpu.vector_load %get3A_516[%get3A_517, %get3A_518] {strides = array<i32>} : memref<400x64xf32, #tpu.memory_space<vmem>>, vector<16xf32>,
          %mul3A_520 = arith.mulf %get3A_511, %get3A_519 : vector<16xf32>
          %get3A_521 = arith.constant 0 : i32
          %get3A_522 = arith.constant 0 : i32
          %get3A_523 = arith.constant 0 : i32
          %get3A_524 = tpu.memref_slice %arg11[%get3A_521, %get3A_522, %get3A_523] : memref<2x400x64xf32, #tpu.memory_space<vmem>> -> memref<1x400x64xf32, #tpu.memory_space<vmem>>
          %get3A_525 = tpu.memref_squeeze %get3A_524 : memref<1x400x64xf32, #tpu.memory_space<vmem>> -> memref<400x64xf32, #tpu.memory_space<vmem>>
          %get3A_526 = arith.index_cast %add3A_486 : i32 to index
          %get3A_527 = arith.constant 32 : index
          %get3A_528 = tpu.vector_load %get3A_525[%get3A_526, %get3A_527] {strides = array<i32>} : memref<400x64xf32, #tpu.memory_space<vmem>>, vector<16xf32>,
          %get3A_529 = arith.constant 0 : i32
          %get3A_530 = arith.constant 0 : i32
          %get3A_531 = arith.constant 0 : i32
          %get3A_532 = tpu.memref_slice %arg12[%get3A_529, %get3A_530, %get3A_531] : memref<2x400x64xf32, #tpu.memory_space<vmem>> -> memref<1x400x64xf32, #tpu.memory_space<vmem>>
          %get3A_533 = tpu.memref_squeeze %get3A_532 : memref<1x400x64xf32, #tpu.memory_space<vmem>> -> memref<400x64xf32, #tpu.memory_space<vmem>>
          %get3A_534 = arith.index_cast %add3A_486 : i32 to index
          %get3A_535 = arith.constant 32 : index
          %get3A_536 = tpu.vector_load %get3A_533[%get3A_534, %get3A_535] {strides = array<i32>} : memref<400x64xf32, #tpu.memory_space<vmem>>, vector<16xf32>,
          %mul3A_537 = arith.mulf %get3A_528, %get3A_536 : vector<16xf32>
          %get3A_538 = arith.constant 0 : i32
          %get3A_539 = arith.constant 0 : i32
          %get3A_540 = arith.constant 0 : i32
          %get3A_541 = tpu.memref_slice %arg11[%get3A_538, %get3A_539, %get3A_540] : memref<2x400x64xf32, #tpu.memory_space<vmem>> -> memref<1x400x64xf32, #tpu.memory_space<vmem>>
          %get3A_542 = tpu.memref_squeeze %get3A_541 : memref<1x400x64xf32, #tpu.memory_space<vmem>> -> memref<400x64xf32, #tpu.memory_space<vmem>>
          %get3A_543 = arith.index_cast %add3A_486 : i32 to index
          %get3A_544 = arith.constant 48 : index
          %get3A_545 = tpu.vector_load %get3A_542[%get3A_543, %get3A_544] {strides = array<i32>} : memref<400x64xf32, #tpu.memory_space<vmem>>, vector<16xf32>,
          %get3A_546 = arith.constant 0 : i32
          %get3A_547 = arith.constant 0 : i32
          %get3A_548 = arith.constant 0 : i32
          %get3A_549 = tpu.memref_slice %arg12[%get3A_546, %get3A_547, %get3A_548] : memref<2x400x64xf32, #tpu.memory_space<vmem>> -> memref<1x400x64xf32, #tpu.memory_space<vmem>>
          %get3A_550 = tpu.memref_squeeze %get3A_549 : memref<1x400x64xf32, #tpu.memory_space<vmem>> -> memref<400x64xf32, #tpu.memory_space<vmem>>
          %get3A_551 = arith.index_cast %add3A_486 : i32 to index
          %get3A_552 = arith.constant 48 : index
          %get3A_553 = tpu.vector_load %get3A_550[%get3A_551, %get3A_552] {strides = array<i32>} : memref<400x64xf32, #tpu.memory_space<vmem>>, vector<16xf32>,
          %mul3A_554 = arith.mulf %get3A_545, %get3A_553 : vector<16xf32>
          %mul3A_555 = arith.mulf %mul3A_503, %get3A_341 : vector<16xf32>
          %mul3A_556 = arith.mulf %mul3A_520, %get3A_343 : vector<16xf32>
          %add3A_557 = arith.addf %mul3A_555, %mul3A_556 : vector<16xf32>
          %mul3A_558 = arith.mulf %mul3A_537, %get3A_345 : vector<16xf32>
          %add3A_559 = arith.addf %add3A_557, %mul3A_558 : vector<16xf32>
          %mul3A_560 = arith.mulf %mul3A_554, %get3A_347 : vector<16xf32>
          %add3A_561 = arith.addf %add3A_559, %mul3A_560 : vector<16xf32>
          %reduce_sum3A_562 = arith.constant true
          %reduce_sum3A_563 = vector.broadcast %reduce_sum3A_562 : i1 to vector<16xi1>
          %reduce_sum3A_564 = tpu.scan <sum>, %add3A_561 masked %reduce_sum3A_563 : vector<16xf32>, vector<16xi1> -> vector<16xf32>
          %reduce_sum3A_565 = vector.extract %reduce_sum3A_564[15] : f32 from vector<16xf32>
          %mul3A_566 = arith.mulf %mul3A_503, %get3A_349 : vector<16xf32>
          %mul3A_567 = arith.mulf %mul3A_520, %get3A_351 : vector<16xf32>
          %add3A_568 = arith.addf %mul3A_566, %mul3A_567 : vector<16xf32>
          %mul3A_569 = arith.mulf %mul3A_537, %get3A_353 : vector<16xf32>
          %add3A_570 = arith.addf %add3A_568, %mul3A_569 : vector<16xf32>
          %mul3A_571 = arith.mulf %mul3A_554, %get3A_355 : vector<16xf32>
          %add3A_572 = arith.addf %add3A_570, %mul3A_571 : vector<16xf32>
          %reduce_sum3A_573 = arith.constant true
          %reduce_sum3A_574 = vector.broadcast %reduce_sum3A_573 : i1 to vector<16xi1>
          %reduce_sum3A_575 = tpu.scan <sum>, %add3A_572 masked %reduce_sum3A_574 : vector<16xf32>, vector<16xi1> -> vector<16xf32>
          %reduce_sum3A_576 = vector.extract %reduce_sum3A_575[15] : f32 from vector<16xf32>
          %mul3A_577 = arith.mulf %mul3A_503, %get3A_357 : vector<16xf32>
          %mul3A_578 = arith.mulf %mul3A_520, %get3A_359 : vector<16xf32>
          %add3A_579 = arith.addf %mul3A_577, %mul3A_578 : vector<16xf32>
          %mul3A_580 = arith.mulf %mul3A_537, %get3A_361 : vector<16xf32>
          %add3A_581 = arith.addf %add3A_579, %mul3A_580 : vector<16xf32>
          %mul3A_582 = arith.mulf %mul3A_554, %get3A_363 : vector<16xf32>
          %add3A_583 = arith.addf %add3A_581, %mul3A_582 : vector<16xf32>
          %reduce_sum3A_584 = arith.constant true
          %reduce_sum3A_585 = vector.broadcast %reduce_sum3A_584 : i1 to vector<16xi1>
          %reduce_sum3A_586 = tpu.scan <sum>, %add3A_583 masked %reduce_sum3A_585 : vector<16xf32>, vector<16xi1> -> vector<16xf32>
          %reduce_sum3A_587 = vector.extract %reduce_sum3A_586[15] : f32 from vector<16xf32>
          %broadcast_in_dim3A = arith.constant 0.000000e+00 : f32
          %broadcast_in_dim3A_588 = vector.broadcast %broadcast_in_dim3A : f32 to vector<16xf32>
          %broadcast_in_dim3A_589 = vector.broadcast %reduce_sum3A_460 : f32 to vector<16xf32>
          %broadcast_in_dim3A_590 = vector.broadcast %reduce_sum3A_565 : f32 to vector<16xf32>
          %select_n3A_591 = arith.select %lt3A_372, %broadcast_in_dim3A_589, %broadcast_in_dim3A_590 : vector<16xi1>, vector<16xf32>
          %mul3A_592 = arith.mulf %select_n3A_591, %get3A_365 : vector<16xf32>
          %add3A_593 = arith.addf %broadcast_in_dim3A_588, %mul3A_592 : vector<16xf32>
          %broadcast_in_dim3A_594 = vector.broadcast %reduce_sum3A_471 : f32 to vector<16xf32>
          %broadcast_in_dim3A_595 = vector.broadcast %reduce_sum3A_576 : f32 to vector<16xf32>
          %select_n3A_596 = arith.select %lt3A_372, %broadcast_in_dim3A_594, %broadcast_in_dim3A_595 : vector<16xi1>, vector<16xf32>
          %mul3A_597 = arith.mulf %select_n3A_596, %get3A_367 : vector<16xf32>
          %add3A_598 = arith.addf %add3A_593, %mul3A_597 : vector<16xf32>
          %broadcast_in_dim3A_599 = vector.broadcast %reduce_sum3A_482 : f32 to vector<16xf32>
          %broadcast_in_dim3A_600 = vector.broadcast %reduce_sum3A_587 : f32 to vector<16xf32>
          %select_n3A_601 = arith.select %lt3A_372, %broadcast_in_dim3A_599, %broadcast_in_dim3A_600 : vector<16xi1>, vector<16xf32>
          %mul3A_602 = arith.mulf %select_n3A_601, %get3A_369 : vector<16xf32>
          %add3A_603 = arith.addf %add3A_598, %mul3A_602 : vector<16xf32>
          %mul3A_604 = arith.constant 16 : i32
          %mul3A_605 = arith.muli %mul3A_604, %scan3A_380 : i32
          %swap3A = arith.index_cast %mul3A_605 : i32 to index
          %swap3A_606 = tpu.vector_load %arg13[%swap3A] {strides = array<i32>} : memref<3200xf32, #tpu.memory_space<vmem>>, vector<16xf32>,
          tpu.vector_store %arg13[%swap3A], %add3A_603 {strides = array<i32>} : memref<3200xf32, #tpu.memory_space<vmem>>, vector<16xf32>,
        }
        %scan3A_377 = arith.constant 200 : i32
        %mul3A_378 = arith.constant 3200 : i32
        %mul3A_379 = arith.muli %add3A_171, %mul3A_378 : i32
        "tpu.region"() ({
          %run_scoped3A_380 = tpu.sem_alloc : memref<!tpu.dma_semaphore, #tpu.memory_space<semaphore_mem>>
          %dma_start3A_381 = tpu.memref_slice %arg8[%mul3A_379] : memref<4000000xf32, #tpu.memory_space<hbm>> -> memref<3200xf32, #tpu.memory_space<hbm>>
          %dma_start3A_382 = tpu.memref_slice %arg8[%mul3A_379] : memref<4000000xf32, #tpu.memory_space<hbm>> -> memref<3200xf32, #tpu.memory_space<hbm>>
          tpu.enqueue_dma source(%arg13 : memref<3200xf32, #tpu.memory_space<vmem>>) target(%dma_start3A_382 : memref<3200xf32, #tpu.memory_space<hbm>>) target_semaphore(%run_scoped3A_380 : memref<!tpu.dma_semaphore, #tpu.memory_space<semaphore_mem>>)
          %dma_wait3A_383 = tpu.memref_slice %arg8[%mul3A_379] : memref<4000000xf32, #tpu.memory_space<hbm>> -> memref<3200xf32, #tpu.memory_space<hbm>>
          %dma_wait3A_384 = tpu.memref_slice %arg8[%mul3A_379] : memref<4000000xf32, #tpu.memory_space<hbm>> -> memref<3200xf32, #tpu.memory_space<hbm>>
          tpu.wait_dma2 semaphore(%run_scoped3A_380 : memref<!tpu.dma_semaphore, #tpu.memory_space<semaphore_mem>>) src(%arg13 : memref<3200xf32, #tpu.memory_space<vmem>>) dst(%dma_wait3A_384 : memref<3200xf32, #tpu.memory_space<hbm>>)
          tpu.yield
        }) : () -> ()
      } else {
      }
      %mul3A_176 = arith.constant 2 : i32
      %mul3A_177 = arith.muli %mul3A_176, %scan3A_168 : i32
      %add3A_178 = arith.constant 1 : i32
      %add3A_179 = arith.addi %mul3A_177, %add3A_178 : i32
      %lt3A_180 = arith.cmpi slt, %add3A_179, %add3A_4 : i32
      %convert_element_type3A_181 = arith.extui %lt3A_180 : i1 to i32
      %cond3A_182 = arith.constant 0 : i32
      %cond3A_183 = arith.cmpi ne, %convert_element_type3A_181, %cond3A_182 : i32
      scf.if %cond3A_183 {
        %dma_wait3A = arith.constant 1 : i32
        %dma_wait3A_184 = arith.constant 1 : i32
        %dma_wait3A_185 = arith.constant 1 : i32
        %dma_wait3A_186 = arith.constant 0 : i32
        %dma_wait3A_187 = arith.constant 0 : i32
        %dma_wait3A_188 = tpu.memref_slice %arg11[%dma_wait3A_184, %dma_wait3A_186, %dma_wait3A_187] : memref<2x400x64xf32, #tpu.memory_space<vmem>> -> memref<1x80x64xf32, #tpu.memory_space<vmem>>
        %dma_wait3A_189 = tpu.memref_squeeze %dma_wait3A_188 : memref<1x80x64xf32, #tpu.memory_space<vmem>> -> memref<80x64xf32, #tpu.memory_space<vmem>>
        %dma_wait3A_190 = arith.constant 0 : i32
        %dma_wait3A_191 = tpu.memref_slice %arg9[%dma_wait3A, %dma_wait3A_190] : memref<2x400xi32, #tpu.memory_space<vmem>> -> memref<1x80xi32, #tpu.memory_space<vmem>>
        %dma_wait3A_192 = tpu.memref_squeeze %dma_wait3A_191 : memref<1x80xi32, #tpu.memory_space<vmem>> -> memref<80xi32, #tpu.memory_space<vmem>>
        %dma_wait3A_193 = arith.constant 0 : i32
        %dma_wait3A_194 = arith.constant 0 : i32
        %dma_wait3A_195 = tpu.memref_slice %arg2[%dma_wait3A_193, %dma_wait3A_194] : memref<100000x64xf32, #tpu.memory_space<hbm>> -> memref<100000x64xf32, #tpu.memory_space<hbm>>
        %dma_wait3A_196 = tpu.memref_slice %arg16[%dma_wait3A_185] : memref<2x!tpu.dma_semaphore, #tpu.memory_space<semaphore_mem>> -> memref<1x!tpu.dma_semaphore, #tpu.memory_space<semaphore_mem>>
        %dma_wait3A_197 = tpu.memref_squeeze %dma_wait3A_196 : memref<1x!tpu.dma_semaphore, #tpu.memory_space<semaphore_mem>> -> memref<!tpu.dma_semaphore, #tpu.memory_space<semaphore_mem>>
        tpu.wait_indirect_dma semaphore(%dma_wait3A_197 : memref<!tpu.dma_semaphore, #tpu.memory_space<semaphore_mem>>) src(%dma_wait3A_195 : memref<100000x64xf32, #tpu.memory_space<hbm>>) dst(%dma_wait3A_189 : memref<80x64xf32, #tpu.memory_space<vmem>>)
        %dma_wait3A_198 = arith.constant 1 : i32
        %dma_wait3A_199 = arith.constant 1 : i32
        %dma_wait3A_200 = arith.constant 1 : i32
        %dma_wait3A_201 = arith.constant 0 : i32
        %dma_wait3A_202 = arith.constant 0 : i32
        %dma_wait3A_203 = tpu.memref_slice %arg12[%dma_wait3A_199, %dma_wait3A_201, %dma_wait3A_202] : memref<2x400x64xf32, #tpu.memory_space<vmem>> -> memref<1x80x64xf32, #tpu.memory_space<vmem>>
        %dma_wait3A_204 = tpu.memref_squeeze %dma_wait3A_203 : memref<1x80x64xf32, #tpu.memory_space<vmem>> -> memref<80x64xf32, #tpu.memory_space<vmem>>
        %dma_wait3A_205 = arith.constant 0 : i32
        %dma_wait3A_206 = tpu.memref_slice %arg10[%dma_wait3A_198, %dma_wait3A_205] : memref<2x400xi32, #tpu.memory_space<vmem>> -> memref<1x80xi32, #tpu.memory_space<vmem>>
        %dma_wait3A_207 = tpu.memref_squeeze %dma_wait3A_206 : memref<1x80xi32, #tpu.memory_space<vmem>> -> memref<80xi32, #tpu.memory_space<vmem>>
        %dma_wait3A_208 = arith.constant 0 : i32
        %dma_wait3A_209 = arith.constant 0 : i32
        %dma_wait3A_210 = tpu.memref_slice %arg3[%dma_wait3A_208, %dma_wait3A_209] : memref<100000x64xf32, #tpu.memory_space<hbm>> -> memref<100000x64xf32, #tpu.memory_space<hbm>>
        %dma_wait3A_211 = tpu.memref_slice %arg16[%dma_wait3A_200] : memref<2x!tpu.dma_semaphore, #tpu.memory_space<semaphore_mem>> -> memref<1x!tpu.dma_semaphore, #tpu.memory_space<semaphore_mem>>
        %dma_wait3A_212 = tpu.memref_squeeze %dma_wait3A_211 : memref<1x!tpu.dma_semaphore, #tpu.memory_space<semaphore_mem>> -> memref<!tpu.dma_semaphore, #tpu.memory_space<semaphore_mem>>
        tpu.wait_indirect_dma semaphore(%dma_wait3A_212 : memref<!tpu.dma_semaphore, #tpu.memory_space<semaphore_mem>>) src(%dma_wait3A_210 : memref<100000x64xf32, #tpu.memory_space<hbm>>) dst(%dma_wait3A_204 : memref<80x64xf32, #tpu.memory_space<vmem>>)
        %dma_wait3A_213 = arith.constant 1 : i32
        %dma_wait3A_214 = arith.constant 1 : i32
        %dma_wait3A_215 = arith.constant 1 : i32
        %dma_wait3A_216 = arith.constant 80 : i32
        %dma_wait3A_217 = arith.constant 0 : i32
        %dma_wait3A_218 = tpu.memref_slice %arg11[%dma_wait3A_214, %dma_wait3A_216, %dma_wait3A_217] : memref<2x400x64xf32, #tpu.memory_space<vmem>> -> memref<1x80x64xf32, #tpu.memory_space<vmem>>
        %dma_wait3A_219 = tpu.memref_squeeze %dma_wait3A_218 : memref<1x80x64xf32, #tpu.memory_space<vmem>> -> memref<80x64xf32, #tpu.memory_space<vmem>>
        %dma_wait3A_220 = arith.constant 80 : i32
        %dma_wait3A_221 = tpu.memref_slice %arg9[%dma_wait3A_213, %dma_wait3A_220] : memref<2x400xi32, #tpu.memory_space<vmem>> -> memref<1x80xi32, #tpu.memory_space<vmem>>
        %dma_wait3A_222 = tpu.memref_squeeze %dma_wait3A_221 : memref<1x80xi32, #tpu.memory_space<vmem>> -> memref<80xi32, #tpu.memory_space<vmem>>
        %dma_wait3A_223 = arith.constant 0 : i32
        %dma_wait3A_224 = arith.constant 0 : i32
        %dma_wait3A_225 = tpu.memref_slice %arg2[%dma_wait3A_223, %dma_wait3A_224] : memref<100000x64xf32, #tpu.memory_space<hbm>> -> memref<100000x64xf32, #tpu.memory_space<hbm>>
        %dma_wait3A_226 = tpu.memref_slice %arg16[%dma_wait3A_215] : memref<2x!tpu.dma_semaphore, #tpu.memory_space<semaphore_mem>> -> memref<1x!tpu.dma_semaphore, #tpu.memory_space<semaphore_mem>>
        %dma_wait3A_227 = tpu.memref_squeeze %dma_wait3A_226 : memref<1x!tpu.dma_semaphore, #tpu.memory_space<semaphore_mem>> -> memref<!tpu.dma_semaphore, #tpu.memory_space<semaphore_mem>>
        tpu.wait_indirect_dma semaphore(%dma_wait3A_227 : memref<!tpu.dma_semaphore, #tpu.memory_space<semaphore_mem>>) src(%dma_wait3A_225 : memref<100000x64xf32, #tpu.memory_space<hbm>>) dst(%dma_wait3A_219 : memref<80x64xf32, #tpu.memory_space<vmem>>)
        %dma_wait3A_228 = arith.constant 1 : i32
        %dma_wait3A_229 = arith.constant 1 : i32
        %dma_wait3A_230 = arith.constant 1 : i32
        %dma_wait3A_231 = arith.constant 80 : i32
        %dma_wait3A_232 = arith.constant 0 : i32
        %dma_wait3A_233 = tpu.memref_slice %arg12[%dma_wait3A_229, %dma_wait3A_231, %dma_wait3A_232] : memref<2x400x64xf32, #tpu.memory_space<vmem>> -> memref<1x80x64xf32, #tpu.memory_space<vmem>>
        %dma_wait3A_234 = tpu.memref_squeeze %dma_wait3A_233 : memref<1x80x64xf32, #tpu.memory_space<vmem>> -> memref<80x64xf32, #tpu.memory_space<vmem>>
        %dma_wait3A_235 = arith.constant 80 : i32
        %dma_wait3A_236 = tpu.memref_slice %arg10[%dma_wait3A_228, %dma_wait3A_235] : memref<2x400xi32, #tpu.memory_space<vmem>> -> memref<1x80xi32, #tpu.memory_space<vmem>>
        %dma_wait3A_237 = tpu.memref_squeeze %dma_wait3A_236 : memref<1x80xi32, #tpu.memory_space<vmem>> -> memref<80xi32, #tpu.memory_space<vmem>>
        %dma_wait3A_238 = arith.constant 0 : i32
        %dma_wait3A_239 = arith.constant 0 : i32
        %dma_wait3A_240 = tpu.memref_slice %arg3[%dma_wait3A_238, %dma_wait3A_239] : memref<100000x64xf32, #tpu.memory_space<hbm>> -> memref<100000x64xf32, #tpu.memory_space<hbm>>
        %dma_wait3A_241 = tpu.memref_slice %arg16[%dma_wait3A_230] : memref<2x!tpu.dma_semaphore, #tpu.memory_space<semaphore_mem>> -> memref<1x!tpu.dma_semaphore, #tpu.memory_space<semaphore_mem>>
        %dma_wait3A_242 = tpu.memref_squeeze %dma_wait3A_241 : memref<1x!tpu.dma_semaphore, #tpu.memory_space<semaphore_mem>> -> memref<!tpu.dma_semaphore, #tpu.memory_space<semaphore_mem>>
        tpu.wait_indirect_dma semaphore(%dma_wait3A_242 : memref<!tpu.dma_semaphore, #tpu.memory_space<semaphore_mem>>) src(%dma_wait3A_240 : memref<100000x64xf32, #tpu.memory_space<hbm>>) dst(%dma_wait3A_234 : memref<80x64xf32, #tpu.memory_space<vmem>>)
        %dma_wait3A_243 = arith.constant 1 : i32
        %dma_wait3A_244 = arith.constant 1 : i32
        %dma_wait3A_245 = arith.constant 1 : i32
        %dma_wait3A_246 = arith.constant 160 : i32
        %dma_wait3A_247 = arith.constant 0 : i32
        %dma_wait3A_248 = tpu.memref_slice %arg11[%dma_wait3A_244, %dma_wait3A_246, %dma_wait3A_247] : memref<2x400x64xf32, #tpu.memory_space<vmem>> -> memref<1x80x64xf32, #tpu.memory_space<vmem>>
        %dma_wait3A_249 = tpu.memref_squeeze %dma_wait3A_248 : memref<1x80x64xf32, #tpu.memory_space<vmem>> -> memref<80x64xf32, #tpu.memory_space<vmem>>
        %dma_wait3A_250 = arith.constant 160 : i32
        %dma_wait3A_251 = tpu.memref_slice %arg9[%dma_wait3A_243, %dma_wait3A_250] : memref<2x400xi32, #tpu.memory_space<vmem>> -> memref<1x80xi32, #tpu.memory_space<vmem>>
        %dma_wait3A_252 = tpu.memref_squeeze %dma_wait3A_251 : memref<1x80xi32, #tpu.memory_space<vmem>> -> memref<80xi32, #tpu.memory_space<vmem>>
        %dma_wait3A_253 = arith.constant 0 : i32
        %dma_wait3A_254 = arith.constant 0 : i32
        %dma_wait3A_255 = tpu.memref_slice %arg2[%dma_wait3A_253, %dma_wait3A_254] : memref<100000x64xf32, #tpu.memory_space<hbm>> -> memref<100000x64xf32, #tpu.memory_space<hbm>>
        %dma_wait3A_256 = tpu.memref_slice %arg16[%dma_wait3A_245] : memref<2x!tpu.dma_semaphore, #tpu.memory_space<semaphore_mem>> -> memref<1x!tpu.dma_semaphore, #tpu.memory_space<semaphore_mem>>
        %dma_wait3A_257 = tpu.memref_squeeze %dma_wait3A_256 : memref<1x!tpu.dma_semaphore, #tpu.memory_space<semaphore_mem>> -> memref<!tpu.dma_semaphore, #tpu.memory_space<semaphore_mem>>
        tpu.wait_indirect_dma semaphore(%dma_wait3A_257 : memref<!tpu.dma_semaphore, #tpu.memory_space<semaphore_mem>>) src(%dma_wait3A_255 : memref<100000x64xf32, #tpu.memory_space<hbm>>) dst(%dma_wait3A_249 : memref<80x64xf32, #tpu.memory_space<vmem>>)
        %dma_wait3A_258 = arith.constant 1 : i32
        %dma_wait3A_259 = arith.constant 1 : i32
        %dma_wait3A_260 = arith.constant 1 : i32
        %dma_wait3A_261 = arith.constant 160 : i32
        %dma_wait3A_262 = arith.constant 0 : i32
        %dma_wait3A_263 = tpu.memref_slice %arg12[%dma_wait3A_259, %dma_wait3A_261, %dma_wait3A_262] : memref<2x400x64xf32, #tpu.memory_space<vmem>> -> memref<1x80x64xf32, #tpu.memory_space<vmem>>
        %dma_wait3A_264 = tpu.memref_squeeze %dma_wait3A_263 : memref<1x80x64xf32, #tpu.memory_space<vmem>> -> memref<80x64xf32, #tpu.memory_space<vmem>>
        %dma_wait3A_265 = arith.constant 160 : i32
        %dma_wait3A_266 = tpu.memref_slice %arg10[%dma_wait3A_258, %dma_wait3A_265] : memref<2x400xi32, #tpu.memory_space<vmem>> -> memref<1x80xi32, #tpu.memory_space<vmem>>
        %dma_wait3A_267 = tpu.memref_squeeze %dma_wait3A_266 : memref<1x80xi32, #tpu.memory_space<vmem>> -> memref<80xi32, #tpu.memory_space<vmem>>
        %dma_wait3A_268 = arith.constant 0 : i32
        %dma_wait3A_269 = arith.constant 0 : i32
        %dma_wait3A_270 = tpu.memref_slice %arg3[%dma_wait3A_268, %dma_wait3A_269] : memref<100000x64xf32, #tpu.memory_space<hbm>> -> memref<100000x64xf32, #tpu.memory_space<hbm>>
        %dma_wait3A_271 = tpu.memref_slice %arg16[%dma_wait3A_260] : memref<2x!tpu.dma_semaphore, #tpu.memory_space<semaphore_mem>> -> memref<1x!tpu.dma_semaphore, #tpu.memory_space<semaphore_mem>>
        %dma_wait3A_272 = tpu.memref_squeeze %dma_wait3A_271 : memref<1x!tpu.dma_semaphore, #tpu.memory_space<semaphore_mem>> -> memref<!tpu.dma_semaphore, #tpu.memory_space<semaphore_mem>>
        tpu.wait_indirect_dma semaphore(%dma_wait3A_272 : memref<!tpu.dma_semaphore, #tpu.memory_space<semaphore_mem>>) src(%dma_wait3A_270 : memref<100000x64xf32, #tpu.memory_space<hbm>>) dst(%dma_wait3A_264 : memref<80x64xf32, #tpu.memory_space<vmem>>)
        %dma_wait3A_273 = arith.constant 1 : i32
        %dma_wait3A_274 = arith.constant 1 : i32
        %dma_wait3A_275 = arith.constant 1 : i32
        %dma_wait3A_276 = arith.constant 240 : i32
        %dma_wait3A_277 = arith.constant 0 : i32
        %dma_wait3A_278 = tpu.memref_slice %arg11[%dma_wait3A_274, %dma_wait3A_276, %dma_wait3A_277] : memref<2x400x64xf32, #tpu.memory_space<vmem>> -> memref<1x80x64xf32, #tpu.memory_space<vmem>>
        %dma_wait3A_279 = tpu.memref_squeeze %dma_wait3A_278 : memref<1x80x64xf32, #tpu.memory_space<vmem>> -> memref<80x64xf32, #tpu.memory_space<vmem>>
        %dma_wait3A_280 = arith.constant 240 : i32
        %dma_wait3A_281 = tpu.memref_slice %arg9[%dma_wait3A_273, %dma_wait3A_280] : memref<2x400xi32, #tpu.memory_space<vmem>> -> memref<1x80xi32, #tpu.memory_space<vmem>>
        %dma_wait3A_282 = tpu.memref_squeeze %dma_wait3A_281 : memref<1x80xi32, #tpu.memory_space<vmem>> -> memref<80xi32, #tpu.memory_space<vmem>>
        %dma_wait3A_283 = arith.constant 0 : i32
        %dma_wait3A_284 = arith.constant 0 : i32
        %dma_wait3A_285 = tpu.memref_slice %arg2[%dma_wait3A_283, %dma_wait3A_284] : memref<100000x64xf32, #tpu.memory_space<hbm>> -> memref<100000x64xf32, #tpu.memory_space<hbm>>
        %dma_wait3A_286 = tpu.memref_slice %arg16[%dma_wait3A_275] : memref<2x!tpu.dma_semaphore, #tpu.memory_space<semaphore_mem>> -> memref<1x!tpu.dma_semaphore, #tpu.memory_space<semaphore_mem>>
        %dma_wait3A_287 = tpu.memref_squeeze %dma_wait3A_286 : memref<1x!tpu.dma_semaphore, #tpu.memory_space<semaphore_mem>> -> memref<!tpu.dma_semaphore, #tpu.memory_space<semaphore_mem>>
        tpu.wait_indirect_dma semaphore(%dma_wait3A_287 : memref<!tpu.dma_semaphore, #tpu.memory_space<semaphore_mem>>) src(%dma_wait3A_285 : memref<100000x64xf32, #tpu.memory_space<hbm>>) dst(%dma_wait3A_279 : memref<80x64xf32, #tpu.memory_space<vmem>>)
        %dma_wait3A_288 = arith.constant 1 : i32
        %dma_wait3A_289 = arith.constant 1 : i32
        %dma_wait3A_290 = arith.constant 1 : i32
        %dma_wait3A_291 = arith.constant 240 : i32
        %dma_wait3A_292 = arith.constant 0 : i32
        %dma_wait3A_293 = tpu.memref_slice %arg12[%dma_wait3A_289, %dma_wait3A_291, %dma_wait3A_292] : memref<2x400x64xf32, #tpu.memory_space<vmem>> -> memref<1x80x64xf32, #tpu.memory_space<vmem>>
        %dma_wait3A_294 = tpu.memref_squeeze %dma_wait3A_293 : memref<1x80x64xf32, #tpu.memory_space<vmem>> -> memref<80x64xf32, #tpu.memory_space<vmem>>
        %dma_wait3A_295 = arith.constant 240 : i32
        %dma_wait3A_296 = tpu.memref_slice %arg10[%dma_wait3A_288, %dma_wait3A_295] : memref<2x400xi32, #tpu.memory_space<vmem>> -> memref<1x80xi32, #tpu.memory_space<vmem>>
        %dma_wait3A_297 = tpu.memref_squeeze %dma_wait3A_296 : memref<1x80xi32, #tpu.memory_space<vmem>> -> memref<80xi32, #tpu.memory_space<vmem>>
        %dma_wait3A_298 = arith.constant 0 : i32
        %dma_wait3A_299 = arith.constant 0 : i32
        %dma_wait3A_300 = tpu.memref_slice %arg3[%dma_wait3A_298, %dma_wait3A_299] : memref<100000x64xf32, #tpu.memory_space<hbm>> -> memref<100000x64xf32, #tpu.memory_space<hbm>>
        %dma_wait3A_301 = tpu.memref_slice %arg16[%dma_wait3A_290] : memref<2x!tpu.dma_semaphore, #tpu.memory_space<semaphore_mem>> -> memref<1x!tpu.dma_semaphore, #tpu.memory_space<semaphore_mem>>
        %dma_wait3A_302 = tpu.memref_squeeze %dma_wait3A_301 : memref<1x!tpu.dma_semaphore, #tpu.memory_space<semaphore_mem>> -> memref<!tpu.dma_semaphore, #tpu.memory_space<semaphore_mem>>
        tpu.wait_indirect_dma semaphore(%dma_wait3A_302 : memref<!tpu.dma_semaphore, #tpu.memory_space<semaphore_mem>>) src(%dma_wait3A_300 : memref<100000x64xf32, #tpu.memory_space<hbm>>) dst(%dma_wait3A_294 : memref<80x64xf32, #tpu.memory_space<vmem>>)
        %dma_wait3A_303 = arith.constant 1 : i32
        %dma_wait3A_304 = arith.constant 1 : i32
        %dma_wait3A_305 = arith.constant 1 : i32
        %dma_wait3A_306 = arith.constant 320 : i32
        %dma_wait3A_307 = arith.constant 0 : i32
        %dma_wait3A_308 = tpu.memref_slice %arg11[%dma_wait3A_304, %dma_wait3A_306, %dma_wait3A_307] : memref<2x400x64xf32, #tpu.memory_space<vmem>> -> memref<1x80x64xf32, #tpu.memory_space<vmem>>
        %dma_wait3A_309 = tpu.memref_squeeze %dma_wait3A_308 : memref<1x80x64xf32, #tpu.memory_space<vmem>> -> memref<80x64xf32, #tpu.memory_space<vmem>>
        %dma_wait3A_310 = arith.constant 320 : i32
        %dma_wait3A_311 = tpu.memref_slice %arg9[%dma_wait3A_303, %dma_wait3A_310] : memref<2x400xi32, #tpu.memory_space<vmem>> -> memref<1x80xi32, #tpu.memory_space<vmem>>
        %dma_wait3A_312 = tpu.memref_squeeze %dma_wait3A_311 : memref<1x80xi32, #tpu.memory_space<vmem>> -> memref<80xi32, #tpu.memory_space<vmem>>
        %dma_wait3A_313 = arith.constant 0 : i32
        %dma_wait3A_314 = arith.constant 0 : i32
        %dma_wait3A_315 = tpu.memref_slice %arg2[%dma_wait3A_313, %dma_wait3A_314] : memref<100000x64xf32, #tpu.memory_space<hbm>> -> memref<100000x64xf32, #tpu.memory_space<hbm>>
        %dma_wait3A_316 = tpu.memref_slice %arg16[%dma_wait3A_305] : memref<2x!tpu.dma_semaphore, #tpu.memory_space<semaphore_mem>> -> memref<1x!tpu.dma_semaphore, #tpu.memory_space<semaphore_mem>>
        %dma_wait3A_317 = tpu.memref_squeeze %dma_wait3A_316 : memref<1x!tpu.dma_semaphore, #tpu.memory_space<semaphore_mem>> -> memref<!tpu.dma_semaphore, #tpu.memory_space<semaphore_mem>>
        tpu.wait_indirect_dma semaphore(%dma_wait3A_317 : memref<!tpu.dma_semaphore, #tpu.memory_space<semaphore_mem>>) src(%dma_wait3A_315 : memref<100000x64xf32, #tpu.memory_space<hbm>>) dst(%dma_wait3A_309 : memref<80x64xf32, #tpu.memory_space<vmem>>)
        %dma_wait3A_318 = arith.constant 1 : i32
        %dma_wait3A_319 = arith.constant 1 : i32
        %dma_wait3A_320 = arith.constant 1 : i32
        %dma_wait3A_321 = arith.constant 320 : i32
        %dma_wait3A_322 = arith.constant 0 : i32
        %dma_wait3A_323 = tpu.memref_slice %arg12[%dma_wait3A_319, %dma_wait3A_321, %dma_wait3A_322] : memref<2x400x64xf32, #tpu.memory_space<vmem>> -> memref<1x80x64xf32, #tpu.memory_space<vmem>>
        %dma_wait3A_324 = tpu.memref_squeeze %dma_wait3A_323 : memref<1x80x64xf32, #tpu.memory_space<vmem>> -> memref<80x64xf32, #tpu.memory_space<vmem>>
        %dma_wait3A_325 = arith.constant 320 : i32
        %dma_wait3A_326 = tpu.memref_slice %arg10[%dma_wait3A_318, %dma_wait3A_325] : memref<2x400xi32, #tpu.memory_space<vmem>> -> memref<1x80xi32, #tpu.memory_space<vmem>>
        %dma_wait3A_327 = tpu.memref_squeeze %dma_wait3A_326 : memref<1x80xi32, #tpu.memory_space<vmem>> -> memref<80xi32, #tpu.memory_space<vmem>>
        %dma_wait3A_328 = arith.constant 0 : i32
        %dma_wait3A_329 = arith.constant 0 : i32
        %dma_wait3A_330 = tpu.memref_slice %arg3[%dma_wait3A_328, %dma_wait3A_329] : memref<100000x64xf32, #tpu.memory_space<hbm>> -> memref<100000x64xf32, #tpu.memory_space<hbm>>
        %dma_wait3A_331 = tpu.memref_slice %arg16[%dma_wait3A_320] : memref<2x!tpu.dma_semaphore, #tpu.memory_space<semaphore_mem>> -> memref<1x!tpu.dma_semaphore, #tpu.memory_space<semaphore_mem>>
        %dma_wait3A_332 = tpu.memref_squeeze %dma_wait3A_331 : memref<1x!tpu.dma_semaphore, #tpu.memory_space<semaphore_mem>> -> memref<!tpu.dma_semaphore, #tpu.memory_space<semaphore_mem>>
        tpu.wait_indirect_dma semaphore(%dma_wait3A_332 : memref<!tpu.dma_semaphore, #tpu.memory_space<semaphore_mem>>) src(%dma_wait3A_330 : memref<100000x64xf32, #tpu.memory_space<hbm>>) dst(%dma_wait3A_324 : memref<80x64xf32, #tpu.memory_space<vmem>>)
        %mul3A_333 = arith.constant 2 : i32
        %mul3A_334 = arith.muli %mul3A_333, %scan3A_168 : i32
        %add3A_335 = arith.constant 2 : i32
        %add3A_336 = arith.addi %mul3A_334, %add3A_335 : i32
        %lt3A_337 = arith.cmpi slt, %add3A_336, %add3A_4 : i32
        %convert_element_type3A_338 = arith.extui %lt3A_337 : i1 to i32
        %cond3A_339 = arith.constant 0 : i32
        %cond3A_340 = arith.cmpi ne, %convert_element_type3A_338, %cond3A_339 : i32
        scf.if %cond3A_340 {
          %add3A_382 = arith.constant 2 : i32
          %add3A_383 = arith.addi %add3A_171, %add3A_382 : i32
          %mul3A_384 = arith.constant 400 : i32
          %mul3A_385 = arith.muli %add3A_383, %mul3A_384 : i32
          %run_scoped3A_386 = arith.constant 0 : i32
          "tpu.region"() ({
            %run_scoped3A_540 = tpu.sem_alloc : memref<!tpu.dma_semaphore, #tpu.memory_space<semaphore_mem>>
            %dma_start3A_541 = arith.constant 0 : i32
            %dma_start3A_542 = tpu.memref_slice %arg9[%run_scoped3A_386, %dma_start3A_541] : memref<2x400xi32, #tpu.memory_space<vmem>> -> memref<1x400xi32, #tpu.memory_space<vmem>>
            %dma_start3A_543 = tpu.memref_squeeze %dma_start3A_542 : memref<1x400xi32, #tpu.memory_space<vmem>> -> memref<400xi32, #tpu.memory_space<vmem>>
            %dma_start3A_544 = tpu.memref_slice %arg4[%mul3A_385] : memref<500000xi32, #tpu.memory_space<hbm>> -> memref<400xi32, #tpu.memory_space<hbm>>
            %dma_start3A_545 = arith.constant 0 : i32
            %dma_start3A_546 = tpu.memref_slice %arg9[%run_scoped3A_386, %dma_start3A_545] : memref<2x400xi32, #tpu.memory_space<vmem>> -> memref<1x400xi32, #tpu.memory_space<vmem>>
            %dma_start3A_547 = tpu.memref_squeeze %dma_start3A_546 : memref<1x400xi32, #tpu.memory_space<vmem>> -> memref<400xi32, #tpu.memory_space<vmem>>
            %dma_start3A_548 = tpu.memref_slice %arg4[%mul3A_385] : memref<500000xi32, #tpu.memory_space<hbm>> -> memref<400xi32, #tpu.memory_space<hbm>>
            tpu.enqueue_dma source(%dma_start3A_548 : memref<400xi32, #tpu.memory_space<hbm>>) target(%dma_start3A_547 : memref<400xi32, #tpu.memory_space<vmem>>) target_semaphore(%run_scoped3A_540 : memref<!tpu.dma_semaphore, #tpu.memory_space<semaphore_mem>>)
            %dma_wait3A_549 = arith.constant 0 : i32
            %dma_wait3A_550 = tpu.memref_slice %arg9[%run_scoped3A_386, %dma_wait3A_549] : memref<2x400xi32, #tpu.memory_space<vmem>> -> memref<1x400xi32, #tpu.memory_space<vmem>>
            %dma_wait3A_551 = tpu.memref_squeeze %dma_wait3A_550 : memref<1x400xi32, #tpu.memory_space<vmem>> -> memref<400xi32, #tpu.memory_space<vmem>>
            %dma_wait3A_552 = tpu.memref_slice %arg4[%mul3A_385] : memref<500000xi32, #tpu.memory_space<hbm>> -> memref<400xi32, #tpu.memory_space<hbm>>
            %dma_wait3A_553 = arith.constant 0 : i32
            %dma_wait3A_554 = tpu.memref_slice %arg9[%run_scoped3A_386, %dma_wait3A_553] : memref<2x400xi32, #tpu.memory_space<vmem>> -> memref<1x400xi32, #tpu.memory_space<vmem>>
            %dma_wait3A_555 = tpu.memref_squeeze %dma_wait3A_554 : memref<1x400xi32, #tpu.memory_space<vmem>> -> memref<400xi32, #tpu.memory_space<vmem>>
            %dma_wait3A_556 = tpu.memref_slice %arg4[%mul3A_385] : memref<500000xi32, #tpu.memory_space<hbm>> -> memref<400xi32, #tpu.memory_space<hbm>>
            tpu.wait_dma2 semaphore(%run_scoped3A_540 : memref<!tpu.dma_semaphore, #tpu.memory_space<semaphore_mem>>) src(%dma_wait3A_556 : memref<400xi32, #tpu.memory_space<hbm>>) dst(%dma_wait3A_555 : memref<400xi32, #tpu.memory_space<vmem>>)
            tpu.yield
          }) : () -> ()
          %mul3A_387 = arith.constant 400 : i32
          %mul3A_388 = arith.muli %add3A_383, %mul3A_387 : i32
          %run_scoped3A_389 = arith.constant 0 : i32
          "tpu.region"() ({
            %run_scoped3A_540 = tpu.sem_alloc : memref<!tpu.dma_semaphore, #tpu.memory_space<semaphore_mem>>
            %dma_start3A_541 = arith.constant 0 : i32
            %dma_start3A_542 = tpu.memref_slice %arg10[%run_scoped3A_389, %dma_start3A_541] : memref<2x400xi32, #tpu.memory_space<vmem>> -> memref<1x400xi32, #tpu.memory_space<vmem>>
            %dma_start3A_543 = tpu.memref_squeeze %dma_start3A_542 : memref<1x400xi32, #tpu.memory_space<vmem>> -> memref<400xi32, #tpu.memory_space<vmem>>
            %dma_start3A_544 = tpu.memref_slice %arg5[%mul3A_388] : memref<500000xi32, #tpu.memory_space<hbm>> -> memref<400xi32, #tpu.memory_space<hbm>>
            %dma_start3A_545 = arith.constant 0 : i32
            %dma_start3A_546 = tpu.memref_slice %arg10[%run_scoped3A_389, %dma_start3A_545] : memref<2x400xi32, #tpu.memory_space<vmem>> -> memref<1x400xi32, #tpu.memory_space<vmem>>
            %dma_start3A_547 = tpu.memref_squeeze %dma_start3A_546 : memref<1x400xi32, #tpu.memory_space<vmem>> -> memref<400xi32, #tpu.memory_space<vmem>>
            %dma_start3A_548 = tpu.memref_slice %arg5[%mul3A_388] : memref<500000xi32, #tpu.memory_space<hbm>> -> memref<400xi32, #tpu.memory_space<hbm>>
            tpu.enqueue_dma source(%dma_start3A_548 : memref<400xi32, #tpu.memory_space<hbm>>) target(%dma_start3A_547 : memref<400xi32, #tpu.memory_space<vmem>>) target_semaphore(%run_scoped3A_540 : memref<!tpu.dma_semaphore, #tpu.memory_space<semaphore_mem>>)
            %dma_wait3A_549 = arith.constant 0 : i32
            %dma_wait3A_550 = tpu.memref_slice %arg10[%run_scoped3A_389, %dma_wait3A_549] : memref<2x400xi32, #tpu.memory_space<vmem>> -> memref<1x400xi32, #tpu.memory_space<vmem>>
            %dma_wait3A_551 = tpu.memref_squeeze %dma_wait3A_550 : memref<1x400xi32, #tpu.memory_space<vmem>> -> memref<400xi32, #tpu.memory_space<vmem>>
            %dma_wait3A_552 = tpu.memref_slice %arg5[%mul3A_388] : memref<500000xi32, #tpu.memory_space<hbm>> -> memref<400xi32, #tpu.memory_space<hbm>>
            %dma_wait3A_553 = arith.constant 0 : i32
            %dma_wait3A_554 = tpu.memref_slice %arg10[%run_scoped3A_389, %dma_wait3A_553] : memref<2x400xi32, #tpu.memory_space<vmem>> -> memref<1x400xi32, #tpu.memory_space<vmem>>
            %dma_wait3A_555 = tpu.memref_squeeze %dma_wait3A_554 : memref<1x400xi32, #tpu.memory_space<vmem>> -> memref<400xi32, #tpu.memory_space<vmem>>
            %dma_wait3A_556 = tpu.memref_slice %arg5[%mul3A_388] : memref<500000xi32, #tpu.memory_space<hbm>> -> memref<400xi32, #tpu.memory_space<hbm>>
            tpu.wait_dma2 semaphore(%run_scoped3A_540 : memref<!tpu.dma_semaphore, #tpu.memory_space<semaphore_mem>>) src(%dma_wait3A_556 : memref<400xi32, #tpu.memory_space<hbm>>) dst(%dma_wait3A_555 : memref<400xi32, #tpu.memory_space<vmem>>)
            tpu.yield
          }) : () -> ()
          %dma_start3A_390 = arith.constant 0 : i32
          %dma_start3A_391 = arith.constant 0 : i32
          %dma_start3A_392 = arith.constant 0 : i32
          %dma_start3A_393 = arith.constant 0 : i32
          %dma_start3A_394 = arith.constant 0 : i32
          %dma_start3A_395 = tpu.memref_slice %arg11[%dma_start3A_391, %dma_start3A_393, %dma_start3A_394] : memref<2x400x64xf32, #tpu.memory_space<vmem>> -> memref<1x80x64xf32, #tpu.memory_space<vmem>>
          %dma_start3A_396 = tpu.memref_squeeze %dma_start3A_395 : memref<1x80x64xf32, #tpu.memory_space<vmem>> -> memref<80x64xf32, #tpu.memory_space<vmem>>
          %dma_start3A_397 = arith.constant 0 : i32
          %dma_start3A_398 = tpu.memref_slice %arg9[%dma_start3A_390, %dma_start3A_397] : memref<2x400xi32, #tpu.memory_space<vmem>> -> memref<1x80xi32, #tpu.memory_space<vmem>>
          %dma_start3A_399 = tpu.memref_squeeze %dma_start3A_398 : memref<1x80xi32, #tpu.memory_space<vmem>> -> memref<80xi32, #tpu.memory_space<vmem>>
          %dma_start3A_400 = arith.constant 0 : i32
          %dma_start3A_401 = arith.constant 0 : i32
          %dma_start3A_402 = tpu.memref_slice %arg2[%dma_start3A_400, %dma_start3A_401] : memref<100000x64xf32, #tpu.memory_space<hbm>> -> memref<100000x64xf32, #tpu.memory_space<hbm>>
          %dma_start3A_403 = tpu.memref_slice %arg16[%dma_start3A_392] : memref<2x!tpu.dma_semaphore, #tpu.memory_space<semaphore_mem>> -> memref<1x!tpu.dma_semaphore, #tpu.memory_space<semaphore_mem>>
          %dma_start3A_404 = tpu.memref_squeeze %dma_start3A_403 : memref<1x!tpu.dma_semaphore, #tpu.memory_space<semaphore_mem>> -> memref<!tpu.dma_semaphore, #tpu.memory_space<semaphore_mem>>
          tpu.enqueue_indirect_dma source(%dma_start3A_402 : memref<100000x64xf32, #tpu.memory_space<hbm>>) target(%dma_start3A_396 : memref<80x64xf32, #tpu.memory_space<vmem>>) offsets(%dma_start3A_399 : memref<80xi32, #tpu.memory_space<vmem>>) semaphore(%dma_start3A_404 : memref<!tpu.dma_semaphore, #tpu.memory_space<semaphore_mem>>)
          %dma_start3A_405 = arith.constant 0 : i32
          %dma_start3A_406 = arith.constant 0 : i32
          %dma_start3A_407 = arith.constant 0 : i32
          %dma_start3A_408 = arith.constant 0 : i32
          %dma_start3A_409 = arith.constant 0 : i32
          %dma_start3A_410 = tpu.memref_slice %arg12[%dma_start3A_406, %dma_start3A_408, %dma_start3A_409] : memref<2x400x64xf32, #tpu.memory_space<vmem>> -> memref<1x80x64xf32, #tpu.memory_space<vmem>>
          %dma_start3A_411 = tpu.memref_squeeze %dma_start3A_410 : memref<1x80x64xf32, #tpu.memory_space<vmem>> -> memref<80x64xf32, #tpu.memory_space<vmem>>
          %dma_start3A_412 = arith.constant 0 : i32
          %dma_start3A_413 = tpu.memref_slice %arg10[%dma_start3A_405, %dma_start3A_412] : memref<2x400xi32, #tpu.memory_space<vmem>> -> memref<1x80xi32, #tpu.memory_space<vmem>>
          %dma_start3A_414 = tpu.memref_squeeze %dma_start3A_413 : memref<1x80xi32, #tpu.memory_space<vmem>> -> memref<80xi32, #tpu.memory_space<vmem>>
          %dma_start3A_415 = arith.constant 0 : i32
          %dma_start3A_416 = arith.constant 0 : i32
          %dma_start3A_417 = tpu.memref_slice %arg3[%dma_start3A_415, %dma_start3A_416] : memref<100000x64xf32, #tpu.memory_space<hbm>> -> memref<100000x64xf32, #tpu.memory_space<hbm>>
          %dma_start3A_418 = tpu.memref_slice %arg16[%dma_start3A_407] : memref<2x!tpu.dma_semaphore, #tpu.memory_space<semaphore_mem>> -> memref<1x!tpu.dma_semaphore, #tpu.memory_space<semaphore_mem>>
          %dma_start3A_419 = tpu.memref_squeeze %dma_start3A_418 : memref<1x!tpu.dma_semaphore, #tpu.memory_space<semaphore_mem>> -> memref<!tpu.dma_semaphore, #tpu.memory_space<semaphore_mem>>
          tpu.enqueue_indirect_dma source(%dma_start3A_417 : memref<100000x64xf32, #tpu.memory_space<hbm>>) target(%dma_start3A_411 : memref<80x64xf32, #tpu.memory_space<vmem>>) offsets(%dma_start3A_414 : memref<80xi32, #tpu.memory_space<vmem>>) semaphore(%dma_start3A_419 : memref<!tpu.dma_semaphore, #tpu.memory_space<semaphore_mem>>)
          %dma_start3A_420 = arith.constant 0 : i32
          %dma_start3A_421 = arith.constant 0 : i32
          %dma_start3A_422 = arith.constant 0 : i32
          %dma_start3A_423 = arith.constant 80 : i32
          %dma_start3A_424 = arith.constant 0 : i32
          %dma_start3A_425 = tpu.memref_slice %arg11[%dma_start3A_421, %dma_start3A_423, %dma_start3A_424] : memref<2x400x64xf32, #tpu.memory_space<vmem>> -> memref<1x80x64xf32, #tpu.memory_space<vmem>>
          %dma_start3A_426 = tpu.memref_squeeze %dma_start3A_425 : memref<1x80x64xf32, #tpu.memory_space<vmem>> -> memref<80x64xf32, #tpu.memory_space<vmem>>
          %dma_start3A_427 = arith.constant 80 : i32
          %dma_start3A_428 = tpu.memref_slice %arg9[%dma_start3A_420, %dma_start3A_427] : memref<2x400xi32, #tpu.memory_space<vmem>> -> memref<1x80xi32, #tpu.memory_space<vmem>>
          %dma_start3A_429 = tpu.memref_squeeze %dma_start3A_428 : memref<1x80xi32, #tpu.memory_space<vmem>> -> memref<80xi32, #tpu.memory_space<vmem>>
          %dma_start3A_430 = arith.constant 0 : i32
          %dma_start3A_431 = arith.constant 0 : i32
          %dma_start3A_432 = tpu.memref_slice %arg2[%dma_start3A_430, %dma_start3A_431] : memref<100000x64xf32, #tpu.memory_space<hbm>> -> memref<100000x64xf32, #tpu.memory_space<hbm>>
          %dma_start3A_433 = tpu.memref_slice %arg16[%dma_start3A_422] : memref<2x!tpu.dma_semaphore, #tpu.memory_space<semaphore_mem>> -> memref<1x!tpu.dma_semaphore, #tpu.memory_space<semaphore_mem>>
          %dma_start3A_434 = tpu.memref_squeeze %dma_start3A_433 : memref<1x!tpu.dma_semaphore, #tpu.memory_space<semaphore_mem>> -> memref<!tpu.dma_semaphore, #tpu.memory_space<semaphore_mem>>
          tpu.enqueue_indirect_dma source(%dma_start3A_432 : memref<100000x64xf32, #tpu.memory_space<hbm>>) target(%dma_start3A_426 : memref<80x64xf32, #tpu.memory_space<vmem>>) offsets(%dma_start3A_429 : memref<80xi32, #tpu.memory_space<vmem>>) semaphore(%dma_start3A_434 : memref<!tpu.dma_semaphore, #tpu.memory_space<semaphore_mem>>)
          %dma_start3A_435 = arith.constant 0 : i32
          %dma_start3A_436 = arith.constant 0 : i32
          %dma_start3A_437 = arith.constant 0 : i32
          %dma_start3A_438 = arith.constant 80 : i32
          %dma_start3A_439 = arith.constant 0 : i32
          %dma_start3A_440 = tpu.memref_slice %arg12[%dma_start3A_436, %dma_start3A_438, %dma_start3A_439] : memref<2x400x64xf32, #tpu.memory_space<vmem>> -> memref<1x80x64xf32, #tpu.memory_space<vmem>>
          %dma_start3A_441 = tpu.memref_squeeze %dma_start3A_440 : memref<1x80x64xf32, #tpu.memory_space<vmem>> -> memref<80x64xf32, #tpu.memory_space<vmem>>
          %dma_start3A_442 = arith.constant 80 : i32
          %dma_start3A_443 = tpu.memref_slice %arg10[%dma_start3A_435, %dma_start3A_442] : memref<2x400xi32, #tpu.memory_space<vmem>> -> memref<1x80xi32, #tpu.memory_space<vmem>>
          %dma_start3A_444 = tpu.memref_squeeze %dma_start3A_443 : memref<1x80xi32, #tpu.memory_space<vmem>> -> memref<80xi32, #tpu.memory_space<vmem>>
          %dma_start3A_445 = arith.constant 0 : i32
          %dma_start3A_446 = arith.constant 0 : i32
          %dma_start3A_447 = tpu.memref_slice %arg3[%dma_start3A_445, %dma_start3A_446] : memref<100000x64xf32, #tpu.memory_space<hbm>> -> memref<100000x64xf32, #tpu.memory_space<hbm>>
          %dma_start3A_448 = tpu.memref_slice %arg16[%dma_start3A_437] : memref<2x!tpu.dma_semaphore, #tpu.memory_space<semaphore_mem>> -> memref<1x!tpu.dma_semaphore, #tpu.memory_space<semaphore_mem>>
          %dma_start3A_449 = tpu.memref_squeeze %dma_start3A_448 : memref<1x!tpu.dma_semaphore, #tpu.memory_space<semaphore_mem>> -> memref<!tpu.dma_semaphore, #tpu.memory_space<semaphore_mem>>
          tpu.enqueue_indirect_dma source(%dma_start3A_447 : memref<100000x64xf32, #tpu.memory_space<hbm>>) target(%dma_start3A_441 : memref<80x64xf32, #tpu.memory_space<vmem>>) offsets(%dma_start3A_444 : memref<80xi32, #tpu.memory_space<vmem>>) semaphore(%dma_start3A_449 : memref<!tpu.dma_semaphore, #tpu.memory_space<semaphore_mem>>)
          %dma_start3A_450 = arith.constant 0 : i32
          %dma_start3A_451 = arith.constant 0 : i32
          %dma_start3A_452 = arith.constant 0 : i32
          %dma_start3A_453 = arith.constant 160 : i32
          %dma_start3A_454 = arith.constant 0 : i32
          %dma_start3A_455 = tpu.memref_slice %arg11[%dma_start3A_451, %dma_start3A_453, %dma_start3A_454] : memref<2x400x64xf32, #tpu.memory_space<vmem>> -> memref<1x80x64xf32, #tpu.memory_space<vmem>>
          %dma_start3A_456 = tpu.memref_squeeze %dma_start3A_455 : memref<1x80x64xf32, #tpu.memory_space<vmem>> -> memref<80x64xf32, #tpu.memory_space<vmem>>
          %dma_start3A_457 = arith.constant 160 : i32
          %dma_start3A_458 = tpu.memref_slice %arg9[%dma_start3A_450, %dma_start3A_457] : memref<2x400xi32, #tpu.memory_space<vmem>> -> memref<1x80xi32, #tpu.memory_space<vmem>>
          %dma_start3A_459 = tpu.memref_squeeze %dma_start3A_458 : memref<1x80xi32, #tpu.memory_space<vmem>> -> memref<80xi32, #tpu.memory_space<vmem>>
          %dma_start3A_460 = arith.constant 0 : i32
          %dma_start3A_461 = arith.constant 0 : i32
          %dma_start3A_462 = tpu.memref_slice %arg2[%dma_start3A_460, %dma_start3A_461] : memref<100000x64xf32, #tpu.memory_space<hbm>> -> memref<100000x64xf32, #tpu.memory_space<hbm>>
          %dma_start3A_463 = tpu.memref_slice %arg16[%dma_start3A_452] : memref<2x!tpu.dma_semaphore, #tpu.memory_space<semaphore_mem>> -> memref<1x!tpu.dma_semaphore, #tpu.memory_space<semaphore_mem>>
          %dma_start3A_464 = tpu.memref_squeeze %dma_start3A_463 : memref<1x!tpu.dma_semaphore, #tpu.memory_space<semaphore_mem>> -> memref<!tpu.dma_semaphore, #tpu.memory_space<semaphore_mem>>
          tpu.enqueue_indirect_dma source(%dma_start3A_462 : memref<100000x64xf32, #tpu.memory_space<hbm>>) target(%dma_start3A_456 : memref<80x64xf32, #tpu.memory_space<vmem>>) offsets(%dma_start3A_459 : memref<80xi32, #tpu.memory_space<vmem>>) semaphore(%dma_start3A_464 : memref<!tpu.dma_semaphore, #tpu.memory_space<semaphore_mem>>)
          %dma_start3A_465 = arith.constant 0 : i32
          %dma_start3A_466 = arith.constant 0 : i32
          %dma_start3A_467 = arith.constant 0 : i32
          %dma_start3A_468 = arith.constant 160 : i32
          %dma_start3A_469 = arith.constant 0 : i32
          %dma_start3A_470 = tpu.memref_slice %arg12[%dma_start3A_466, %dma_start3A_468, %dma_start3A_469] : memref<2x400x64xf32, #tpu.memory_space<vmem>> -> memref<1x80x64xf32, #tpu.memory_space<vmem>>
          %dma_start3A_471 = tpu.memref_squeeze %dma_start3A_470 : memref<1x80x64xf32, #tpu.memory_space<vmem>> -> memref<80x64xf32, #tpu.memory_space<vmem>>
          %dma_start3A_472 = arith.constant 160 : i32
          %dma_start3A_473 = tpu.memref_slice %arg10[%dma_start3A_465, %dma_start3A_472] : memref<2x400xi32, #tpu.memory_space<vmem>> -> memref<1x80xi32, #tpu.memory_space<vmem>>
          %dma_start3A_474 = tpu.memref_squeeze %dma_start3A_473 : memref<1x80xi32, #tpu.memory_space<vmem>> -> memref<80xi32, #tpu.memory_space<vmem>>
          %dma_start3A_475 = arith.constant 0 : i32
          %dma_start3A_476 = arith.constant 0 : i32
          %dma_start3A_477 = tpu.memref_slice %arg3[%dma_start3A_475, %dma_start3A_476] : memref<100000x64xf32, #tpu.memory_space<hbm>> -> memref<100000x64xf32, #tpu.memory_space<hbm>>
          %dma_start3A_478 = tpu.memref_slice %arg16[%dma_start3A_467] : memref<2x!tpu.dma_semaphore, #tpu.memory_space<semaphore_mem>> -> memref<1x!tpu.dma_semaphore, #tpu.memory_space<semaphore_mem>>
          %dma_start3A_479 = tpu.memref_squeeze %dma_start3A_478 : memref<1x!tpu.dma_semaphore, #tpu.memory_space<semaphore_mem>> -> memref<!tpu.dma_semaphore, #tpu.memory_space<semaphore_mem>>
          tpu.enqueue_indirect_dma source(%dma_start3A_477 : memref<100000x64xf32, #tpu.memory_space<hbm>>) target(%dma_start3A_471 : memref<80x64xf32, #tpu.memory_space<vmem>>) offsets(%dma_start3A_474 : memref<80xi32, #tpu.memory_space<vmem>>) semaphore(%dma_start3A_479 : memref<!tpu.dma_semaphore, #tpu.memory_space<semaphore_mem>>)
          %dma_start3A_480 = arith.constant 0 : i32
          %dma_start3A_481 = arith.constant 0 : i32
          %dma_start3A_482 = arith.constant 0 : i32
          %dma_start3A_483 = arith.constant 240 : i32
          %dma_start3A_484 = arith.constant 0 : i32
          %dma_start3A_485 = tpu.memref_slice %arg11[%dma_start3A_481, %dma_start3A_483, %dma_start3A_484] : memref<2x400x64xf32, #tpu.memory_space<vmem>> -> memref<1x80x64xf32, #tpu.memory_space<vmem>>
          %dma_start3A_486 = tpu.memref_squeeze %dma_start3A_485 : memref<1x80x64xf32, #tpu.memory_space<vmem>> -> memref<80x64xf32, #tpu.memory_space<vmem>>
          %dma_start3A_487 = arith.constant 240 : i32
          %dma_start3A_488 = tpu.memref_slice %arg9[%dma_start3A_480, %dma_start3A_487] : memref<2x400xi32, #tpu.memory_space<vmem>> -> memref<1x80xi32, #tpu.memory_space<vmem>>
          %dma_start3A_489 = tpu.memref_squeeze %dma_start3A_488 : memref<1x80xi32, #tpu.memory_space<vmem>> -> memref<80xi32, #tpu.memory_space<vmem>>
          %dma_start3A_490 = arith.constant 0 : i32
          %dma_start3A_491 = arith.constant 0 : i32
          %dma_start3A_492 = tpu.memref_slice %arg2[%dma_start3A_490, %dma_start3A_491] : memref<100000x64xf32, #tpu.memory_space<hbm>> -> memref<100000x64xf32, #tpu.memory_space<hbm>>
          %dma_start3A_493 = tpu.memref_slice %arg16[%dma_start3A_482] : memref<2x!tpu.dma_semaphore, #tpu.memory_space<semaphore_mem>> -> memref<1x!tpu.dma_semaphore, #tpu.memory_space<semaphore_mem>>
          %dma_start3A_494 = tpu.memref_squeeze %dma_start3A_493 : memref<1x!tpu.dma_semaphore, #tpu.memory_space<semaphore_mem>> -> memref<!tpu.dma_semaphore, #tpu.memory_space<semaphore_mem>>
          tpu.enqueue_indirect_dma source(%dma_start3A_492 : memref<100000x64xf32, #tpu.memory_space<hbm>>) target(%dma_start3A_486 : memref<80x64xf32, #tpu.memory_space<vmem>>) offsets(%dma_start3A_489 : memref<80xi32, #tpu.memory_space<vmem>>) semaphore(%dma_start3A_494 : memref<!tpu.dma_semaphore, #tpu.memory_space<semaphore_mem>>)
          %dma_start3A_495 = arith.constant 0 : i32
          %dma_start3A_496 = arith.constant 0 : i32
          %dma_start3A_497 = arith.constant 0 : i32
          %dma_start3A_498 = arith.constant 240 : i32
          %dma_start3A_499 = arith.constant 0 : i32
          %dma_start3A_500 = tpu.memref_slice %arg12[%dma_start3A_496, %dma_start3A_498, %dma_start3A_499] : memref<2x400x64xf32, #tpu.memory_space<vmem>> -> memref<1x80x64xf32, #tpu.memory_space<vmem>>
          %dma_start3A_501 = tpu.memref_squeeze %dma_start3A_500 : memref<1x80x64xf32, #tpu.memory_space<vmem>> -> memref<80x64xf32, #tpu.memory_space<vmem>>
          %dma_start3A_502 = arith.constant 240 : i32
          %dma_start3A_503 = tpu.memref_slice %arg10[%dma_start3A_495, %dma_start3A_502] : memref<2x400xi32, #tpu.memory_space<vmem>> -> memref<1x80xi32, #tpu.memory_space<vmem>>
          %dma_start3A_504 = tpu.memref_squeeze %dma_start3A_503 : memref<1x80xi32, #tpu.memory_space<vmem>> -> memref<80xi32, #tpu.memory_space<vmem>>
          %dma_start3A_505 = arith.constant 0 : i32
          %dma_start3A_506 = arith.constant 0 : i32
          %dma_start3A_507 = tpu.memref_slice %arg3[%dma_start3A_505, %dma_start3A_506] : memref<100000x64xf32, #tpu.memory_space<hbm>> -> memref<100000x64xf32, #tpu.memory_space<hbm>>
          %dma_start3A_508 = tpu.memref_slice %arg16[%dma_start3A_497] : memref<2x!tpu.dma_semaphore, #tpu.memory_space<semaphore_mem>> -> memref<1x!tpu.dma_semaphore, #tpu.memory_space<semaphore_mem>>
          %dma_start3A_509 = tpu.memref_squeeze %dma_start3A_508 : memref<1x!tpu.dma_semaphore, #tpu.memory_space<semaphore_mem>> -> memref<!tpu.dma_semaphore, #tpu.memory_space<semaphore_mem>>
          tpu.enqueue_indirect_dma source(%dma_start3A_507 : memref<100000x64xf32, #tpu.memory_space<hbm>>) target(%dma_start3A_501 : memref<80x64xf32, #tpu.memory_space<vmem>>) offsets(%dma_start3A_504 : memref<80xi32, #tpu.memory_space<vmem>>) semaphore(%dma_start3A_509 : memref<!tpu.dma_semaphore, #tpu.memory_space<semaphore_mem>>)
          %dma_start3A_510 = arith.constant 0 : i32
          %dma_start3A_511 = arith.constant 0 : i32
          %dma_start3A_512 = arith.constant 0 : i32
          %dma_start3A_513 = arith.constant 320 : i32
          %dma_start3A_514 = arith.constant 0 : i32
          %dma_start3A_515 = tpu.memref_slice %arg11[%dma_start3A_511, %dma_start3A_513, %dma_start3A_514] : memref<2x400x64xf32, #tpu.memory_space<vmem>> -> memref<1x80x64xf32, #tpu.memory_space<vmem>>
          %dma_start3A_516 = tpu.memref_squeeze %dma_start3A_515 : memref<1x80x64xf32, #tpu.memory_space<vmem>> -> memref<80x64xf32, #tpu.memory_space<vmem>>
          %dma_start3A_517 = arith.constant 320 : i32
          %dma_start3A_518 = tpu.memref_slice %arg9[%dma_start3A_510, %dma_start3A_517] : memref<2x400xi32, #tpu.memory_space<vmem>> -> memref<1x80xi32, #tpu.memory_space<vmem>>
          %dma_start3A_519 = tpu.memref_squeeze %dma_start3A_518 : memref<1x80xi32, #tpu.memory_space<vmem>> -> memref<80xi32, #tpu.memory_space<vmem>>
          %dma_start3A_520 = arith.constant 0 : i32
          %dma_start3A_521 = arith.constant 0 : i32
          %dma_start3A_522 = tpu.memref_slice %arg2[%dma_start3A_520, %dma_start3A_521] : memref<100000x64xf32, #tpu.memory_space<hbm>> -> memref<100000x64xf32, #tpu.memory_space<hbm>>
          %dma_start3A_523 = tpu.memref_slice %arg16[%dma_start3A_512] : memref<2x!tpu.dma_semaphore, #tpu.memory_space<semaphore_mem>> -> memref<1x!tpu.dma_semaphore, #tpu.memory_space<semaphore_mem>>
          %dma_start3A_524 = tpu.memref_squeeze %dma_start3A_523 : memref<1x!tpu.dma_semaphore, #tpu.memory_space<semaphore_mem>> -> memref<!tpu.dma_semaphore, #tpu.memory_space<semaphore_mem>>
          tpu.enqueue_indirect_dma source(%dma_start3A_522 : memref<100000x64xf32, #tpu.memory_space<hbm>>) target(%dma_start3A_516 : memref<80x64xf32, #tpu.memory_space<vmem>>) offsets(%dma_start3A_519 : memref<80xi32, #tpu.memory_space<vmem>>) semaphore(%dma_start3A_524 : memref<!tpu.dma_semaphore, #tpu.memory_space<semaphore_mem>>)
          %dma_start3A_525 = arith.constant 0 : i32
          %dma_start3A_526 = arith.constant 0 : i32
          %dma_start3A_527 = arith.constant 0 : i32
          %dma_start3A_528 = arith.constant 320 : i32
          %dma_start3A_529 = arith.constant 0 : i32
          %dma_start3A_530 = tpu.memref_slice %arg12[%dma_start3A_526, %dma_start3A_528, %dma_start3A_529] : memref<2x400x64xf32, #tpu.memory_space<vmem>> -> memref<1x80x64xf32, #tpu.memory_space<vmem>>
          %dma_start3A_531 = tpu.memref_squeeze %dma_start3A_530 : memref<1x80x64xf32, #tpu.memory_space<vmem>> -> memref<80x64xf32, #tpu.memory_space<vmem>>
          %dma_start3A_532 = arith.constant 320 : i32
          %dma_start3A_533 = tpu.memref_slice %arg10[%dma_start3A_525, %dma_start3A_532] : memref<2x400xi32, #tpu.memory_space<vmem>> -> memref<1x80xi32, #tpu.memory_space<vmem>>
          %dma_start3A_534 = tpu.memref_squeeze %dma_start3A_533 : memref<1x80xi32, #tpu.memory_space<vmem>> -> memref<80xi32, #tpu.memory_space<vmem>>
          %dma_start3A_535 = arith.constant 0 : i32
          %dma_start3A_536 = arith.constant 0 : i32
          %dma_start3A_537 = tpu.memref_slice %arg3[%dma_start3A_535, %dma_start3A_536] : memref<100000x64xf32, #tpu.memory_space<hbm>> -> memref<100000x64xf32, #tpu.memory_space<hbm>>
          %dma_start3A_538 = tpu.memref_slice %arg16[%dma_start3A_527] : memref<2x!tpu.dma_semaphore, #tpu.memory_space<semaphore_mem>> -> memref<1x!tpu.dma_semaphore, #tpu.memory_space<semaphore_mem>>
          %dma_start3A_539 = tpu.memref_squeeze %dma_start3A_538 : memref<1x!tpu.dma_semaphore, #tpu.memory_space<semaphore_mem>> -> memref<!tpu.dma_semaphore, #tpu.memory_space<semaphore_mem>>
          tpu.enqueue_indirect_dma source(%dma_start3A_537 : memref<100000x64xf32, #tpu.memory_space<hbm>>) target(%dma_start3A_531 : memref<80x64xf32, #tpu.memory_space<vmem>>) offsets(%dma_start3A_534 : memref<80xi32, #tpu.memory_space<vmem>>) semaphore(%dma_start3A_539 : memref<!tpu.dma_semaphore, #tpu.memory_space<semaphore_mem>>)
        } else {
        }
        %add3A_341 = arith.constant 1 : i32
        %add3A_342 = arith.addi %add3A_171, %add3A_341 : i32
        %get3A = arith.constant 0 : index
        %get3A_343 = tpu.vector_load %arg14[%get3A] {strides = array<i32>} : memref<1536xf32, #tpu.memory_space<vmem>>, vector<16xf32>,
        %get3A_344 = arith.constant 128 : index
        %get3A_345 = tpu.vector_load %arg14[%get3A_344] {strides = array<i32>} : memref<1536xf32, #tpu.memory_space<vmem>>, vector<16xf32>,
        %get3A_346 = arith.constant 256 : index
        %get3A_347 = tpu.vector_load %arg14[%get3A_346] {strides = array<i32>} : memref<1536xf32, #tpu.memory_space<vmem>>, vector<16xf32>,
        %get3A_348 = arith.constant 384 : index
        %get3A_349 = tpu.vector_load %arg14[%get3A_348] {strides = array<i32>} : memref<1536xf32, #tpu.memory_space<vmem>>, vector<16xf32>,
        %get3A_350 = arith.constant 512 : index
        %get3A_351 = tpu.vector_load %arg14[%get3A_350] {strides = array<i32>} : memref<1536xf32, #tpu.memory_space<vmem>>, vector<16xf32>,
        %get3A_352 = arith.constant 640 : index
        %get3A_353 = tpu.vector_load %arg14[%get3A_352] {strides = array<i32>} : memref<1536xf32, #tpu.memory_space<vmem>>, vector<16xf32>,
        %get3A_354 = arith.constant 768 : index
        %get3A_355 = tpu.vector_load %arg14[%get3A_354] {strides = array<i32>} : memref<1536xf32, #tpu.memory_space<vmem>>, vector<16xf32>,
        %get3A_356 = arith.constant 896 : index
        %get3A_357 = tpu.vector_load %arg14[%get3A_356] {strides = array<i32>} : memref<1536xf32, #tpu.memory_space<vmem>>, vector<16xf32>,
        %get3A_358 = arith.constant 1024 : index
        %get3A_359 = tpu.vector_load %arg14[%get3A_358] {strides = array<i32>} : memref<1536xf32, #tpu.memory_space<vmem>>, vector<16xf32>,
        %get3A_360 = arith.constant 1152 : index
        %get3A_361 = tpu.vector_load %arg14[%get3A_360] {strides = array<i32>} : memref<1536xf32, #tpu.memory_space<vmem>>, vector<16xf32>,
        %get3A_362 = arith.constant 1280 : index
        %get3A_363 = tpu.vector_load %arg14[%get3A_362] {strides = array<i32>} : memref<1536xf32, #tpu.memory_space<vmem>>, vector<16xf32>,
        %get3A_364 = arith.constant 1408 : index
        %get3A_365 = tpu.vector_load %arg14[%get3A_364] {strides = array<i32>} : memref<1536xf32, #tpu.memory_space<vmem>>, vector<16xf32>,
        %get3A_366 = arith.constant 0 : index
        %get3A_367 = tpu.vector_load %arg15[%get3A_366] {strides = array<i32>} : memref<384xf32, #tpu.memory_space<vmem>>, vector<16xf32>,
        %get3A_368 = arith.constant 128 : index
        %get3A_369 = tpu.vector_load %arg15[%get3A_368] {strides = array<i32>} : memref<384xf32, #tpu.memory_space<vmem>>, vector<16xf32>,
        %get3A_370 = arith.constant 256 : index
        %get3A_371 = tpu.vector_load %arg15[%get3A_370] {strides = array<i32>} : memref<384xf32, #tpu.memory_space<vmem>>, vector<16xf32>,
        %iota3A = tpu.iota {dimensions = array<i32: 0>} : vector<16xi32>
        %lt3A_372 = arith.constant 8 : i32
        %lt3A_373 = vector.broadcast %lt3A_372 : i32 to vector<16xi32>
        %lt3A_374 = arith.cmpi slt, %iota3A, %lt3A_373 : vector<16xi32>
        %scan3A_375 = arith.constant 0 : i32
        %scan3A_376 = arith.constant 200 : i32
        %scan3A_377 = arith.addi %scan3A_375, %scan3A_376 : i32
        %scan3A_378 = arith.constant 1 : i32
        scf.for %scan3A_382 = %scan3A_375 to %scan3A_377 step %scan3A_378  : i32 {
          %mul3A_383 = arith.constant 2 : i32
          %mul3A_384 = arith.muli %mul3A_383, %scan3A_382 : i32
          %get3A_385 = arith.constant 1 : i32
          %get3A_386 = arith.constant 0 : i32
          %get3A_387 = arith.constant 0 : i32
          %get3A_388 = tpu.memref_slice %arg11[%get3A_385, %get3A_386, %get3A_387] : memref<2x400x64xf32, #tpu.memory_space<vmem>> -> memref<1x400x64xf32, #tpu.memory_space<vmem>>
          %get3A_389 = tpu.memref_squeeze %get3A_388 : memref<1x400x64xf32, #tpu.memory_space<vmem>> -> memref<400x64xf32, #tpu.memory_space<vmem>>
          %get3A_390 = arith.index_cast %mul3A_384 : i32 to index
          %get3A_391 = arith.constant 0 : index
          %get3A_392 = tpu.vector_load %get3A_389[%get3A_390, %get3A_391] {strides = array<i32>} : memref<400x64xf32, #tpu.memory_space<vmem>>, vector<16xf32>,
          %get3A_393 = arith.constant 1 : i32
          %get3A_394 = arith.constant 0 : i32
          %get3A_395 = arith.constant 0 : i32
          %get3A_396 = tpu.memref_slice %arg12[%get3A_393, %get3A_394, %get3A_395] : memref<2x400x64xf32, #tpu.memory_space<vmem>> -> memref<1x400x64xf32, #tpu.memory_space<vmem>>
          %get3A_397 = tpu.memref_squeeze %get3A_396 : memref<1x400x64xf32, #tpu.memory_space<vmem>> -> memref<400x64xf32, #tpu.memory_space<vmem>>
          %get3A_398 = arith.index_cast %mul3A_384 : i32 to index
          %get3A_399 = arith.constant 0 : index
          %get3A_400 = tpu.vector_load %get3A_397[%get3A_398, %get3A_399] {strides = array<i32>} : memref<400x64xf32, #tpu.memory_space<vmem>>, vector<16xf32>,
          %mul3A_401 = arith.mulf %get3A_392, %get3A_400 : vector<16xf32>
          %get3A_402 = arith.constant 1 : i32
          %get3A_403 = arith.constant 0 : i32
          %get3A_404 = arith.constant 0 : i32
          %get3A_405 = tpu.memref_slice %arg11[%get3A_402, %get3A_403, %get3A_404] : memref<2x400x64xf32, #tpu.memory_space<vmem>> -> memref<1x400x64xf32, #tpu.memory_space<vmem>>
          %get3A_406 = tpu.memref_squeeze %get3A_405 : memref<1x400x64xf32, #tpu.memory_space<vmem>> -> memref<400x64xf32, #tpu.memory_space<vmem>>
          %get3A_407 = arith.index_cast %mul3A_384 : i32 to index
          %get3A_408 = arith.constant 16 : index
          %get3A_409 = tpu.vector_load %get3A_406[%get3A_407, %get3A_408] {strides = array<i32>} : memref<400x64xf32, #tpu.memory_space<vmem>>, vector<16xf32>,
          %get3A_410 = arith.constant 1 : i32
          %get3A_411 = arith.constant 0 : i32
          %get3A_412 = arith.constant 0 : i32
          %get3A_413 = tpu.memref_slice %arg12[%get3A_410, %get3A_411, %get3A_412] : memref<2x400x64xf32, #tpu.memory_space<vmem>> -> memref<1x400x64xf32, #tpu.memory_space<vmem>>
          %get3A_414 = tpu.memref_squeeze %get3A_413 : memref<1x400x64xf32, #tpu.memory_space<vmem>> -> memref<400x64xf32, #tpu.memory_space<vmem>>
          %get3A_415 = arith.index_cast %mul3A_384 : i32 to index
          %get3A_416 = arith.constant 16 : index
          %get3A_417 = tpu.vector_load %get3A_414[%get3A_415, %get3A_416] {strides = array<i32>} : memref<400x64xf32, #tpu.memory_space<vmem>>, vector<16xf32>,
          %mul3A_418 = arith.mulf %get3A_409, %get3A_417 : vector<16xf32>
          %get3A_419 = arith.constant 1 : i32
          %get3A_420 = arith.constant 0 : i32
          %get3A_421 = arith.constant 0 : i32
          %get3A_422 = tpu.memref_slice %arg11[%get3A_419, %get3A_420, %get3A_421] : memref<2x400x64xf32, #tpu.memory_space<vmem>> -> memref<1x400x64xf32, #tpu.memory_space<vmem>>
          %get3A_423 = tpu.memref_squeeze %get3A_422 : memref<1x400x64xf32, #tpu.memory_space<vmem>> -> memref<400x64xf32, #tpu.memory_space<vmem>>
          %get3A_424 = arith.index_cast %mul3A_384 : i32 to index
          %get3A_425 = arith.constant 32 : index
          %get3A_426 = tpu.vector_load %get3A_423[%get3A_424, %get3A_425] {strides = array<i32>} : memref<400x64xf32, #tpu.memory_space<vmem>>, vector<16xf32>,
          %get3A_427 = arith.constant 1 : i32
          %get3A_428 = arith.constant 0 : i32
          %get3A_429 = arith.constant 0 : i32
          %get3A_430 = tpu.memref_slice %arg12[%get3A_427, %get3A_428, %get3A_429] : memref<2x400x64xf32, #tpu.memory_space<vmem>> -> memref<1x400x64xf32, #tpu.memory_space<vmem>>
          %get3A_431 = tpu.memref_squeeze %get3A_430 : memref<1x400x64xf32, #tpu.memory_space<vmem>> -> memref<400x64xf32, #tpu.memory_space<vmem>>
          %get3A_432 = arith.index_cast %mul3A_384 : i32 to index
          %get3A_433 = arith.constant 32 : index
          %get3A_434 = tpu.vector_load %get3A_431[%get3A_432, %get3A_433] {strides = array<i32>} : memref<400x64xf32, #tpu.memory_space<vmem>>, vector<16xf32>,
          %mul3A_435 = arith.mulf %get3A_426, %get3A_434 : vector<16xf32>
          %get3A_436 = arith.constant 1 : i32
          %get3A_437 = arith.constant 0 : i32
          %get3A_438 = arith.constant 0 : i32
          %get3A_439 = tpu.memref_slice %arg11[%get3A_436, %get3A_437, %get3A_438] : memref<2x400x64xf32, #tpu.memory_space<vmem>> -> memref<1x400x64xf32, #tpu.memory_space<vmem>>
          %get3A_440 = tpu.memref_squeeze %get3A_439 : memref<1x400x64xf32, #tpu.memory_space<vmem>> -> memref<400x64xf32, #tpu.memory_space<vmem>>
          %get3A_441 = arith.index_cast %mul3A_384 : i32 to index
          %get3A_442 = arith.constant 48 : index
          %get3A_443 = tpu.vector_load %get3A_440[%get3A_441, %get3A_442] {strides = array<i32>} : memref<400x64xf32, #tpu.memory_space<vmem>>, vector<16xf32>,
          %get3A_444 = arith.constant 1 : i32
          %get3A_445 = arith.constant 0 : i32
          %get3A_446 = arith.constant 0 : i32
          %get3A_447 = tpu.memref_slice %arg12[%get3A_444, %get3A_445, %get3A_446] : memref<2x400x64xf32, #tpu.memory_space<vmem>> -> memref<1x400x64xf32, #tpu.memory_space<vmem>>
          %get3A_448 = tpu.memref_squeeze %get3A_447 : memref<1x400x64xf32, #tpu.memory_space<vmem>> -> memref<400x64xf32, #tpu.memory_space<vmem>>
          %get3A_449 = arith.index_cast %mul3A_384 : i32 to index
          %get3A_450 = arith.constant 48 : index
          %get3A_451 = tpu.vector_load %get3A_448[%get3A_449, %get3A_450] {strides = array<i32>} : memref<400x64xf32, #tpu.memory_space<vmem>>, vector<16xf32>,
          %mul3A_452 = arith.mulf %get3A_443, %get3A_451 : vector<16xf32>
          %mul3A_453 = arith.mulf %mul3A_401, %get3A_343 : vector<16xf32>
          %mul3A_454 = arith.mulf %mul3A_418, %get3A_345 : vector<16xf32>
          %add3A_455 = arith.addf %mul3A_453, %mul3A_454 : vector<16xf32>
          %mul3A_456 = arith.mulf %mul3A_435, %get3A_347 : vector<16xf32>
          %add3A_457 = arith.addf %add3A_455, %mul3A_456 : vector<16xf32>
          %mul3A_458 = arith.mulf %mul3A_452, %get3A_349 : vector<16xf32>
          %add3A_459 = arith.addf %add3A_457, %mul3A_458 : vector<16xf32>
          %reduce_sum3A = arith.constant true
          %reduce_sum3A_460 = vector.broadcast %reduce_sum3A : i1 to vector<16xi1>
          %reduce_sum3A_461 = tpu.scan <sum>, %add3A_459 masked %reduce_sum3A_460 : vector<16xf32>, vector<16xi1> -> vector<16xf32>
          %reduce_sum3A_462 = vector.extract %reduce_sum3A_461[15] : f32 from vector<16xf32>
          %mul3A_463 = arith.mulf %mul3A_401, %get3A_351 : vector<16xf32>
          %mul3A_464 = arith.mulf %mul3A_418, %get3A_353 : vector<16xf32>
          %add3A_465 = arith.addf %mul3A_463, %mul3A_464 : vector<16xf32>
          %mul3A_466 = arith.mulf %mul3A_435, %get3A_355 : vector<16xf32>
          %add3A_467 = arith.addf %add3A_465, %mul3A_466 : vector<16xf32>
          %mul3A_468 = arith.mulf %mul3A_452, %get3A_357 : vector<16xf32>
          %add3A_469 = arith.addf %add3A_467, %mul3A_468 : vector<16xf32>
          %reduce_sum3A_470 = arith.constant true
          %reduce_sum3A_471 = vector.broadcast %reduce_sum3A_470 : i1 to vector<16xi1>
          %reduce_sum3A_472 = tpu.scan <sum>, %add3A_469 masked %reduce_sum3A_471 : vector<16xf32>, vector<16xi1> -> vector<16xf32>
          %reduce_sum3A_473 = vector.extract %reduce_sum3A_472[15] : f32 from vector<16xf32>
          %mul3A_474 = arith.mulf %mul3A_401, %get3A_359 : vector<16xf32>
          %mul3A_475 = arith.mulf %mul3A_418, %get3A_361 : vector<16xf32>
          %add3A_476 = arith.addf %mul3A_474, %mul3A_475 : vector<16xf32>
          %mul3A_477 = arith.mulf %mul3A_435, %get3A_363 : vector<16xf32>
          %add3A_478 = arith.addf %add3A_476, %mul3A_477 : vector<16xf32>
          %mul3A_479 = arith.mulf %mul3A_452, %get3A_365 : vector<16xf32>
          %add3A_480 = arith.addf %add3A_478, %mul3A_479 : vector<16xf32>
          %reduce_sum3A_481 = arith.constant true
          %reduce_sum3A_482 = vector.broadcast %reduce_sum3A_481 : i1 to vector<16xi1>
          %reduce_sum3A_483 = tpu.scan <sum>, %add3A_480 masked %reduce_sum3A_482 : vector<16xf32>, vector<16xi1> -> vector<16xf32>
          %reduce_sum3A_484 = vector.extract %reduce_sum3A_483[15] : f32 from vector<16xf32>
          %mul3A_485 = arith.constant 2 : i32
          %mul3A_486 = arith.muli %mul3A_485, %scan3A_382 : i32
          %add3A_487 = arith.constant 1 : i32
          %add3A_488 = arith.addi %mul3A_486, %add3A_487 : i32
          %get3A_489 = arith.constant 1 : i32
          %get3A_490 = arith.constant 0 : i32
          %get3A_491 = arith.constant 0 : i32
          %get3A_492 = tpu.memref_slice %arg11[%get3A_489, %get3A_490, %get3A_491] : memref<2x400x64xf32, #tpu.memory_space<vmem>> -> memref<1x400x64xf32, #tpu.memory_space<vmem>>
          %get3A_493 = tpu.memref_squeeze %get3A_492 : memref<1x400x64xf32, #tpu.memory_space<vmem>> -> memref<400x64xf32, #tpu.memory_space<vmem>>
          %get3A_494 = arith.index_cast %add3A_488 : i32 to index
          %get3A_495 = arith.constant 0 : index
          %get3A_496 = tpu.vector_load %get3A_493[%get3A_494, %get3A_495] {strides = array<i32>} : memref<400x64xf32, #tpu.memory_space<vmem>>, vector<16xf32>,
          %get3A_497 = arith.constant 1 : i32
          %get3A_498 = arith.constant 0 : i32
          %get3A_499 = arith.constant 0 : i32
          %get3A_500 = tpu.memref_slice %arg12[%get3A_497, %get3A_498, %get3A_499] : memref<2x400x64xf32, #tpu.memory_space<vmem>> -> memref<1x400x64xf32, #tpu.memory_space<vmem>>
          %get3A_501 = tpu.memref_squeeze %get3A_500 : memref<1x400x64xf32, #tpu.memory_space<vmem>> -> memref<400x64xf32, #tpu.memory_space<vmem>>
          %get3A_502 = arith.index_cast %add3A_488 : i32 to index
          %get3A_503 = arith.constant 0 : index
          %get3A_504 = tpu.vector_load %get3A_501[%get3A_502, %get3A_503] {strides = array<i32>} : memref<400x64xf32, #tpu.memory_space<vmem>>, vector<16xf32>,
          %mul3A_505 = arith.mulf %get3A_496, %get3A_504 : vector<16xf32>
          %get3A_506 = arith.constant 1 : i32
          %get3A_507 = arith.constant 0 : i32
          %get3A_508 = arith.constant 0 : i32
          %get3A_509 = tpu.memref_slice %arg11[%get3A_506, %get3A_507, %get3A_508] : memref<2x400x64xf32, #tpu.memory_space<vmem>> -> memref<1x400x64xf32, #tpu.memory_space<vmem>>
          %get3A_510 = tpu.memref_squeeze %get3A_509 : memref<1x400x64xf32, #tpu.memory_space<vmem>> -> memref<400x64xf32, #tpu.memory_space<vmem>>
          %get3A_511 = arith.index_cast %add3A_488 : i32 to index
          %get3A_512 = arith.constant 16 : index
          %get3A_513 = tpu.vector_load %get3A_510[%get3A_511, %get3A_512] {strides = array<i32>} : memref<400x64xf32, #tpu.memory_space<vmem>>, vector<16xf32>,
          %get3A_514 = arith.constant 1 : i32
          %get3A_515 = arith.constant 0 : i32
          %get3A_516 = arith.constant 0 : i32
          %get3A_517 = tpu.memref_slice %arg12[%get3A_514, %get3A_515, %get3A_516] : memref<2x400x64xf32, #tpu.memory_space<vmem>> -> memref<1x400x64xf32, #tpu.memory_space<vmem>>
          %get3A_518 = tpu.memref_squeeze %get3A_517 : memref<1x400x64xf32, #tpu.memory_space<vmem>> -> memref<400x64xf32, #tpu.memory_space<vmem>>
          %get3A_519 = arith.index_cast %add3A_488 : i32 to index
          %get3A_520 = arith.constant 16 : index
          %get3A_521 = tpu.vector_load %get3A_518[%get3A_519, %get3A_520] {strides = array<i32>} : memref<400x64xf32, #tpu.memory_space<vmem>>, vector<16xf32>,
          %mul3A_522 = arith.mulf %get3A_513, %get3A_521 : vector<16xf32>
          %get3A_523 = arith.constant 1 : i32
          %get3A_524 = arith.constant 0 : i32
          %get3A_525 = arith.constant 0 : i32
          %get3A_526 = tpu.memref_slice %arg11[%get3A_523, %get3A_524, %get3A_525] : memref<2x400x64xf32, #tpu.memory_space<vmem>> -> memref<1x400x64xf32, #tpu.memory_space<vmem>>
          %get3A_527 = tpu.memref_squeeze %get3A_526 : memref<1x400x64xf32, #tpu.memory_space<vmem>> -> memref<400x64xf32, #tpu.memory_space<vmem>>
          %get3A_528 = arith.index_cast %add3A_488 : i32 to index
          %get3A_529 = arith.constant 32 : index
          %get3A_530 = tpu.vector_load %get3A_527[%get3A_528, %get3A_529] {strides = array<i32>} : memref<400x64xf32, #tpu.memory_space<vmem>>, vector<16xf32>,
          %get3A_531 = arith.constant 1 : i32
          %get3A_532 = arith.constant 0 : i32
          %get3A_533 = arith.constant 0 : i32
          %get3A_534 = tpu.memref_slice %arg12[%get3A_531, %get3A_532, %get3A_533] : memref<2x400x64xf32, #tpu.memory_space<vmem>> -> memref<1x400x64xf32, #tpu.memory_space<vmem>>
          %get3A_535 = tpu.memref_squeeze %get3A_534 : memref<1x400x64xf32, #tpu.memory_space<vmem>> -> memref<400x64xf32, #tpu.memory_space<vmem>>
          %get3A_536 = arith.index_cast %add3A_488 : i32 to index
          %get3A_537 = arith.constant 32 : index
          %get3A_538 = tpu.vector_load %get3A_535[%get3A_536, %get3A_537] {strides = array<i32>} : memref<400x64xf32, #tpu.memory_space<vmem>>, vector<16xf32>,
          %mul3A_539 = arith.mulf %get3A_530, %get3A_538 : vector<16xf32>
          %get3A_540 = arith.constant 1 : i32
          %get3A_541 = arith.constant 0 : i32
          %get3A_542 = arith.constant 0 : i32
          %get3A_543 = tpu.memref_slice %arg11[%get3A_540, %get3A_541, %get3A_542] : memref<2x400x64xf32, #tpu.memory_space<vmem>> -> memref<1x400x64xf32, #tpu.memory_space<vmem>>
          %get3A_544 = tpu.memref_squeeze %get3A_543 : memref<1x400x64xf32, #tpu.memory_space<vmem>> -> memref<400x64xf32, #tpu.memory_space<vmem>>
          %get3A_545 = arith.index_cast %add3A_488 : i32 to index
          %get3A_546 = arith.constant 48 : index
          %get3A_547 = tpu.vector_load %get3A_544[%get3A_545, %get3A_546] {strides = array<i32>} : memref<400x64xf32, #tpu.memory_space<vmem>>, vector<16xf32>,
          %get3A_548 = arith.constant 1 : i32
          %get3A_549 = arith.constant 0 : i32
          %get3A_550 = arith.constant 0 : i32
          %get3A_551 = tpu.memref_slice %arg12[%get3A_548, %get3A_549, %get3A_550] : memref<2x400x64xf32, #tpu.memory_space<vmem>> -> memref<1x400x64xf32, #tpu.memory_space<vmem>>
          %get3A_552 = tpu.memref_squeeze %get3A_551 : memref<1x400x64xf32, #tpu.memory_space<vmem>> -> memref<400x64xf32, #tpu.memory_space<vmem>>
          %get3A_553 = arith.index_cast %add3A_488 : i32 to index
          %get3A_554 = arith.constant 48 : index
          %get3A_555 = tpu.vector_load %get3A_552[%get3A_553, %get3A_554] {strides = array<i32>} : memref<400x64xf32, #tpu.memory_space<vmem>>, vector<16xf32>,
          %mul3A_556 = arith.mulf %get3A_547, %get3A_555 : vector<16xf32>
          %mul3A_557 = arith.mulf %mul3A_505, %get3A_343 : vector<16xf32>
          %mul3A_558 = arith.mulf %mul3A_522, %get3A_345 : vector<16xf32>
          %add3A_559 = arith.addf %mul3A_557, %mul3A_558 : vector<16xf32>
          %mul3A_560 = arith.mulf %mul3A_539, %get3A_347 : vector<16xf32>
          %add3A_561 = arith.addf %add3A_559, %mul3A_560 : vector<16xf32>
          %mul3A_562 = arith.mulf %mul3A_556, %get3A_349 : vector<16xf32>
          %add3A_563 = arith.addf %add3A_561, %mul3A_562 : vector<16xf32>
          %reduce_sum3A_564 = arith.constant true
          %reduce_sum3A_565 = vector.broadcast %reduce_sum3A_564 : i1 to vector<16xi1>
          %reduce_sum3A_566 = tpu.scan <sum>, %add3A_563 masked %reduce_sum3A_565 : vector<16xf32>, vector<16xi1> -> vector<16xf32>
          %reduce_sum3A_567 = vector.extract %reduce_sum3A_566[15] : f32 from vector<16xf32>
          %mul3A_568 = arith.mulf %mul3A_505, %get3A_351 : vector<16xf32>
          %mul3A_569 = arith.mulf %mul3A_522, %get3A_353 : vector<16xf32>
          %add3A_570 = arith.addf %mul3A_568, %mul3A_569 : vector<16xf32>
          %mul3A_571 = arith.mulf %mul3A_539, %get3A_355 : vector<16xf32>
          %add3A_572 = arith.addf %add3A_570, %mul3A_571 : vector<16xf32>
          %mul3A_573 = arith.mulf %mul3A_556, %get3A_357 : vector<16xf32>
          %add3A_574 = arith.addf %add3A_572, %mul3A_573 : vector<16xf32>
          %reduce_sum3A_575 = arith.constant true
          %reduce_sum3A_576 = vector.broadcast %reduce_sum3A_575 : i1 to vector<16xi1>
          %reduce_sum3A_577 = tpu.scan <sum>, %add3A_574 masked %reduce_sum3A_576 : vector<16xf32>, vector<16xi1> -> vector<16xf32>
          %reduce_sum3A_578 = vector.extract %reduce_sum3A_577[15] : f32 from vector<16xf32>
          %mul3A_579 = arith.mulf %mul3A_505, %get3A_359 : vector<16xf32>
          %mul3A_580 = arith.mulf %mul3A_522, %get3A_361 : vector<16xf32>
          %add3A_581 = arith.addf %mul3A_579, %mul3A_580 : vector<16xf32>
          %mul3A_582 = arith.mulf %mul3A_539, %get3A_363 : vector<16xf32>
          %add3A_583 = arith.addf %add3A_581, %mul3A_582 : vector<16xf32>
          %mul3A_584 = arith.mulf %mul3A_556, %get3A_365 : vector<16xf32>
          %add3A_585 = arith.addf %add3A_583, %mul3A_584 : vector<16xf32>
          %reduce_sum3A_586 = arith.constant true
          %reduce_sum3A_587 = vector.broadcast %reduce_sum3A_586 : i1 to vector<16xi1>
          %reduce_sum3A_588 = tpu.scan <sum>, %add3A_585 masked %reduce_sum3A_587 : vector<16xf32>, vector<16xi1> -> vector<16xf32>
          %reduce_sum3A_589 = vector.extract %reduce_sum3A_588[15] : f32 from vector<16xf32>
          %broadcast_in_dim3A = arith.constant 0.000000e+00 : f32
          %broadcast_in_dim3A_590 = vector.broadcast %broadcast_in_dim3A : f32 to vector<16xf32>
          %broadcast_in_dim3A_591 = vector.broadcast %reduce_sum3A_462 : f32 to vector<16xf32>
          %broadcast_in_dim3A_592 = vector.broadcast %reduce_sum3A_567 : f32 to vector<16xf32>
          %select_n3A_593 = arith.select %lt3A_374, %broadcast_in_dim3A_591, %broadcast_in_dim3A_592 : vector<16xi1>, vector<16xf32>
          %mul3A_594 = arith.mulf %select_n3A_593, %get3A_367 : vector<16xf32>
          %add3A_595 = arith.addf %broadcast_in_dim3A_590, %mul3A_594 : vector<16xf32>
          %broadcast_in_dim3A_596 = vector.broadcast %reduce_sum3A_473 : f32 to vector<16xf32>
          %broadcast_in_dim3A_597 = vector.broadcast %reduce_sum3A_578 : f32 to vector<16xf32>
          %select_n3A_598 = arith.select %lt3A_374, %broadcast_in_dim3A_596, %broadcast_in_dim3A_597 : vector<16xi1>, vector<16xf32>
          %mul3A_599 = arith.mulf %select_n3A_598, %get3A_369 : vector<16xf32>
          %add3A_600 = arith.addf %add3A_595, %mul3A_599 : vector<16xf32>
          %broadcast_in_dim3A_601 = vector.broadcast %reduce_sum3A_484 : f32 to vector<16xf32>
          %broadcast_in_dim3A_602 = vector.broadcast %reduce_sum3A_589 : f32 to vector<16xf32>
          %select_n3A_603 = arith.select %lt3A_374, %broadcast_in_dim3A_601, %broadcast_in_dim3A_602 : vector<16xi1>, vector<16xf32>
          %mul3A_604 = arith.mulf %select_n3A_603, %get3A_371 : vector<16xf32>
          %add3A_605 = arith.addf %add3A_600, %mul3A_604 : vector<16xf32>
          %mul3A_606 = arith.constant 16 : i32
          %mul3A_607 = arith.muli %mul3A_606, %scan3A_382 : i32
          %swap3A = arith.index_cast %mul3A_607 : i32 to index
          %swap3A_608 = tpu.vector_load %arg13[%swap3A] {strides = array<i32>} : memref<3200xf32, #tpu.memory_space<vmem>>, vector<16xf32>,
          tpu.vector_store %arg13[%swap3A], %add3A_605 {strides = array<i32>} : memref<3200xf32, #tpu.memory_space<vmem>>, vector<16xf32>,
        }
        %scan3A_379 = arith.constant 200 : i32
        %mul3A_380 = arith.constant 3200 : i32
        %mul3A_381 = arith.muli %add3A_342, %mul3A_380 : i32
        "tpu.region"() ({
          %run_scoped3A_382 = tpu.sem_alloc : memref<!tpu.dma_semaphore, #tpu.memory_space<semaphore_mem>>
          %dma_start3A_383 = tpu.memref_slice %arg8[%mul3A_381] : memref<4000000xf32, #tpu.memory_space<hbm>> -> memref<3200xf32, #tpu.memory_space<hbm>>
          %dma_start3A_384 = tpu.memref_slice %arg8[%mul3A_381] : memref<4000000xf32, #tpu.memory_space<hbm>> -> memref<3200xf32, #tpu.memory_space<hbm>>
          tpu.enqueue_dma source(%arg13 : memref<3200xf32, #tpu.memory_space<vmem>>) target(%dma_start3A_384 : memref<3200xf32, #tpu.memory_space<hbm>>) target_semaphore(%run_scoped3A_382 : memref<!tpu.dma_semaphore, #tpu.memory_space<semaphore_mem>>)
          %dma_wait3A_385 = tpu.memref_slice %arg8[%mul3A_381] : memref<4000000xf32, #tpu.memory_space<hbm>> -> memref<3200xf32, #tpu.memory_space<hbm>>
          %dma_wait3A_386 = tpu.memref_slice %arg8[%mul3A_381] : memref<4000000xf32, #tpu.memory_space<hbm>> -> memref<3200xf32, #tpu.memory_space<hbm>>
          tpu.wait_dma2 semaphore(%run_scoped3A_382 : memref<!tpu.dma_semaphore, #tpu.memory_space<semaphore_mem>>) src(%arg13 : memref<3200xf32, #tpu.memory_space<vmem>>) dst(%dma_wait3A_386 : memref<3200xf32, #tpu.memory_space<hbm>>)
          tpu.yield
        }) : () -> ()
      } else {
      }
    }
    %scan3A_167 = arith.constant 20 : i32
    return
  }
}

</mosaic_0001>

<sc_bundles>
// kernel: kernel.3.cloned.1.call-start
scs
__scs_entry_jumppad:
0x0: {  	(pc) =	sbr.rel $0x88, $3  }
0x1: {  	(tag) =	ssettag $0x0;
	lr =	simm.s32 $0x1  }
0x2: {  	[smem:$0x3F9B] =	sst lr;
	_ =	strace $0xD0000000  }
0x3: {  	_ = 	snop  }
0x4: {  	_ = 	snop  }
0x5: {  	_ = 	snop  }
0x6: {  	_ = 	snop  }
0x7: {  	_ = 	snop  }
__scs_overlays_trampoline_lowered:
0x8: {  	[smem:$0x3FAA] =	sst s0  }
0x9: {  	[smem:$0x3FAB] =	sst s1  }
0xa: {  	[smem:$0x3FAC] =	sst s2  }
0xb: {  	[smem:$0x3FAD] =	sst s3  }
0xc: {  	[smem:$0x3FAE] =	sst s4  }
0xd: {  	[smem:$0x3FAF] =	sst s5  }
0xe: {  	[smem:$0x3FB0] =	sst s6  }
0xf: {  	[smem:$0x3FB1] =	sst s7  }
0x10: {  	[smem:$0x3FB2] =	sst s8  }
0x11: {  	[smem:$0x3FB3] =	sst s9;
	s0 =	simm.s32 @!p0 $0x0  }
0x12: {  	s1 =	sld [smem:$0x3F99];
	s0 =	simm.s32 @p0 $0x1  }
0x13: {  	[smem:$0x3FB4] =	sst s0;
	s0 =	simm.s32 @!p1 $0x0  }
0x14: {  	s2 =	sld [smem:$0x3F98];
	s0 =	simm.s32 @p1 $0x1  }
0x15: {  	[smem:$0x3FB5] =	sst s0;
	s0 =	simm.s32 @!p2 $0x0  }
0x16: {  	s3 =	sld [smem:$0x3FDB];
	s0 =	simm.s32 @p2 $0x1  }
0x17: {  	s4 =	simm.s32 $0x1BF5;
	[smem:$0x3FB7] =	sst s0  }
0x18: {  	s0 =	sld [smem:$0x3F9A];
	_ =	swait.ge [sflag:s4], $0x0  }
0x19: {  	s7 =	sld [smem:$0x3F9B]  }
0x1a: {  	s8 =	sadd.s32 $0xFFFFE003, lr  }
0x1b: {  	s9 =	sadd.s32 $0xFFFFFEF7, lr;
	s5 =	simm.s32 $0xFFFFFFFF;
	p2 =	slt.u32 s8, $0xFFFFF086  }
0x1c: {  	p1 =	slt.u32 s9, $0xF7A;
	s5 =	simm.s32 @!p2 $0x0  }
0x1d: {  	s5 =	simm.s32 @p1 $0x1;
	p0 =	seq.s32 s7, s2  }
0x1e: {  	s7 =	smul.u32 @!p0 $0xF7A, s2;
	p2 =	seq.s32 @!p0 s5, $0x0  }
0x1f: {  	s9 =	smul.u32 $0xF7A, s1;
	s8 =	simm.s32 @!p0 $0x1BF5;
	p2 =	por !p2, p0  }
0x20: {  	[sflag:s8] =	ssyncset.s32 @!p0 $0xFFFFF086;
	s6 =	sadd.s32 @!p0 s3, s7;
	s7 =	simm.s32 @!p0 $0x108  }
0x21: {  	s3 =	sadd.s32 s3, s9;
	s6 =	sadd.s32 @!p0 $0x88, s6;
	s7 =	simm.s32 @p2 $0x1082  }
0x22: {  	[simem:s7], [sflag:s8] =	dma.local @!p0 [hbm:s6], $0xF7A  }
0x23: {  	s9 =	sor.u32 $0xD0000000, s2;
	s6 =	simm.s32 $0x108;
	_ =	swait.ge @!p0 [sflag:s8], $0x0  }
0x24: {  	s3 =	sadd.s32 $0x88, s3;
	s6 =	simm.s32 @!p1 $0x1082;
	[sflag:s4] =	ssyncset.s32 $0xFFFFF086  }
0x25: {  	[simem:s6], [sflag:s4] =	dma.local [hbm:s3], $0xF7A  }
0x26: {  	[smem:$0x3F9B] =	sst s1;
	(tag) =	ssettag s2;
	_ =	strace s9  }
0x27: {  	s1 =	sld [smem:$0x3FAB]  }
0x28: {  	s2 =	sld [smem:$0x3FAC]  }
0x29: {  	s4 =	sld [smem:$0x3FAE]  }
0x2a: {  	p0 =	seq.s32 s5, $0x0;
	s5 =	sld [smem:$0x3FAF]  }
0x2b: {  	s6 =	sld [smem:$0x3FB0]  }
0x2c: {  	s7 =	sld [smem:$0x3FB1]  }
0x2d: {  	s3 =	simm.s32 $0x108;
	s8 =	sld [smem:$0x3FB2]  }
0x2e: {  	s3 =	simm.s32 @!p0 $0x1082;
	s9 =	sld [smem:$0x3FB3]  }
0x2f: {  	lr =	sadd.s32 s0, s3;
	s0 =	sld [smem:$0x3FAA]  }
0x30: {  	s3 =	sld [smem:$0x3FAD]  }
0x31: {  	[smem:$0x3FB6] =	sst s10  }
0x32: {  	s10 =	sld [smem:$0x3FB4];
	_ =	sdelay $0x3  }
0x33: {  	p0 =	seq.s32 s10, $0x1;
	s10 =	sld [smem:$0x3FB6];
	_ =	sdelay $0x3  }
0x34: {  	[smem:$0x3FB6] =	sst s10  }
0x35: {  	s10 =	sld [smem:$0x3FB5];
	_ =	sdelay $0x3  }
0x36: {  	p1 =	seq.s32 s10, $0x1;
	s10 =	sld [smem:$0x3FB6];
	_ =	sdelay $0x3  }
0x37: {  	[smem:$0x3FB6] =	sst s10  }
0x38: {  	s10 =	sld [smem:$0x3FB7]  }
0x39: {  	_ = 	snop;
	(pc) =	sbr.ind lr, $3  }
0x3a: {  	_ = 	snop  }
0x3b: {  	_ = 	snop  }
0x3c: {  	p2 =	seq.s32 s10, $0x1;
	s10 =	sld [smem:$0x3FB6]  }
0x3d: {  	_ =	shalt  }
0x3e: {  	_ =	shalt  }
0x3f: {  	_ =	shalt  }
0x40: {  	_ =	shalt  }
0x41: {  	_ =	shalt  }
0x42: {  	_ =	shalt  }
0x43: {  	_ =	shalt  }
0x44: {  	_ =	shalt  }
0x45: {  	_ =	shalt  }
0x46: {  	_ =	shalt  }
0x47: {  	_ =	shalt  }
0x48: {  	_ =	shalt  }
0x49: {  	_ =	shalt  }
0x4a: {  	_ =	shalt  }
0x4b: {  	_ =	shalt  }
0x4c: {  	_ =	shalt  }
0x4d: {  	_ =	shalt  }
0x4e: {  	_ =	shalt  }
0x4f: {  	_ =	shalt  }
0x50: {  	_ =	shalt  }
0x51: {  	_ =	shalt  }
0x52: {  	_ =	shalt  }
0x53: {  	_ =	shalt  }
0x54: {  	_ =	shalt  }
0x55: {  	_ =	shalt  }
0x56: {  	_ =	shalt  }
0x57: {  	_ =	shalt  }
0x58: {  	_ =	shalt  }
0x59: {  	_ =	shalt  }
0x5a: {  	_ =	shalt  }
0x5b: {  	_ =	shalt  }
0x5c: {  	_ =	shalt  }
0x5d: {  	_ =	shalt  }
0x5e: {  	_ =	shalt  }
0x5f: {  	_ =	shalt  }
0x60: {  	_ =	shalt  }
0x61: {  	_ =	shalt  }
0x62: {  	_ =	shalt  }
0x63: {  	_ =	shalt  }
0x64: {  	_ =	shalt  }
0x65: {  	_ =	shalt  }
0x66: {  	_ =	shalt  }
0x67: {  	_ =	shalt  }
0x68: {  	_ =	shalt  }
0x69: {  	_ =	shalt  }
0x6a: {  	_ =	shalt  }
0x6b: {  	_ =	shalt  }
0x6c: {  	_ =	shalt  }
0x6d: {  	_ =	shalt  }
0x6e: {  	_ =	shalt  }
0x6f: {  	_ =	shalt  }
0x70: {  	_ =	shalt  }
0x71: {  	_ =	shalt  }
0x72: {  	_ =	shalt  }
0x73: {  	_ =	shalt  }
0x74: {  	_ =	shalt  }
0x75: {  	_ =	shalt  }
0x76: {  	_ =	shalt  }
0x77: {  	_ =	shalt  }
0x78: {  	_ =	shalt  }
0x79: {  	_ =	shalt  }
0x7a: {  	_ =	shalt  }
0x7b: {  	_ =	shalt  }
0x7c: {  	_ =	shalt  }
0x7d: {  	_ =	shalt  }
0x7e: {  	_ =	shalt  }
0x7f: {  	_ =	shalt  }
0x80: {  	_ =	shalt  }
0x81: {  	_ =	shalt  }
0x82: {  	_ =	shalt  }
0x83: {  	_ =	shalt  }
0x84: {  	_ =	shalt  }
0x85: {  	_ =	shalt  }
0x86: {  	_ =	shalt  }
0x87: {  	_ =	shalt  }
.Lfunc_end0:
.L_simem_size_0:
called_computation_lowered:
.L_overlay_start_0:
0x88: {  	s2 =	sld [smem:$0x3FD9]  }
0x89: {  	s3 =	sld [smem:$0x3FFE];
	_ =	sdelay $0x1  }
0x8a: {  	s1 =	srdreg.scid  }
0x8b: {  	s0 =	sand.u32 $0x1, s1  }
0x8c: {  	s17 =	sshll.u32 s0, $0xA;
	s2 =	sadd.s32 s3, s2  }
0x8d: {  	s2 =	sadd.s32 s2, s17  }
0x8e: {  	[smem:$0x3FC2] =	sst s2  }
0x8f: {  	_ = 	snop  }
0x90: {  	s2 =	sld [smem:$0x3FC7]  }
0x91: {  	s18 =	sld [smem:$0x3FC6]  }
0x92: {  	s4 =	sld [smem:$0x3FD0];
	(tm) =	ssettm $0x1  }
0x93: {  	s5 =	sld [smem:$0x3FFB];
	_ =	sdelay $0x3  }
0x94: {  	_ =	strace s5  }
0x95: {  	s5 =	sld [smem:$0x3FFC];
	_ =	sdelay $0x3  }
0x96: {  	_ =	strace s5  }
0x97: {  	s5 =	sld [smem:$0x3FFD];
	_ =	sdelay $0x3  }
0x98: {  	_ =	strace s5  }
0x99: {  	_ =	strace $0x8FFFFFFF  }
0x9a: {  	s19 =	sld [smem:$0x3FDB];
	_ =	sdelay $0x1  }
0x9b: {  	s6 =	simm.s32 $_scs_section_size  }
0x9c: {  	s7 =	simm.s32 $_size__tile_overlayer_lowered;
	s8 =	simm.s32 $_tile_overlayer_lowered  }
0x9d: {  	s22 =	simm.s32 $0x1BFF;
	s21 =	sshll.u32 s8, $0x1;
	s5 =	sadd.s32 s6, s19  }
0x9e: {  	s9 =	simm.s32 $0x0;
	s20 =	sshll.u32 s7, $0x1;
	s7 =	sadd.s32 s21, s5  }
0x9f: {  	[timem:s9], [sflag:s22] =	dma.local [hbm:s7], s20  }
0xa0: {  	_ =	swait.ge [sflag:s22], s20  }
0xa1: {  	s6 =	ssub.s32 $0x0, s20;
	[sflag:s22] =	ssyncset.done $0x0  }
0xa2: {  	[sflag:s22] =	ssyncadd.s32 s6;
	_ =	sdelay $0x1  }
0xa3: {  	s23 =	simm.s32 $0x1B8B  }
0xa4: {  	_ =	swait.ge [sflag:s23], $0x1  }
0xa5: {  	[sflag:s23] =	ssyncset.done $0x0  }
0xa6: {  	s25 =	simm.s32 $0x1B8E;
	s24 =	sld [smem:$0x3FFE];
	[sflag:s23] =	ssyncadd.s32 $0xFFFFFFFF  }
0xa7: {  	s26 =	simm.s32 $execute0_lowered;
	[smem:$0x3FD2] =	sst s25  }
0xa8: {  	s7 =	sshll.u32 s26, $0x1;
	_ =	strace $0x80000046;
	[dreg:$0x1] =	wrdreg $0xFFFFFFFF  }
0xa9: {  	s28 =	simm.s32 $_size_execute0_lowered;
	s5 =	sadd.s32 s5, s7;
	[dreg:$0x0] =	wrdreg $0x0  }
0xaa: {  	s7 =	sshll.u32 s28, $0x1;
	[dreg:$0x2] =	wrdreg s5  }
0xab: {  	[dreg:$0x3] =	wrdreg s7  }
0xac: {  	[dreg:$0x4] =	wrdreg $0xC0  }
0xad: {  	_ =	task [dreg:s9], $0x5FFFF  }
0xae: {  	[dreg:$0x1] =	wrdreg $0xFFFFFFFF  }
0xaf: {  	[dreg:$0x0] =	wrdreg $0x60  }
0xb0: {  	[dreg:$0x2] =	wrdreg s24  }
0xb1: {  	[dreg:$0x3] =	wrdreg s2  }
0xb2: {  	[dreg:$0x4] =	wrdreg s18  }
0xb3: {  	[dreg:$0x5] =	wrdreg s4  }
0xb4: {  	[dreg:$0x6] =	wrdreg $0x9  }
0xb5: {  	_ =	task.clear_ibuf [dreg:s9], $0x7FFFF;
	_ =	strace $0x90000046  }
0xb6: {  	s29 =	simm.s32 $0x9;
	_ =	strace $0x80000048  }
0xb7: {  	_ =	swait.ge [sflag:s29], $0x1  }
0xb8: {  	[sflag:s29] =	ssyncadd.s32 $0xFFFFFFFF  }
0xb9: {  	_ =	strace $0x90000048  }
0xba: {  	_ =	sfence  }
0xbb: {  	s30 =	sld [smem:$0x0];
	_ =	sdelay $0x2  }
0xbc: {  	s31 =	sshll.u32 s1, $0xD;
	s1 =	sshrl.u32 s1, $0x2  }
0xbd: {  	s3 =	sand.u32 $0x4000, s31;
	s1 =	sadd.s32 s1, s30  }
0xbe: {  	s0 =	sor.u32 s3, s0;
	s1 =	sshll.u32 s1, $0x11  }
0xbf: {  	s0 =	sor.u32 s1, s0  }
0xc0: {  	s0 =	sadd.s32 $0x8F2B, s0  }
0xc1: {  	[sflag:s0] =	ssyncadd.remote.s32 $0x1  }
0xc2: {  	_ =	sfence.sel $0xFFFF  }
0xc3: {  	[dreg:$0x0] =	wrdreg $0xFFFFFFFF;
	(pc) =	sbr.abs _section_cstart, $3  }
0xc4: {  	[dreg:$0x1] =	wrdreg $0xFFFFFFFF  }
0xc5: {  	_ =	task.clear_ibuf [dreg:s9], $0x2FFFF;
	_ =	strace $0x9FFFFFFF  }
0xc6: {  	(tm) =	ssettm $0x7FFFFFFF  }
0xc7: {  	_ =	shalt  }
tec
execute0_lowered:
.L_overlay_start_1:
0x0: {  	(tag) =	ssettag $0x1  }
0x1: {  	s0 =	rddreg [dreg:$0x0]  }
0x2: {  	s1 =	rddreg [dreg:$0x1]  }
0x3: {  	s2 =	rddreg [dreg:$0x2]  }
0x4: {  	s4 =	rddreg [dreg:$0x3]  }
0x5: {  	s3 =	srdreg.scid;
	s11 =	stileid.u32;
	s5 =	simm.s32 $0x0  }
0x6: {  	s18 =	simm.s32 $0x3;
	s20 =	simm.s32 $0x320;
	s21 =	simm.s32 $0x50  }
0x7: {  	s28 =	simm.s32 $0x19640;
	s29 =	simm.s32 $0x4;
	s30 =	simm.s32 $0x2  }
0x8: {  	s31 =	simm.s32 $0x0;
	s3 =	sand.u32 $0x1, s3;
	s6 =	sshll.u32 s11, $0x1  }
0x9: {  	[smem:$0x7FF] =	sst s5;
	s7 =	sadd.s32 $0x24C400, s0;
	p0 =	seq.s32 s11, $0x0  }
0xa: {  	s11 =	simm.s32 $0x28;
	s8 =	sor.u32 s3, s6;
	_ =	strace $0x80000047  }
0xb: {  	s6 =	sadd.s32 $0x188E00, s0;
	s3 =	ssub.s32 $0x2, s3;
	s9 =	smul.u32 $0x27, s8  }
.Ltmp0:
0xc: {  	s11 =	simm.s32 @!p0 $0x27;
	s10 =	smin.u32 s8, $0x2;
	(pc) =	sbr.rel .LBB2_1-.Ltmp0, $4  }
0xd: {  	s8 =	sadd.s32 $0x2200, s0;
	s26 =	sshrl.u32 s3, $0x1;
	s9 =	sadd.s32 s10, s9  }
0xe: {  	s14 =	sadd.s32 $0xFFFFFFFF, s11;
	s15 =	sadd.s32 $0xFFFFFFFE, s11;
	s13 =	smul.u32 $0x32, s9  }
0xf: {  	s10 =	sadd.s32 $0x2000, s0;
	s0 =	ssub.s32 s3, s26;
	s26 =	simm.s32 $0x1  }
0x10: {  	vm0 =	vmmov $0xff;
	s16 =	smax.u32 s0, $0x1;
	s12 =	sadd.s32 s1, s13;
	s13 =	sadd.s32 s2, s13  }
.LBB2_11:
0x11: {  	s31 =	sadd.s32 $0x1, s31  }
0x12: {  	p0 =	sne.s32 s31, s16  }
.Ltmp1:
0x13: {  	_ = 	snop;
	(pc) =	sbr.rel @!p0 .LBB2_12-.Ltmp1, $1  }
0x14: {  	_ =	sdelay $0x3  }
.LBB2_1:
0x15: {  	s0 =	simm.s32 $0x1A2C0  }
0x16: {  	[tilespmem:s0], [sflag:$0x3] =	stream.linear.gather [hbm4b:s8+s5], $0x600, $0x38;
	[tilespmem:$0x1AA40] =	vst v63  }
0x17: {  	_ =	swait.ge [sflag:s18], $0x600  }
0x18: {  	[sflag:s18] =	ssyncset.done $0x0  }
0x19: {  	s19 =	simm.s32 $0x1A8C0;
	[sflag:s18] =	ssyncadd.s32 $0xFFFFFA00  }
0x1a: {  	[tilespmem:s19], [sflag:$0x3] =	stream.linear.gather [hbm4b:s10+s5], $0x180, $0x38;
	[tilespmem:$0x1AA40] =	vst v63  }
0x1b: {  	_ =	swait.ge [sflag:s18], $0x180  }
0x1c: {  	[sflag:s18] =	ssyncset.done $0x0  }
0x1d: {  	[sflag:s18] =	ssyncadd.s32 $0xFFFFFE80  }
0x1e: {  	[tilespmem:s5], [sflag:$0x3] =	stream.linear.gather [hbm4b:s12+s5], $0x190, $0x38;
	[tilespmem:$0x1AA40] =	vst v63  }
0x1f: {  	_ =	swait.ge [sflag:s18], $0x190  }
0x20: {  	[sflag:s18] =	ssyncset.done $0x0  }
0x21: {  	[sflag:s18] =	ssyncadd.s32 $0xFFFFFE70  }
0x22: {  	[tilespmem:s20], [sflag:$0x3] =	stream.linear.gather [hbm4b:s13+s5], $0x190, $0x38;
	[tilespmem:$0x1AA40] =	vst v63  }
0x23: {  	_ =	swait.ge [sflag:s18], $0x190  }
0x24: {  	[sflag:s18] =	ssyncset.done $0x0  }
0x25: {  	s22 =	simm.s32 $0x640;
	[sflag:s18] =	ssyncadd.s32 $0xFFFFFE70  }
0x26: {  	[tilespmem:s22], [sflag:$0x1] =	stream.indirect.gather [hbm4b:s6+s21], $0x40, s5, s21, $0xb8;
	[tilespmem:$0x1AA40] =	vst v63  }
0x27: {  	s23 =	simm.s32 $0xCE40  }
0x28: {  	[tilespmem:s23], [sflag:$0x1] =	stream.indirect.gather [hbm4b:s7+s21], $0x40, s20, s21, $0xb8;
	[tilespmem:$0x1AA40] =	vst v63  }
0x29: {  	s24 =	simm.s32 $0x1A40  }
0x2a: {  	[tilespmem:s24], [sflag:$0x1] =	stream.indirect.gather [hbm4b:s6+s21], $0x40, s21, s21, $0xb8;
	[tilespmem:$0x1AA40] =	vst v63  }
0x2b: {  	s25 =	simm.s32 $0x370;
	s3 =	simm.s32 $0xE240  }
0x2c: {  	[tilespmem:s3], [sflag:$0x1] =	stream.indirect.gather [hbm4b:s7+s21], $0x40, s25, s21, $0xb8;
	[tilespmem:$0x1AA40] =	vst v63  }
0x2d: {  	s17 =	simm.s32 $0xA0;
	s19 =	simm.s32 $0x2E40  }
0x2e: {  	[tilespmem:s19], [sflag:$0x1] =	stream.indirect.gather [hbm4b:s6+s21], $0x40, s17, s21, $0xb8;
	[tilespmem:$0x1AA40] =	vst v63  }
0x2f: {  	s22 =	simm.s32 $0x3C0;
	s23 =	simm.s32 $0xF640  }
0x30: {  	[tilespmem:s23], [sflag:$0x1] =	stream.indirect.gather [hbm4b:s7+s21], $0x40, s22, s21, $0xb8;
	[tilespmem:$0x1AA40] =	vst v63  }
0x31: {  	s24 =	simm.s32 $0xF0;
	s25 =	simm.s32 $0x4240  }
0x32: {  	[tilespmem:s25], [sflag:$0x1] =	stream.indirect.gather [hbm4b:s6+s21], $0x40, s24, s21, $0xb8;
	[tilespmem:$0x1AA40] =	vst v63  }
0x33: {  	s17 =	simm.s32 $0x410;
	s19 =	simm.s32 $0x10A40  }
0x34: {  	[tilespmem:s19], [sflag:$0x1] =	stream.indirect.gather [hbm4b:s7+s21], $0x40, s17, s21, $0xb8;
	[tilespmem:$0x1AA40] =	vst v63  }
.Ltmp2:
0x35: {  	_ = 	snop;
	(pc) =	sbr.rel .LBB2_2-.Ltmp2, $4  }
0x36: {  	s22 =	simm.s32 $0x140;
	s23 =	simm.s32 $0x5640  }
0x37: {  	[tilespmem:s23], [sflag:$0x1] =	stream.indirect.gather [hbm4b:s6+s21], $0x40, s22, s21, $0xb8;
	[tilespmem:$0x1AA40] =	vst v63  }
0x38: {  	s0 =	simm.s32 $0x0;
	s24 =	simm.s32 $0x460;
	s25 =	simm.s32 $0x11E40  }
0x39: {  	[tilespmem:s25], [sflag:$0x1] =	stream.indirect.gather [hbm4b:s7+s21], $0x40, s24, s21, $0xb8;
	[tilespmem:$0x1AA40] =	vst v63  }
.LBB2_10:
0x3a: {  	s0 =	sadd.s32 $0x1, s0  }
0x3b: {  	p0 =	sne.s32 s0, $0x14  }
.Ltmp3:
0x3c: {  	_ = 	snop;
	(pc) =	sbr.rel @!p0 .LBB2_11-.Ltmp3, $1  }
0x3d: {  	_ =	sdelay $0x3  }
.LBB2_2:
0x3e: {  	s17 =	sshll.u32 s0, $0x1  }
0x3f: {  	p0 =	sge.u32 s17, s11  }
.Ltmp4:
0x40: {  	_ = 	snop;
	(pc) =	sbr.rel @p0 .LBB2_6-.Ltmp4, $2  }
0x41: {  	_ =	sdelay $0x2  }
0x42: {  	s3 =	sadd.s32 s9, s17  }
0x43: {  	_ =	swait.ge [sflag:s26], $0x1400  }
0x44: {  	[sflag:s26] =	ssyncset.done $0x0  }
0x45: {  	[sflag:s26] =	ssyncadd.s32 $0xFFFFEC00  }
0x46: {  	_ =	swait.ge [sflag:s26], $0x1400  }
0x47: {  	[sflag:s26] =	ssyncset.done $0x0  }
0x48: {  	[sflag:s26] =	ssyncadd.s32 $0xFFFFEC00  }
0x49: {  	_ =	swait.ge [sflag:s26], $0x1400  }
0x4a: {  	[sflag:s26] =	ssyncset.done $0x0  }
0x4b: {  	[sflag:s26] =	ssyncadd.s32 $0xFFFFEC00  }
0x4c: {  	_ =	swait.ge [sflag:s26], $0x1400  }
0x4d: {  	[sflag:s26] =	ssyncset.done $0x0  }
0x4e: {  	[sflag:s26] =	ssyncadd.s32 $0xFFFFEC00  }
0x4f: {  	_ =	swait.ge [sflag:s26], $0x1400  }
0x50: {  	[sflag:s26] =	ssyncset.done $0x0  }
0x51: {  	[sflag:s26] =	ssyncadd.s32 $0xFFFFEC00  }
0x52: {  	_ =	swait.ge [sflag:s26], $0x1400  }
0x53: {  	[sflag:s26] =	ssyncset.done $0x0  }
0x54: {  	[sflag:s26] =	ssyncadd.s32 $0xFFFFEC00  }
0x55: {  	_ =	swait.ge [sflag:s26], $0x1400  }
0x56: {  	[sflag:s26] =	ssyncset.done $0x0  }
0x57: {  	[sflag:s26] =	ssyncadd.s32 $0xFFFFEC00  }
0x58: {  	_ =	swait.ge [sflag:s26], $0x1400  }
0x59: {  	[sflag:s26] =	ssyncset.done $0x0  }
0x5a: {  	[sflag:s26] =	ssyncadd.s32 $0xFFFFEC00  }
0x5b: {  	p0 =	sge.u32 s17, s14;
	_ =	swait.ge [sflag:s26], $0x1400  }
0x5c: {  	s19 =	smul.u32 @!p0 $0x190, s3;
	[sflag:s26] =	ssyncset.done $0x0  }
0x5d: {  	[sflag:s26] =	ssyncadd.s32 $0xFFFFEC00  }
0x5e: {  	s19 =	sshrl.u32 @!p0 s19, $0x3;
	_ =	swait.ge [sflag:s26], $0x1400  }
0x5f: {  	s23 =	simm.s32 @!p0 $0x0;
	s19 =	sadd.s32 @!p0 $0x32, s19;
	[sflag:s26] =	ssyncset.done $0x0  }
0x60: {  	s24 =	simm.s32 @!p0 $0x190;
	s22 =	sadd.s32 @!p0 s1, s19;
	[sflag:s26] =	ssyncadd.s32 $0xFFFFEC00  }
0x61: {  	[tilespmem:s24], [sflag:$0x4] =	stream.linear.gather @!p0 [hbm4b:s22+s23], $0x190, $0x38;
	[tilespmem:$0x1AA40] =	vst v63  }
0x62: {  	s22 =	simm.s32 @!p0 $0x4  }
0x63: {  	_ =	swait.ge @!p0 [sflag:s22], $0x190  }
0x64: {  	[sflag:s22] =	ssyncset.done @!p0 $0x0  }
0x65: {  	s25 =	simm.s32 @!p0 $0x4B0;
	s19 =	sadd.s32 @!p0 s2, s19;
	[sflag:s22] =	ssyncadd.s32 @!p0 $0xFFFFFE70  }
0x66: {  	[tilespmem:s25], [sflag:$0x4] =	stream.linear.gather @!p0 [hbm4b:s19+s23], $0x190, $0x38;
	[tilespmem:$0x1AA40] =	vst v63  }
0x67: {  	_ =	swait.ge @!p0 [sflag:s22], $0x190  }
0x68: {  	[sflag:s22] =	ssyncset.done @!p0 $0x0  }
0x69: {  	s19 =	simm.s32 @!p0 $0x50;
	[sflag:s22] =	ssyncadd.s32 @!p0 $0xFFFFFE70;
	s22 =	simm.s32 @!p0 $0x6A40  }
0x6a: {  	[tilespmem:s22], [sflag:$0x2] =	stream.indirect.gather @!p0 [hbm4b:s6+s19], $0x40, s24, s19, $0xb8;
	[tilespmem:$0x1AA40] =	vst v63  }
0x6b: {  	s22 =	simm.s32 @!p0 $0x13240  }
0x6c: {  	[tilespmem:s22], [sflag:$0x2] =	stream.indirect.gather @!p0 [hbm4b:s7+s19], $0x40, s25, s19, $0xb8;
	[tilespmem:$0x1AA40] =	vst v63  }
0x6d: {  	s23 =	simm.s32 @!p0 $0x7E40;
	s22 =	simm.s32 @!p0 $0x1E0  }
0x6e: {  	[tilespmem:s23], [sflag:$0x2] =	stream.indirect.gather @!p0 [hbm4b:s6+s19], $0x40, s22, s19, $0xb8;
	[tilespmem:$0x1AA40] =	vst v63  }
0x6f: {  	s22 =	simm.s32 @!p0 $0x500;
	s23 =	simm.s32 @!p0 $0x14640  }
0x70: {  	[tilespmem:s23], [sflag:$0x2] =	stream.indirect.gather @!p0 [hbm4b:s7+s19], $0x40, s22, s19, $0xb8;
	[tilespmem:$0x1AA40] =	vst v63  }
0x71: {  	s22 =	simm.s32 @!p0 $0x230;
	s23 =	simm.s32 @!p0 $0x9240  }
0x72: {  	[tilespmem:s23], [sflag:$0x2] =	stream.indirect.gather @!p0 [hbm4b:s6+s19], $0x40, s22, s19, $0xb8;
	[tilespmem:$0x1AA40] =	vst v63  }
0x73: {  	s22 =	simm.s32 @!p0 $0x550;
	s23 =	simm.s32 @!p0 $0x15A40  }
0x74: {  	[tilespmem:s23], [sflag:$0x2] =	stream.indirect.gather @!p0 [hbm4b:s7+s19], $0x40, s22, s19, $0xb8;
	[tilespmem:$0x1AA40] =	vst v63  }
0x75: {  	s22 =	simm.s32 @!p0 $0x280;
	s23 =	simm.s32 @!p0 $0xA640  }
0x76: {  	[tilespmem:s23], [sflag:$0x2] =	stream.indirect.gather @!p0 [hbm4b:s6+s19], $0x40, s22, s19, $0xb8;
	[tilespmem:$0x1AA40] =	vst v63  }
0x77: {  	s22 =	simm.s32 @!p0 $0x5A0;
	s23 =	simm.s32 @!p0 $0x16E40  }
0x78: {  	[tilespmem:s23], [sflag:$0x2] =	stream.indirect.gather @!p0 [hbm4b:s7+s19], $0x40, s22, s19, $0xb8;
	[tilespmem:$0x1AA40] =	vst v63  }
0x79: {  	s22 =	simm.s32 @!p0 $0x2D0;
	s23 =	simm.s32 @!p0 $0xBA40  }
0x7a: {  	[tilespmem:s23], [sflag:$0x2] =	stream.indirect.gather @!p0 [hbm4b:s6+s19], $0x40, s22, s19, $0xb8;
	[tilespmem:$0x1AA40] =	vst v63  }
0x7b: {  	s22 =	simm.s32 @!p0 $0x5F0;
	s23 =	simm.s32 @!p0 $0x18240  }
0x7c: {  	[tilespmem:s23], [sflag:$0x2] =	stream.indirect.gather @!p0 [hbm4b:s7+s19], $0x40, s22, s19, $0xb8;
	[tilespmem:$0x1AA40] =	vst v63  }
0x7d: {  	v6 =	vld [tilespmem:$0x1A2C0]  }
0x7e: {  	v7 =	vld [tilespmem:$0x1A340]  }
0x7f: {  	v4 =	vld [tilespmem:$0x1A3C0]  }
0x80: {  	v10 =	vld [tilespmem:$0x1A4C0]  }
0x81: {  	v9 =	vld [tilespmem:$0x1A540]  }
0x82: {  	v8 =	vld [tilespmem:$0x1A5C0]  }
0x83: {  	v1 =	vld [tilespmem:$0x1A6C0]  }
0x84: {  	s25 =	simm.s32 $0x70;
	v2 =	vld [tilespmem:$0x1A740]  }
0x85: {  	v11 =	vld [tilespmem:s25+$0xCDF0]  }
0x86: {  	v12 =	vld [tilespmem:s25+$0xCDD0]  }
0x87: {  	v13 =	vld [tilespmem:s25+$0x5D0]  }
0x88: {  	v14 =	vld [tilespmem:s25+$0xCDE0]  }
0x89: {  	v15 =	vld [tilespmem:s25+$0x5E0]  }
0x8a: {  	v16 =	vld [tilespmem:s25+$0x5F0]  }
0x8b: {  	v17 =	vld [tilespmem:s25+$0xCE00]  }
0x8c: {  	v18 =	vld [tilespmem:s25+$0x600]  }
0x8d: {  	v21 =	vld [tilespmem:s25+$0xCE20]  }
0x8e: {  	v22 =	vld [tilespmem:s25+$0x620]  }
0x8f: {  	v0 =	vld [tilespmem:$0x1A7C0]  }
0x90: {  	v5 =	vld [tilespmem:$0x1A640];
	v12 =	vmul.f32 v12, v13;
	v13 =	vmul.f32 v14, v15  }
0x91: {  	v3 =	vld [tilespmem:$0x1A840];
	v15 =	vmul.f32 v11, v16  }
0x92: {  	v20 =	vld [tilespmem:s25+$0x610];
	v11 =	vmul.f32 v12, v1;
	v19 =	vmul.f32 v13, v2  }
0x93: {  	v25 =	vld [tilespmem:s25+$0x630];
	v17 =	vmul.f32 v17, v18;
	v21 =	vmul.f32 v21, v22  }
0x94: {  	v16 =	vld [tilespmem:s25+$0xCE10];
	v23 =	vmul.f32 v12, v10;
	v18 =	vadd.f32 v19, v11;
	v19 =	vmul.f32 v15, v0  }
0x95: {  	v14 =	vld [tilespmem:s25+$0xCE30];
	v24 =	vmul.f32 v13, v9;
	v26 =	vmul.f32 v15, v8  }
0x96: {  	v27 =	vld [tilespmem:s25+$0xCE40];
	v12 =	vmul.f32 v12, v6;
	v18 =	vadd.f32 v19, v18;
	v19 =	vmul.f32 v17, v3  }
0x97: {  	v13 =	vmul.f32 v13, v7;
	v22 =	vmul.f32 v21, v9;
	v11 =	vld [tilespmem:$0x1A440]  }
0x98: {  	v23 =	vadd.f32 v24, v23;
	v24 =	vmul.f32 v17, v5;
	v18 =	vadd.f32 v19, v18;
	v19 =	vld [tilespmem:s25+$0x640]  }
0x99: {  	v15 =	vmul.f32 v15, v4;
	v12 =	vadd.f32 v13, v12;
	v16 =	vmul.f32 v16, v20  }
0x9a: {  	v13 =	vmul.f32 v14, v25;
	v20 =	vadd.f32 v26, v23;
	v23 =	vmul.f32 v21, v7  }
0x9b: {  	v12 =	vadd.f32 v15, v12;
	v14 =	vmul.f32 v16, v10;
	v15 =	vmul.f32 v16, v6  }
0x9c: {  	v16 =	vmul.f32 v16, v1;
	v17 =	vmul.f32 v17, v11  }
0x9d: {  	v14 =	vadd.f32 v22, v14;
	v22 =	vmul.f32 v13, v8;
	v19 =	vmul.f32 v27, v19  }
0x9e: {  	v15 =	vadd.f32 v23, v15;
	v12 =	vadd.f32 v17, v12;
	v17 =	vmul.f32 v13, v4  }
0x9f: {  	v20 =	vadd.f32 v24, v20;
	v14 =	vadd.f32 v22, v14;
	v22 =	vmul.f32 v19, v5  }
0xa0: {  	(xrf2) =	vadd.scan.msk.f32 $0xffff, v18;
	v15 =	vadd.f32 v17, v15;
	v17 =	vmul.f32 v21, v2;
	v23 =	vmul.f32 v19, v11  }
0xa1: {  	(xrf2) =	vadd.scan.msk.f32 $0xffff, v20;
	v14 =	vadd.f32 v22, v14  }
0xa2: {  	v13 =	vmul.f32 v13, v0;
	(xrf2) =	vadd.scan.msk.f32 $0xffff, v12;
	v12 =	vadd.f32 v23, v15;
	v15 =	vadd.f32 v17, v16  }
0xa3: {  	(xrf2) =	vadd.scan.msk.f32 $0xffff, v14  }
0xa4: {  	v13 =	vadd.f32 v13, v15;
	v14 =	vmul.f32 v19, v3;
	(xrf2) =	vadd.scan.msk.f32 $0xffff, v12;
	_ =	sdelay $0x1  }
0xa5: {  	v12 =	vadd.f32 v14, v13;
	_ =	sdelay $0x1  }
0xa6: {  	(xrf2) =	vadd.scan.msk.f32 $0xffff, v12;
	_ =	sdelay $0x1  }
0xa7: {  	v15, _, _ =	vpop (xrf2)  }
0xa8: {  	v16, _, _ =	vpop (xrf2)  }
0xa9: {  	v13, _, _ =	vpop (xrf2)  }
0xaa: {  	v14 =	vld [tilespmem:$0x1A8C0];
	v17, _, _ =	vpop (xrf2)  }
0xab: {  	v19 =	vbroadcast v13, $0xF;
	v18, _, _ =	vpop (xrf2)  }
0xac: {  	v12 =	vld [tilespmem:$0x1A940];
	v18 =	vbroadcast v18, $0xF;
	_ =	sdelay $0x1  }
0xad: {  	v16 =	vbroadcast v16, $0xF;
	v13 =	vld [tilespmem:$0x1A9C0];
	v17 =	vbroadcast v17, $0xF;
	v18 =	vsel vm0, v19, v18  }
0xae: {  	v19, _, _ =	vpop (xrf2);
	v18 =	vmul.f32 v18, v14  }
0xaf: {  	v15 =	vbroadcast v15, $0xF;
	v16 =	vsel vm0, v16, v17;
	v17 =	vbroadcast v19, $0xF  }
0xb0: {  	v16 =	vmul.f32 v16, v12;
	v18 =	vadd.f32 $0.0e+00, v18  }
0xb1: {  	v15 =	vsel vm0, v15, v17  }
0xb2: {  	v15 =	vmul.f32 v15, v13;
	v16 =	vadd.f32 v18, v16;
	_ =	sdelay $0x1  }
0xb3: {  	v15 =	vadd.f32 v16, v15  }
0xb4: {  	s19 =	simm.s32 $0x19640  }
0xb5: {  	s23 =	simm.s32 $0xF0;
	[tilespmem:s19+$0x0] =	vst v15  }
0xb6: {  	v16 =	vld [tilespmem:s23+$0xCDF0]  }
0xb7: {  	v15 =	vld [tilespmem:s23+$0xCDD0]  }
0xb8: {  	v17 =	vld [tilespmem:s23+$0x5D0]  }
0xb9: {  	v18 =	vld [tilespmem:s23+$0xCDE0]  }
0xba: {  	v20 =	vld [tilespmem:s23+$0x5E0]  }
0xbb: {  	v21 =	vld [tilespmem:s23+$0x5F0];
	_ =	sdelay $0x1  }
0xbc: {  	v23 =	vld [tilespmem:s23+$0xCE00]  }
0xbd: {  	v24 =	vld [tilespmem:s23+$0x600]  }
0xbe: {  	v22 =	vld [tilespmem:s23+$0xCE20];
	v19 =	vmul.f32 v15, v17;
	v20 =	vmul.f32 v18, v20  }
0xbf: {  	v15 =	vld [tilespmem:s23+$0xCE30];
	v16 =	vmul.f32 v16, v21  }
0xc0: {  	v18 =	vld [tilespmem:s23+$0xCE10];
	v25 =	vmul.f32 v19, v1;
	v26 =	vmul.f32 v20, v2  }
0xc1: {  	v21 =	vld [tilespmem:s23+$0x610]  }
0xc2: {  	v17 =	vmul.f32 v23, v24;
	v23 =	vld [tilespmem:s23+$0x620];
	v25 =	vadd.f32 v26, v25;
	v26 =	vmul.f32 v16, v0  }
0xc3: {  	v24 =	vld [tilespmem:s23+$0x630];
	v27 =	vmul.f32 v19, v10;
	v28 =	vmul.f32 v20, v9  }
0xc4: {  	s22 =	simm.s32 $0x5C0;
	v25 =	vadd.f32 v26, v25;
	v26 =	vmul.f32 v17, v3  }
.LBB2_4:
0xc5: {  	p0 =	sne.s32 s22, $0x18FC0;
	v27 =	vadd.f32 v28, v27;
	v28 =	vmul.f32 v16, v8;
	v29 =	vmul.f32 v17, v5;
	v30 =	vld [tilespmem:s23+$0xCE40]  }
0xc6: {  	v19 =	vmul.f32 v19, v6;
	v20 =	vmul.f32 v20, v7;
	v25 =	vadd.f32 v26, v25;
	v26 =	vld [tilespmem:s23+$0x640]  }
0xc7: {  	v18 =	vmul.f32 v18, v21;
	v27 =	vadd.f32 v28, v27;
	v21 =	vmul.f32 v22, v23  }
0xc8: {  	v16 =	vmul.f32 v16, v4;
	v19 =	vadd.f32 v20, v19;
	v15 =	vmul.f32 v15, v24;
	(xrf2) =	vadd.scan.msk.f32 $0xffff, v25  }
0xc9: {  	v22 =	vmul.f32 v18, v10;
	v20 =	vadd.f32 v29, v27;
	v23 =	vmul.f32 v21, v9  }
0xca: {  	v17 =	vmul.f32 v17, v11;
	v16 =	vadd.f32 v16, v19  }
0xcb: {  	v19 =	vmul.f32 v30, v26;
	v22 =	vadd.f32 v23, v22;
	v23 =	vmul.f32 v15, v8;
	(xrf2) =	vadd.scan.msk.f32 $0xffff, v20  }
0xcc: {  	v16 =	vadd.f32 v17, v16;
	v17 =	vmul.f32 v18, v6;
	v20 =	vmul.f32 v21, v7  }
0xcd: {  	v22 =	vadd.f32 v23, v22;
	v23 =	vmul.f32 v19, v5  }
0xce: {  	v17 =	vadd.f32 v20, v17;
	v20 =	vmul.f32 v15, v4;
	(xrf2) =	vadd.scan.msk.f32 $0xffff, v16  }
0xcf: {  	v16 =	vmul.f32 v19, v11;
	v22 =	vadd.f32 v23, v22  }
0xd0: {  	v17 =	vadd.f32 v20, v17;
	v23 =	vmul.f32 v18, v1;
	v20 =	vmul.f32 v21, v2  }
0xd1: {  	(xrf2) =	vadd.scan.msk.f32 $0xffff, v22  }
0xd2: {  	v15 =	vmul.f32 v15, v0;
	v21 =	vadd.f32 v16, v17;
	v17 =	vadd.f32 v20, v23;
	v18, _, _ =	vpop (xrf2);
	_ =	sdelay $0x1  }
0xd3: {  	v15 =	vadd.f32 v15, v17;
	v17 =	vmul.f32 v19, v3;
	(xrf2) =	vadd.scan.msk.f32 $0xffff, v21  }
0xd4: {  	v16, _, _ =	vpop (xrf2)  }
0xd5: {  	v15 =	vadd.f32 v17, v15;
	_ =	sdelay $0x1  }
0xd6: {  	v17, _, _ =	vpop (xrf2);
	(xrf2) =	vadd.scan.msk.f32 $0xffff, v15;
	_ =	sdelay $0x2  }
0xd7: {  	v15, _, _ =	vpop (xrf2);
	_ =	sdelay $0x2  }
0xd8: {  	v19, _, _ =	vpop (xrf2)  }
0xd9: {  	v17 =	vbroadcast v17, $0xF;
	v20 =	vbroadcast v19, $0xF;
	_ =	sdelay $0x1  }
0xda: {  	v16 =	vbroadcast v16, $0xF;
	v15 =	vbroadcast v15, $0xF;
	v17 =	vsel vm0, v17, v20  }
0xdb: {  	v17 =	vmul.f32 v17, v14;
	v19, _, _ =	vpop (xrf2)  }
0xdc: {  	v15 =	vsel vm0, v16, v15;
	v16 =	vbroadcast v18, $0xF;
	v18 =	vbroadcast v19, $0xF  }
0xdd: {  	v15 =	vmul.f32 v15, v12;
	v17 =	vadd.f32 $0.0e+00, v17  }
0xde: {  	v16 =	vsel vm0, v16, v18  }
0xdf: {  	v15 =	vadd.f32 v17, v15;
	v16 =	vmul.f32 v16, v13;
	_ =	sdelay $0x1  }
0xe0: {  	v15 =	vadd.f32 v15, v16  }
0xe1: {  	s19 =	sadd.s32 $0x10, s19  }
0xe2: {  	s23 =	sshra.s32 s22, $0x2;
	[tilespmem:s19+$0x0] =	vst v15  }
0xe3: {  	v16 =	vld [tilespmem:s23+$0xCDF0]  }
0xe4: {  	v15 =	vld [tilespmem:s23+$0xCDD0]  }
0xe5: {  	v17 =	vld [tilespmem:s23+$0x5D0]  }
0xe6: {  	v18 =	vld [tilespmem:s23+$0xCDE0]  }
0xe7: {  	v20 =	vld [tilespmem:s23+$0x5E0]  }
0xe8: {  	v21 =	vld [tilespmem:s23+$0x5F0];
	_ =	sdelay $0x1  }
0xe9: {  	v23 =	vld [tilespmem:s23+$0xCE00]  }
0xea: {  	v24 =	vld [tilespmem:s23+$0x600]  }
0xeb: {  	v19 =	vmul.f32 v15, v17;
	v20 =	vmul.f32 v18, v20;
	v15 =	vld [tilespmem:s23+$0xCE30]  }
0xec: {  	v16 =	vmul.f32 v16, v21;
	v18 =	vld [tilespmem:s23+$0xCE10]  }
.Ltmp5:
0xed: {  	v25 =	vmul.f32 v19, v1;
	v26 =	vmul.f32 v20, v2;
	v21 =	vld [tilespmem:s23+$0x610];
	(pc) =	sbr.rel @p0 .LBB2_4-.Ltmp5, $4  }
0xee: {  	v22 =	vld [tilespmem:s23+$0xCE20]  }
0xef: {  	v17 =	vmul.f32 v23, v24;
	v25 =	vadd.f32 v26, v25;
	v26 =	vmul.f32 v16, v0;
	v23 =	vld [tilespmem:s23+$0x620]  }
0xf0: {  	v27 =	vmul.f32 v19, v10;
	v28 =	vmul.f32 v20, v9;
	v24 =	vld [tilespmem:s23+$0x630]  }
0xf1: {  	s22 =	sadd.s32 $0x200, s22;
	v25 =	vadd.f32 v26, v25;
	v26 =	vmul.f32 v17, v3  }
0xf2: {  	v29 =	vmul.f32 v16, v8;
	v42 =	vmul.f32 v17, v5  }
0xf3: {  	v30 =	vld [tilespmem:s23+$0xCE40];
	v19 =	vmul.f32 v19, v6;
	v20 =	vmul.f32 v20, v7  }
0xf4: {  	v27 =	vadd.f32 v28, v27;
	v43 =	vld [tilespmem:s23+$0x640];
	v18 =	vmul.f32 v18, v21;
	v45 =	vmul.f32 v16, v4  }
0xf5: {  	v47 =	vmul.f32 v17, v11;
	v25 =	vadd.f32 v26, v25;
	v22 =	vmul.f32 v22, v23  }
0xf6: {  	v44 =	vadd.f32 v29, v27;
	v10 =	vmul.f32 v18, v10;
	v48 =	vmul.f32 v18, v6  }
0xf7: {  	v19 =	vadd.f32 v20, v19;
	v15 =	vmul.f32 v15, v24;
	v9 =	vmul.f32 v22, v9  }
0xf8: {  	v1 =	vmul.f32 v18, v1;
	v46 =	vadd.f32 v42, v44;
	v49 =	vmul.f32 v22, v7  }
0xf9: {  	v50 =	vmul.f32 v30, v43;
	v51 =	vmul.f32 v15, v8;
	v9 =	vadd.f32 v9, v10  }
0xfa: {  	v16 =	vadd.f32 v45, v19;
	v53 =	vmul.f32 v15, v4;
	v6 =	vadd.f32 v49, v48  }
0xfb: {  	v2 =	vmul.f32 v22, v2;
	v55 =	vmul.f32 v50, v5;
	v54 =	vadd.f32 v51, v9  }
0xfc: {  	(xrf2) =	vadd.scan.msk.f32 $0xffff, v25;
	v52 =	vadd.f32 v47, v16;
	v56 =	vmul.f32 v50, v11;
	v4 =	vadd.f32 v53, v6  }
0xfd: {  	(xrf2) =	vadd.scan.msk.f32 $0xffff, v46;
	v5 =	vadd.f32 v55, v54  }
0xfe: {  	v0 =	vmul.f32 v15, v0;
	v1 =	vadd.f32 v2, v1;
	(xrf2) =	vadd.scan.msk.f32 $0xffff, v52;
	v4 =	vadd.f32 v56, v4  }
0xff: {  	(xrf2) =	vadd.scan.msk.f32 $0xffff, v5  }
0x100: {  	v57 =	vmul.f32 v50, v3;
	v0 =	vadd.f32 v0, v1;
	(xrf2) =	vadd.scan.msk.f32 $0xffff, v4;
	_ =	sdelay $0x1  }
0x101: {  	v0 =	vadd.f32 v57, v0;
	_ =	sdelay $0x1  }
0x102: {  	(xrf2) =	vadd.scan.msk.f32 $0xffff, v0;
	_ =	sdelay $0x1  }
0x103: {  	v58, _, _ =	vpop (xrf2)  }
0x104: {  	v59, _, _ =	vpop (xrf2)  }
0x105: {  	v60, _, _ =	vpop (xrf2)  }
0x106: {  	v61, _, _ =	vpop (xrf2)  }
0x107: {  	v4, _, _ =	vpop (xrf2)  }
0x108: {  	v2 =	vbroadcast v60, $0xF;
	v4 =	vbroadcast v4, $0xF;
	_ =	sdelay $0x1  }
0x109: {  	v1 =	vbroadcast v59, $0xF;
	v3 =	vbroadcast v61, $0xF;
	v2 =	vsel vm0, v2, v4  }
0x10a: {  	v62, _, _ =	vpop (xrf2);
	v2 =	vmul.f32 v2, v14  }
0x10b: {  	v0 =	vbroadcast v58, $0xF;
	v1 =	vsel vm0, v1, v3;
	v63 =	vbroadcast v62, $0xF  }
0x10c: {  	v1 =	vmul.f32 v1, v12;
	v2 =	vadd.f32 $0.0e+00, v2  }
0x10d: {  	v0 =	vsel vm0, v0, v63  }
0x10e: {  	v0 =	vmul.f32 v0, v13;
	v1 =	vadd.f32 v2, v1;
	_ =	sdelay $0x1  }
0x10f: {  	s22 =	smul.u32 $0x190, s3;
	v0 =	vadd.f32 v1, v0  }
0x110: {  	s19 =	sadd.s32 $0x10, s19  }
0x111: {  	s25 =	sadd.s32 s4, s22;
	[tilespmem:s19+$0x0] =	vst v0  }
0x112: {  	[hbm4b:s25+s5] =	stream.linear.scatter [tilespmem:s28], [sflag:$0x4], $0xC80, $0x38;
	[tilespmem:$0x1AA40] =	vst v63  }
0x113: {  	_ =	swait.ge [sflag:s29], $0xC80  }
0x114: {  	[sflag:s29] =	ssyncset.done $0x0  }
0x115: {  	[sflag:s29] =	ssyncadd.s32 $0xFFFFF380  }
.LBB2_6:
0x116: {  	p0 =	sge.u32 s17, s14  }
.Ltmp6:
0x117: {  	_ = 	snop;
	(pc) =	sbr.rel @p0 .LBB2_10-.Ltmp6, $1  }
0x118: {  	_ =	sdelay $0x3  }
0x119: {  	_ =	swait.ge [sflag:s30], $0x1400  }
0x11a: {  	[sflag:s30] =	ssyncset.done $0x0  }
0x11b: {  	[sflag:s30] =	ssyncadd.s32 $0xFFFFEC00  }
0x11c: {  	_ =	swait.ge [sflag:s30], $0x1400  }
0x11d: {  	[sflag:s30] =	ssyncset.done $0x0  }
0x11e: {  	[sflag:s30] =	ssyncadd.s32 $0xFFFFEC00  }
0x11f: {  	_ =	swait.ge [sflag:s30], $0x1400  }
0x120: {  	[sflag:s30] =	ssyncset.done $0x0  }
0x121: {  	[sflag:s30] =	ssyncadd.s32 $0xFFFFEC00  }
0x122: {  	_ =	swait.ge [sflag:s30], $0x1400  }
0x123: {  	[sflag:s30] =	ssyncset.done $0x0  }
0x124: {  	[sflag:s30] =	ssyncadd.s32 $0xFFFFEC00  }
0x125: {  	_ =	swait.ge [sflag:s30], $0x1400  }
0x126: {  	[sflag:s30] =	ssyncset.done $0x0  }
0x127: {  	[sflag:s30] =	ssyncadd.s32 $0xFFFFEC00  }
0x128: {  	_ =	swait.ge [sflag:s30], $0x1400  }
0x129: {  	[sflag:s30] =	ssyncset.done $0x0  }
0x12a: {  	[sflag:s30] =	ssyncadd.s32 $0xFFFFEC00  }
0x12b: {  	_ =	swait.ge [sflag:s30], $0x1400  }
0x12c: {  	[sflag:s30] =	ssyncset.done $0x0  }
0x12d: {  	[sflag:s30] =	ssyncadd.s32 $0xFFFFEC00  }
0x12e: {  	_ =	swait.ge [sflag:s30], $0x1400  }
0x12f: {  	[sflag:s30] =	ssyncset.done $0x0  }
0x130: {  	[sflag:s30] =	ssyncadd.s32 $0xFFFFEC00  }
0x131: {  	p0 =	sge.u32 s17, s15;
	_ =	swait.ge [sflag:s30], $0x1400  }
0x132: {  	s17 =	smul.u32 @!p0 $0x190, s3;
	[sflag:s30] =	ssyncset.done $0x0  }
0x133: {  	[sflag:s30] =	ssyncadd.s32 $0xFFFFEC00  }
0x134: {  	s17 =	sshrl.u32 @!p0 s17, $0x3;
	_ =	swait.ge [sflag:s30], $0x1400  }
0x135: {  	s17 =	sadd.s32 @!p0 $0x64, s17;
	[sflag:s30] =	ssyncset.done $0x0  }
0x136: {  	s22 =	simm.s32 @!p0 $0x0;
	s19 =	sadd.s32 @!p0 s1, s17;
	[sflag:s30] =	ssyncadd.s32 $0xFFFFEC00  }
0x137: {  	[tilespmem:s22], [sflag:$0x4] =	stream.linear.gather @!p0 [hbm4b:s19+s22], $0x190, $0x38;
	[tilespmem:$0x1AA40] =	vst v63  }
0x138: {  	s19 =	simm.s32 @!p0 $0x4  }
0x139: {  	_ =	swait.ge @!p0 [sflag:s19], $0x190  }
0x13a: {  	[sflag:s19] =	ssyncset.done @!p0 $0x0  }
0x13b: {  	s23 =	simm.s32 @!p0 $0x320;
	s17 =	sadd.s32 @!p0 s2, s17;
	[sflag:s19] =	ssyncadd.s32 @!p0 $0xFFFFFE70  }
0x13c: {  	[tilespmem:s23], [sflag:$0x4] =	stream.linear.gather @!p0 [hbm4b:s17+s22], $0x190, $0x38;
	[tilespmem:$0x1AA40] =	vst v63  }
0x13d: {  	_ =	swait.ge @!p0 [sflag:s19], $0x190  }
0x13e: {  	[sflag:s19] =	ssyncset.done @!p0 $0x0  }
0x13f: {  	s17 =	simm.s32 @!p0 $0x50;
	[sflag:s19] =	ssyncadd.s32 @!p0 $0xFFFFFE70;
	s19 =	simm.s32 @!p0 $0x640  }
0x140: {  	[tilespmem:s19], [sflag:$0x1] =	stream.indirect.gather @!p0 [hbm4b:s6+s17], $0x40, s22, s17, $0xb8;
	[tilespmem:$0x1AA40] =	vst v63  }
0x141: {  	s19 =	simm.s32 @!p0 $0xCE40  }
0x142: {  	[tilespmem:s19], [sflag:$0x1] =	stream.indirect.gather @!p0 [hbm4b:s7+s17], $0x40, s23, s17, $0xb8;
	[tilespmem:$0x1AA40] =	vst v63  }
0x143: {  	s19 =	simm.s32 @!p0 $0x1A40  }
0x144: {  	[tilespmem:s19], [sflag:$0x1] =	stream.indirect.gather @!p0 [hbm4b:s6+s17], $0x40, s17, s17, $0xb8;
	[tilespmem:$0x1AA40] =	vst v63  }
0x145: {  	s22 =	simm.s32 @!p0 $0xE240;
	s19 =	simm.s32 @!p0 $0x370  }
0x146: {  	[tilespmem:s22], [sflag:$0x1] =	stream.indirect.gather @!p0 [hbm4b:s7+s17], $0x40, s19, s17, $0xb8;
	[tilespmem:$0x1AA40] =	vst v63  }
0x147: {  	s19 =	simm.s32 @!p0 $0xA0;
	s22 =	simm.s32 @!p0 $0x2E40  }
0x148: {  	[tilespmem:s22], [sflag:$0x1] =	stream.indirect.gather @!p0 [hbm4b:s6+s17], $0x40, s19, s17, $0xb8;
	[tilespmem:$0x1AA40] =	vst v63  }
0x149: {  	s19 =	simm.s32 @!p0 $0x3C0;
	s22 =	simm.s32 @!p0 $0xF640  }
0x14a: {  	[tilespmem:s22], [sflag:$0x1] =	stream.indirect.gather @!p0 [hbm4b:s7+s17], $0x40, s19, s17, $0xb8;
	[tilespmem:$0x1AA40] =	vst v63  }
0x14b: {  	s19 =	simm.s32 @!p0 $0xF0;
	s22 =	simm.s32 @!p0 $0x4240  }
0x14c: {  	[tilespmem:s22], [sflag:$0x1] =	stream.indirect.gather @!p0 [hbm4b:s6+s17], $0x40, s19, s17, $0xb8;
	[tilespmem:$0x1AA40] =	vst v63  }
0x14d: {  	s19 =	simm.s32 @!p0 $0x410;
	s22 =	simm.s32 @!p0 $0x10A40  }
0x14e: {  	[tilespmem:s22], [sflag:$0x1] =	stream.indirect.gather @!p0 [hbm4b:s7+s17], $0x40, s19, s17, $0xb8;
	[tilespmem:$0x1AA40] =	vst v63  }
0x14f: {  	s19 =	simm.s32 @!p0 $0x140;
	s22 =	simm.s32 @!p0 $0x5640  }
0x150: {  	[tilespmem:s22], [sflag:$0x1] =	stream.indirect.gather @!p0 [hbm4b:s6+s17], $0x40, s19, s17, $0xb8;
	[tilespmem:$0x1AA40] =	vst v63  }
0x151: {  	s19 =	simm.s32 @!p0 $0x460;
	s22 =	simm.s32 @!p0 $0x11E40  }
0x152: {  	[tilespmem:s22], [sflag:$0x1] =	stream.indirect.gather @!p0 [hbm4b:s7+s17], $0x40, s19, s17, $0xb8;
	[tilespmem:$0x1AA40] =	vst v63  }
0x153: {  	v6 =	vld [tilespmem:$0x1A2C0]  }
0x154: {  	v7 =	vld [tilespmem:$0x1A340]  }
0x155: {  	v4 =	vld [tilespmem:$0x1A3C0]  }
0x156: {  	v10 =	vld [tilespmem:$0x1A4C0]  }
0x157: {  	v9 =	vld [tilespmem:$0x1A540]  }
0x158: {  	v8 =	vld [tilespmem:$0x1A5C0]  }
0x159: {  	v1 =	vld [tilespmem:$0x1A6C0]  }
0x15a: {  	s25 =	simm.s32 $0x0;
	v2 =	vld [tilespmem:$0x1A740]  }
0x15b: {  	v11 =	vld [tilespmem:s25+$0x13260]  }
0x15c: {  	v12 =	vld [tilespmem:s25+$0x13240]  }
0x15d: {  	v13 =	vld [tilespmem:s25+$0x6A40]  }
0x15e: {  	v14 =	vld [tilespmem:s25+$0x13250]  }
0x15f: {  	v15 =	vld [tilespmem:s25+$0x6A50]  }
0x160: {  	v16 =	vld [tilespmem:s25+$0x6A60]  }
0x161: {  	v17 =	vld [tilespmem:s25+$0x13270]  }
0x162: {  	v18 =	vld [tilespmem:s25+$0x6A70]  }
0x163: {  	v21 =	vld [tilespmem:s25+$0x13290]  }
0x164: {  	v22 =	vld [tilespmem:s25+$0x6A90]  }
0x165: {  	v0 =	vld [tilespmem:$0x1A7C0]  }
0x166: {  	v5 =	vld [tilespmem:$0x1A640];
	v12 =	vmul.f32 v12, v13;
	v13 =	vmul.f32 v14, v15  }
0x167: {  	v3 =	vld [tilespmem:$0x1A840];
	v15 =	vmul.f32 v11, v16  }
0x168: {  	v20 =	vld [tilespmem:s25+$0x6A80];
	v11 =	vmul.f32 v12, v1;
	v19 =	vmul.f32 v13, v2  }
0x169: {  	v25 =	vld [tilespmem:s25+$0x6AA0];
	v17 =	vmul.f32 v17, v18;
	v21 =	vmul.f32 v21, v22  }
0x16a: {  	v16 =	vld [tilespmem:s25+$0x13280];
	v23 =	vmul.f32 v12, v10;
	v18 =	vadd.f32 v19, v11;
	v19 =	vmul.f32 v15, v0  }
0x16b: {  	v14 =	vld [tilespmem:s25+$0x132A0];
	v24 =	vmul.f32 v13, v9;
	v26 =	vmul.f32 v15, v8  }
0x16c: {  	v27 =	vld [tilespmem:s25+$0x132B0];
	v12 =	vmul.f32 v12, v6;
	v18 =	vadd.f32 v19, v18;
	v19 =	vmul.f32 v17, v3  }
0x16d: {  	v13 =	vmul.f32 v13, v7;
	v22 =	vmul.f32 v21, v9;
	v11 =	vld [tilespmem:$0x1A440]  }
0x16e: {  	v23 =	vadd.f32 v24, v23;
	v24 =	vmul.f32 v17, v5;
	v18 =	vadd.f32 v19, v18;
	v19 =	vld [tilespmem:s25+$0x6AB0]  }
0x16f: {  	v15 =	vmul.f32 v15, v4;
	v12 =	vadd.f32 v13, v12;
	v16 =	vmul.f32 v16, v20  }
0x170: {  	v13 =	vmul.f32 v14, v25;
	v20 =	vadd.f32 v26, v23;
	v23 =	vmul.f32 v21, v7  }
0x171: {  	v12 =	vadd.f32 v15, v12;
	v14 =	vmul.f32 v16, v10;
	v15 =	vmul.f32 v16, v6  }
0x172: {  	v16 =	vmul.f32 v16, v1;
	v17 =	vmul.f32 v17, v11  }
0x173: {  	v14 =	vadd.f32 v22, v14;
	v22 =	vmul.f32 v13, v8;
	v19 =	vmul.f32 v27, v19  }
0x174: {  	v15 =	vadd.f32 v23, v15;
	v12 =	vadd.f32 v17, v12;
	v17 =	vmul.f32 v13, v4  }
0x175: {  	v20 =	vadd.f32 v24, v20;
	v14 =	vadd.f32 v22, v14;
	v22 =	vmul.f32 v19, v5  }
0x176: {  	(xrf2) =	vadd.scan.msk.f32 $0xffff, v18;
	v15 =	vadd.f32 v17, v15;
	v17 =	vmul.f32 v21, v2;
	v23 =	vmul.f32 v19, v11  }
0x177: {  	(xrf2) =	vadd.scan.msk.f32 $0xffff, v20;
	v14 =	vadd.f32 v22, v14  }
0x178: {  	v13 =	vmul.f32 v13, v0;
	(xrf2) =	vadd.scan.msk.f32 $0xffff, v12;
	v12 =	vadd.f32 v23, v15;
	v15 =	vadd.f32 v17, v16  }
0x179: {  	(xrf2) =	vadd.scan.msk.f32 $0xffff, v14  }
0x17a: {  	v13 =	vadd.f32 v13, v15;
	v14 =	vmul.f32 v19, v3;
	(xrf2) =	vadd.scan.msk.f32 $0xffff, v12;
	_ =	sdelay $0x1  }
0x17b: {  	v12 =	vadd.f32 v14, v13;
	_ =	sdelay $0x1  }
0x17c: {  	(xrf2) =	vadd.scan.msk.f32 $0xffff, v12;
	_ =	sdelay $0x1  }
0x17d: {  	v15, _, _ =	vpop (xrf2)  }
0x17e: {  	v16, _, _ =	vpop (xrf2)  }
0x17f: {  	v13, _, _ =	vpop (xrf2)  }
0x180: {  	v14 =	vld [tilespmem:$0x1A8C0];
	v17, _, _ =	vpop (xrf2)  }
0x181: {  	v19 =	vbroadcast v13, $0xF;
	v18, _, _ =	vpop (xrf2)  }
0x182: {  	v12 =	vld [tilespmem:$0x1A940];
	v18 =	vbroadcast v18, $0xF;
	_ =	sdelay $0x1  }
0x183: {  	v16 =	vbroadcast v16, $0xF;
	v13 =	vld [tilespmem:$0x1A9C0];
	v17 =	vbroadcast v17, $0xF;
	v18 =	vsel vm0, v19, v18  }
0x184: {  	v19, _, _ =	vpop (xrf2);
	v18 =	vmul.f32 v18, v14  }
0x185: {  	v15 =	vbroadcast v15, $0xF;
	v16 =	vsel vm0, v16, v17;
	v17 =	vbroadcast v19, $0xF  }
0x186: {  	v16 =	vmul.f32 v16, v12;
	v18 =	vadd.f32 $0.0e+00, v18  }
0x187: {  	v15 =	vsel vm0, v15, v17  }
0x188: {  	v15 =	vmul.f32 v15, v13;
	v16 =	vadd.f32 v18, v16;
	_ =	sdelay $0x1  }
0x189: {  	v15 =	vadd.f32 v16, v15  }
0x18a: {  	s17 =	simm.s32 $0x19640  }
0x18b: {  	s22 =	simm.s32 $0x80;
	[tilespmem:s17+$0x0] =	vst v15  }
0x18c: {  	v16 =	vld [tilespmem:s22+$0x13260]  }
0x18d: {  	v15 =	vld [tilespmem:s22+$0x13240]  }
0x18e: {  	v17 =	vld [tilespmem:s22+$0x6A40]  }
0x18f: {  	v18 =	vld [tilespmem:s22+$0x13250]  }
0x190: {  	v20 =	vld [tilespmem:s22+$0x6A50]  }
0x191: {  	v21 =	vld [tilespmem:s22+$0x6A60];
	_ =	sdelay $0x1  }
0x192: {  	v23 =	vld [tilespmem:s22+$0x13270]  }
0x193: {  	v24 =	vld [tilespmem:s22+$0x6A70]  }
0x194: {  	v22 =	vld [tilespmem:s22+$0x13290];
	v19 =	vmul.f32 v15, v17;
	v20 =	vmul.f32 v18, v20  }
0x195: {  	v15 =	vld [tilespmem:s22+$0x132A0];
	v16 =	vmul.f32 v16, v21  }
0x196: {  	v18 =	vld [tilespmem:s22+$0x13280];
	v25 =	vmul.f32 v19, v1;
	v26 =	vmul.f32 v20, v2  }
0x197: {  	v21 =	vld [tilespmem:s22+$0x6A80]  }
0x198: {  	v17 =	vmul.f32 v23, v24;
	v23 =	vld [tilespmem:s22+$0x6A90];
	v25 =	vadd.f32 v26, v25;
	v26 =	vmul.f32 v16, v0  }
0x199: {  	v24 =	vld [tilespmem:s22+$0x6AA0];
	v27 =	vmul.f32 v19, v10;
	v28 =	vmul.f32 v20, v9  }
0x19a: {  	s19 =	simm.s32 $0x400;
	v25 =	vadd.f32 v26, v25;
	v26 =	vmul.f32 v17, v3  }
.LBB2_8:
0x19b: {  	p0 =	sne.s32 s19, $0x18E00;
	v27 =	vadd.f32 v28, v27;
	v28 =	vmul.f32 v16, v8;
	v29 =	vmul.f32 v17, v5;
	v30 =	vld [tilespmem:s22+$0x132B0]  }
0x19c: {  	v19 =	vmul.f32 v19, v6;
	v20 =	vmul.f32 v20, v7;
	v25 =	vadd.f32 v26, v25;
	v26 =	vld [tilespmem:s22+$0x6AB0]  }
0x19d: {  	v18 =	vmul.f32 v18, v21;
	v27 =	vadd.f32 v28, v27;
	v21 =	vmul.f32 v22, v23  }
0x19e: {  	v16 =	vmul.f32 v16, v4;
	v19 =	vadd.f32 v20, v19;
	v15 =	vmul.f32 v15, v24;
	(xrf2) =	vadd.scan.msk.f32 $0xffff, v25  }
0x19f: {  	v22 =	vmul.f32 v18, v10;
	v20 =	vadd.f32 v29, v27;
	v23 =	vmul.f32 v21, v9  }
0x1a0: {  	v17 =	vmul.f32 v17, v11;
	v16 =	vadd.f32 v16, v19  }
0x1a1: {  	v19 =	vmul.f32 v30, v26;
	v22 =	vadd.f32 v23, v22;
	v23 =	vmul.f32 v15, v8;
	(xrf2) =	vadd.scan.msk.f32 $0xffff, v20  }
0x1a2: {  	v16 =	vadd.f32 v17, v16;
	v17 =	vmul.f32 v18, v6;
	v20 =	vmul.f32 v21, v7  }
0x1a3: {  	v22 =	vadd.f32 v23, v22;
	v23 =	vmul.f32 v19, v5  }
0x1a4: {  	v17 =	vadd.f32 v20, v17;
	v20 =	vmul.f32 v15, v4;
	(xrf2) =	vadd.scan.msk.f32 $0xffff, v16  }
0x1a5: {  	v16 =	vmul.f32 v19, v11;
	v22 =	vadd.f32 v23, v22  }
0x1a6: {  	v17 =	vadd.f32 v20, v17;
	v23 =	vmul.f32 v18, v1;
	v20 =	vmul.f32 v21, v2  }
0x1a7: {  	(xrf2) =	vadd.scan.msk.f32 $0xffff, v22  }
0x1a8: {  	v15 =	vmul.f32 v15, v0;
	v21 =	vadd.f32 v16, v17;
	v17 =	vadd.f32 v20, v23;
	v18, _, _ =	vpop (xrf2);
	_ =	sdelay $0x1  }
0x1a9: {  	v15 =	vadd.f32 v15, v17;
	v17 =	vmul.f32 v19, v3;
	(xrf2) =	vadd.scan.msk.f32 $0xffff, v21  }
0x1aa: {  	v16, _, _ =	vpop (xrf2)  }
0x1ab: {  	v15 =	vadd.f32 v17, v15;
	_ =	sdelay $0x1  }
0x1ac: {  	v17, _, _ =	vpop (xrf2);
	(xrf2) =	vadd.scan.msk.f32 $0xffff, v15;
	_ =	sdelay $0x2  }
0x1ad: {  	v15, _, _ =	vpop (xrf2);
	_ =	sdelay $0x2  }
0x1ae: {  	v19, _, _ =	vpop (xrf2)  }
0x1af: {  	v17 =	vbroadcast v17, $0xF;
	v20 =	vbroadcast v19, $0xF;
	_ =	sdelay $0x1  }
0x1b0: {  	v16 =	vbroadcast v16, $0xF;
	v15 =	vbroadcast v15, $0xF;
	v17 =	vsel vm0, v17, v20  }
0x1b1: {  	v17 =	vmul.f32 v17, v14;
	v19, _, _ =	vpop (xrf2)  }
0x1b2: {  	v15 =	vsel vm0, v16, v15;
	v16 =	vbroadcast v18, $0xF;
	v18 =	vbroadcast v19, $0xF  }
0x1b3: {  	v15 =	vmul.f32 v15, v12;
	v17 =	vadd.f32 $0.0e+00, v17  }
0x1b4: {  	v16 =	vsel vm0, v16, v18  }
0x1b5: {  	v15 =	vadd.f32 v17, v15;
	v16 =	vmul.f32 v16, v13;
	_ =	sdelay $0x1  }
0x1b6: {  	v15 =	vadd.f32 v15, v16  }
0x1b7: {  	s17 =	sadd.s32 $0x10, s17  }
0x1b8: {  	s22 =	sshra.s32 s19, $0x2;
	[tilespmem:s17+$0x0] =	vst v15  }
0x1b9: {  	v16 =	vld [tilespmem:s22+$0x13260]  }
0x1ba: {  	v15 =	vld [tilespmem:s22+$0x13240]  }
0x1bb: {  	v17 =	vld [tilespmem:s22+$0x6A40]  }
0x1bc: {  	v18 =	vld [tilespmem:s22+$0x13250]  }
0x1bd: {  	v20 =	vld [tilespmem:s22+$0x6A50]  }
0x1be: {  	v21 =	vld [tilespmem:s22+$0x6A60];
	_ =	sdelay $0x1  }
0x1bf: {  	v23 =	vld [tilespmem:s22+$0x13270]  }
0x1c0: {  	v24 =	vld [tilespmem:s22+$0x6A70]  }
0x1c1: {  	v19 =	vmul.f32 v15, v17;
	v20 =	vmul.f32 v18, v20;
	v15 =	vld [tilespmem:s22+$0x132A0]  }
0x1c2: {  	v16 =	vmul.f32 v16, v21;
	v18 =	vld [tilespmem:s22+$0x13280]  }
.Ltmp7:
0x1c3: {  	v25 =	vmul.f32 v19, v1;
	v26 =	vmul.f32 v20, v2;
	v21 =	vld [tilespmem:s22+$0x6A80];
	(pc) =	sbr.rel @p0 .LBB2_8-.Ltmp7, $4  }
0x1c4: {  	v22 =	vld [tilespmem:s22+$0x13290]  }
0x1c5: {  	v17 =	vmul.f32 v23, v24;
	v25 =	vadd.f32 v26, v25;
	v26 =	vmul.f32 v16, v0;
	v23 =	vld [tilespmem:s22+$0x6A90]  }
0x1c6: {  	v27 =	vmul.f32 v19, v10;
	v28 =	vmul.f32 v20, v9;
	v24 =	vld [tilespmem:s22+$0x6AA0]  }
0x1c7: {  	s19 =	sadd.s32 $0x200, s19;
	v25 =	vadd.f32 v26, v25;
	v26 =	vmul.f32 v17, v3  }
0x1c8: {  	v29 =	vmul.f32 v16, v8;
	v42 =	vmul.f32 v17, v5  }
0x1c9: {  	v30 =	vld [tilespmem:s22+$0x132B0];
	v19 =	vmul.f32 v19, v6;
	v20 =	vmul.f32 v20, v7  }
0x1ca: {  	v27 =	vadd.f32 v28, v27;
	v43 =	vld [tilespmem:s22+$0x6AB0];
	v18 =	vmul.f32 v18, v21;
	v45 =	vmul.f32 v16, v4  }
0x1cb: {  	v47 =	vmul.f32 v17, v11;
	v25 =	vadd.f32 v26, v25;
	v22 =	vmul.f32 v22, v23  }
0x1cc: {  	v44 =	vadd.f32 v29, v27;
	v10 =	vmul.f32 v18, v10;
	v48 =	vmul.f32 v18, v6  }
0x1cd: {  	v19 =	vadd.f32 v20, v19;
	v15 =	vmul.f32 v15, v24;
	v9 =	vmul.f32 v22, v9  }
0x1ce: {  	v1 =	vmul.f32 v18, v1;
	v46 =	vadd.f32 v42, v44;
	v49 =	vmul.f32 v22, v7  }
0x1cf: {  	v50 =	vmul.f32 v30, v43;
	v51 =	vmul.f32 v15, v8;
	v9 =	vadd.f32 v9, v10  }
0x1d0: {  	v16 =	vadd.f32 v45, v19;
	v53 =	vmul.f32 v15, v4;
	v6 =	vadd.f32 v49, v48  }
0x1d1: {  	v2 =	vmul.f32 v22, v2;
	v55 =	vmul.f32 v50, v5;
	v54 =	vadd.f32 v51, v9  }
0x1d2: {  	(xrf2) =	vadd.scan.msk.f32 $0xffff, v25;
	v52 =	vadd.f32 v47, v16;
	v56 =	vmul.f32 v50, v11;
	v4 =	vadd.f32 v53, v6  }
0x1d3: {  	(xrf2) =	vadd.scan.msk.f32 $0xffff, v46;
	v5 =	vadd.f32 v55, v54  }
0x1d4: {  	v0 =	vmul.f32 v15, v0;
	v1 =	vadd.f32 v2, v1;
	(xrf2) =	vadd.scan.msk.f32 $0xffff, v52;
	v4 =	vadd.f32 v56, v4  }
0x1d5: {  	(xrf2) =	vadd.scan.msk.f32 $0xffff, v5  }
0x1d6: {  	v57 =	vmul.f32 v50, v3;
	v0 =	vadd.f32 v0, v1;
	(xrf2) =	vadd.scan.msk.f32 $0xffff, v4;
	_ =	sdelay $0x1  }
0x1d7: {  	v0 =	vadd.f32 v57, v0;
	_ =	sdelay $0x1  }
0x1d8: {  	(xrf2) =	vadd.scan.msk.f32 $0xffff, v0;
	_ =	sdelay $0x1  }
0x1d9: {  	v58, _, _ =	vpop (xrf2)  }
0x1da: {  	v59, _, _ =	vpop (xrf2)  }
0x1db: {  	v60, _, _ =	vpop (xrf2)  }
0x1dc: {  	v61, _, _ =	vpop (xrf2)  }
0x1dd: {  	v4, _, _ =	vpop (xrf2)  }
0x1de: {  	v2 =	vbroadcast v60, $0xF;
	v4 =	vbroadcast v4, $0xF;
	_ =	sdelay $0x1  }
0x1df: {  	v1 =	vbroadcast v59, $0xF;
	v3 =	vbroadcast v61, $0xF;
	v2 =	vsel vm0, v2, v4  }
0x1e0: {  	v62, _, _ =	vpop (xrf2);
	v2 =	vmul.f32 v2, v14  }
0x1e1: {  	v0 =	vbroadcast v58, $0xF;
	v1 =	vsel vm0, v1, v3;
	v63 =	vbroadcast v62, $0xF  }
0x1e2: {  	v1 =	vmul.f32 v1, v12;
	v2 =	vadd.f32 $0.0e+00, v2  }
0x1e3: {  	v0 =	vsel vm0, v0, v63  }
0x1e4: {  	s3 =	smul.u32 $0xC80, s3;
	v0 =	vmul.f32 v0, v13;
	v1 =	vadd.f32 v2, v1;
	_ =	sdelay $0x1  }
0x1e5: {  	s3 =	sshrl.u32 s3, $0x3;
	v0 =	vadd.f32 v1, v0  }
0x1e6: {  	s17 =	sadd.s32 $0x10, s17;
	s3 =	sadd.s32 s4, s3  }
.Ltmp8:
0x1e7: {  	s3 =	sadd.s32 $0x190, s3;
	[tilespmem:s17+$0x0] =	vst v0;
	(pc) =	sbr.rel .LBB2_10-.Ltmp8, $4  }
0x1e8: {  	[hbm4b:s3+s5] =	stream.linear.scatter [tilespmem:s28], [sflag:$0x3], $0xC80, $0x38;
	[tilespmem:$0x1AA40] =	vst v63  }
0x1e9: {  	_ =	swait.ge [sflag:s18], $0xC80  }
0x1ea: {  	[sflag:s18] =	ssyncset.done $0x0  }
0x1eb: {  	[sflag:s18] =	ssyncadd.s32 $0xFFFFF380  }
.LBB2_12:
0x1ec: {  	_ =	sfence.sel $0x180000  }
0x1ed: {  	[bflag:$0x0] =	sbarrier.arrive $0xFFFF  }
0x1ee: {  	_ =	strace $0x90000047  }
0x1ef: {  	s0 =	stileid.u32;
	[bflag:$0x2] =	sbarrier.arrive $0xFFFF  }
0x1f0: {  	p0 =	sne.s32 s0, $0x0;
	s0 =	rddreg [dreg:$0x4]  }
0x1f1: {  	s0 =	sadd.s32 @!p0 $0x100000, s0  }
0x1f2: {  	[sflag:s0] =	ssyncadd.tile.s32 @!p0 $0x1;
	_ =	shalt  }
.Lfunc_end2:
_tile_overlayer_lowered:
.L_overlay_start_2:
0x1f3: {  	(tag) =	ssettag $0x2  }
0x1f4: {  	s0 =	rddreg [dreg:$0x0];
	s2 =	stileid.u32  }
0x1f5: {  	s1 =	rddreg [dreg:$0x1];
	p0 =	sne.s32 s2, $0x0  }
0x1f6: {  	s3 =	rddreg [dreg:$0x2];
	[bflag:$0x3] =	sbarrier.arrive $0xFFFF;
	s2 =	simm.s32 @!p0 $0x1C03  }
0x1f7: {  	[timem:s3], [sflag:s2] =	dma.local @!p0 [hbm:s0], s1  }
0x1f8: {  	s0 =	simm.s32 @!p0 $0x3  }
0x1f9: {  	_ =	swait.ge @!p0 [sflag:s0], s1  }
0x1fa: {  	s1 =	ssub.s32 @!p0 $0x0, s1;
	[sflag:s0] =	ssyncset.done @!p0 $0x0  }
0x1fb: {  	[sflag:s0] =	ssyncadd.s32 @!p0 s1  }
0x1fc: {  	[bflag:$0x3] =	sbarrier.arrive $0xFFFF  }
0x1fd: {  	_ =	shalt  }

</sc_bundles>
